<compile_context>
chip_gen: v7x
topology: tpu7x:2x2x1
jax: 0.10.2.dev20260603
libtpu: 0.0.44.dev20260713+nightly
codegen_flags: <defaults>
</compile_context>

<pallas_src>
import jax
import jax.numpy as jnp
from jax import lax
from jax.experimental import pallas as pl
from jax.experimental.pallas import tpu as pltpu
from jax.experimental.pallas import tpu_sc as plsc

N = 10000
E = 320000
D = 128

NC, NS, L = 2, 16, 16
NW = NC * NS
EPT = E // NW
CH = 100
NCHUNK = EPT // CH
HCH = NCHUNK // 2
NPAD = 10240
RPT = NPAD // NS
BM = 1000
GRID = N // BM

_MESH = plsc.VectorSubcoreMesh(
    core_axis_name="c", subcore_axis_name="s", num_cores=NC, num_subcores=NS
)


def _fill1(ref, n, val):
    def body(i, _):
        ref[pl.ds(i * L, L)] = jnp.full((L,), val, jnp.float32)
        return 0
    lax.fori_loop(0, n // L, body, 0)


def _fill2(ref, rows, val):
    def body(i, _):
        for k in range(8):
            ref[i, pl.ds(k * L, L)] = jnp.full((L,), val, jnp.float32)
        return 0
    lax.fori_loop(0, rows, body, 0)



DCH = 125
DNCH = EPT // DCH


def _deg_body(dst_hbm, deg_out, dstv, ones, zbuf, deg_sh, sem):
    c = lax.axis_index("c")
    s = lax.axis_index("s")
    wid = c * NS + s
    pltpu.async_copy(dst_hbm.at[wid], dstv, sem)
    _fill1(zbuf, RPT, 0.0)
    pltpu.sync_copy(zbuf, deg_sh.at[pl.ds(s * RPT, RPT)])
    _fill1(ones, 128, 1.0)
    pltpu.make_async_copy(dst_hbm.at[wid], dstv, sem).wait()
    plsc.subcore_barrier()

    def chunk(j, _):
        pltpu.async_copy(ones.at[pl.ds(0, DCH)],
                         deg_sh.at[dstv.at[j]], sem, add=True)
        return 0
    lax.fori_loop(0, DNCH, chunk, 0)

    def drain(j, _):
        pltpu.make_async_copy(ones.at[pl.ds(0, DCH)],
                              deg_sh.at[dstv.at[0]], sem).wait()
        return 0
    lax.fori_loop(0, DNCH, drain, 0)
    plsc.subcore_barrier()
    pltpu.sync_copy(deg_sh.at[pl.ds(s * RPT, RPT)],
                    deg_out.at[c, pl.ds(s * RPT, RPT)])


_deg_call = pl.kernel(
    _deg_body,
    out_type=jax.ShapeDtypeStruct((NC, NPAD), jnp.float32),
    mesh=_MESH,
    scratch_types=[
        pltpu.VMEM((DNCH, DCH), jnp.int32),
        pltpu.VMEM((128,), jnp.float32),
        pltpu.VMEM((RPT,), jnp.float32),
        pltpu.VMEM_SHARED((NPAD,), jnp.float32),
        pltpu.SemaphoreType.DMA,
    ],
)



def _agg_body(g_hbm, src_hbm, dst_hbm, dum_hbm, agg_out,
              srcv, dstv, rows_a, rows_b, agg_sh, sem_a, sem_b):
    c = lax.axis_index("c")
    s = lax.axis_index("s")
    wid = c * NS + s
    zrem = RPT - CH * (RPT // CH)
    pltpu.async_copy(src_hbm.at[wid], srcv, sem_b)
    pltpu.async_copy(dst_hbm.at[wid, 0], dstv, sem_b)
    _fill2(rows_a, CH, 0.0)
    for k in range(RPT // CH):
        pltpu.async_copy(rows_a, agg_sh.at[pl.ds(s * RPT + k * CH, CH)],
                         sem_a)
    pltpu.async_copy(rows_a.at[pl.ds(0, zrem)],
                     agg_sh.at[pl.ds(s * RPT + CH * (RPT // CH), zrem)],
                     sem_a)
    pltpu.make_async_copy(src_hbm.at[wid], srcv, sem_b).wait()
    pltpu.make_async_copy(dst_hbm.at[wid, 0], dstv, sem_b).wait()
    for k in range(RPT // CH):
        pltpu.make_async_copy(rows_a, agg_sh.at[pl.ds(s * RPT + k * CH, CH)],
                              sem_a).wait()
    pltpu.make_async_copy(rows_a.at[pl.ds(0, zrem)],
                          agg_sh.at[pl.ds(s * RPT + CH * (RPT // CH), zrem)],
                          sem_a).wait()
    plsc.subcore_barrier()

    def gather(j, rows, sem):
        pltpu.async_copy(g_hbm.at[srcv.at[j]], rows, sem)

    def wait(rows, sem):
        pltpu.make_async_copy(dum_hbm, rows, sem).wait()

    gather(0, rows_a, sem_a)

    def chunk_pair(h):
        def body(t, _):
            j0 = h * HCH + 2 * t
            gather(j0 + 1, rows_b, sem_b)
            wait(rows_a, sem_a)
            pltpu.sync_copy(rows_a, agg_sh.at[dstv.at[2 * t]], add=True)
            gather(j0 + 2, rows_a, sem_a)
            wait(rows_b, sem_b)
            pltpu.sync_copy(rows_b, agg_sh.at[dstv.at[2 * t + 1]], add=True)
            return 0
        return body

    lax.fori_loop(0, HCH // 2, chunk_pair(0), 0)
    pltpu.sync_copy(dst_hbm.at[wid, 1], dstv)
    lax.fori_loop(0, HCH // 2 - 1, chunk_pair(1), 0)
    gather(NCHUNK - 1, rows_b, sem_b)
    wait(rows_a, sem_a)
    pltpu.sync_copy(rows_a, agg_sh.at[dstv.at[HCH - 2]], add=True)
    wait(rows_b, sem_b)
    pltpu.sync_copy(rows_b, agg_sh.at[dstv.at[HCH - 1]], add=True)

    plsc.subcore_barrier()
    pltpu.sync_copy(agg_sh.at[pl.ds(s * RPT, RPT)],
                    agg_out.at[c, pl.ds(s * RPT, RPT)])


_agg_call = pl.kernel(
    _agg_body,
    out_type=jax.ShapeDtypeStruct((NC, NPAD, D), jnp.float32),
    mesh=_MESH,
    scratch_types=[
        pltpu.VMEM((NCHUNK, CH), jnp.int32),
        pltpu.VMEM((HCH, CH), jnp.int32),
        pltpu.VMEM((CH, D), jnp.float32),
        pltpu.VMEM((CH, D), jnp.float32),
        pltpu.VMEM_SHARED((NPAD, D), jnp.float32),
        pltpu.SemaphoreType.DMA,
        pltpu.SemaphoreType.DMA,
    ],
)



def _mm1_body(x_ref, w1_ref, h1_ref):
    h1_ref[...] = jnp.dot(
        x_ref[...], w1_ref[...], preferred_element_type=jnp.float32)


def _mm1(x, W1):
    return pl.pallas_call(
        _mm1_body,
        grid=(GRID,),
        in_specs=[
            pl.BlockSpec((BM, D), lambda i: (i, 0)),
            pl.BlockSpec((D, D), lambda i: (0, 0)),
        ],
        out_specs=pl.BlockSpec((BM, D), lambda i: (i, 0)),
        out_shape=jax.ShapeDtypeStruct((N, D), jnp.float32),
    )(x, W1)


def _mid_body(agg_ref, g1_ref, deg_ref, b1_ref, w2_ref, g2_ref):
    a = agg_ref[0] + agg_ref[1]
    dinv = lax.rsqrt(deg_ref[...])
    c1 = jnp.maximum(dinv * (a + g1_ref[...]) + b1_ref[...], 0.0)
    g2_ref[...] = dinv * jnp.dot(
        c1, w2_ref[...], preferred_element_type=jnp.float32)


def _mid(agg1, g1, degc, b12, W2):
    return pl.pallas_call(
        _mid_body,
        grid=(GRID,),
        in_specs=[
            pl.BlockSpec((NC, BM, D), lambda i: (0, i, 0)),
            pl.BlockSpec((BM, D), lambda i: (i, 0)),
            pl.BlockSpec((BM, 1), lambda i: (i, 0)),
            pl.BlockSpec((1, D), lambda i: (0, 0)),
            pl.BlockSpec((D, D), lambda i: (0, 0)),
        ],
        out_specs=pl.BlockSpec((BM, D), lambda i: (i, 0)),
        out_shape=jax.ShapeDtypeStruct((N, D), jnp.float32),
    )(agg1, g1, degc, b12, W2)


def _out_body(agg_ref, g2_ref, deg_ref, b2_ref, x_ref, wfc_ref, bfc_ref,
              out_ref):
    a = agg_ref[0] + agg_ref[1]
    res = jnp.dot(
        x_ref[...], wfc_ref[...], preferred_element_type=jnp.float32
    ) + bfc_ref[...]
    out_ref[...] = jnp.maximum(
        lax.rsqrt(deg_ref[...]) * (a + g2_ref[...]) + b2_ref[...], 0.0) + res


def _outk(agg2, g2, degc, b22, x, Wfc, bfc2):
    return pl.pallas_call(
        _out_body,
        grid=(GRID,),
        in_specs=[
            pl.BlockSpec((NC, BM, D), lambda i: (0, i, 0)),
            pl.BlockSpec((BM, D), lambda i: (i, 0)),
            pl.BlockSpec((BM, 1), lambda i: (i, 0)),
            pl.BlockSpec((1, D), lambda i: (0, 0)),
            pl.BlockSpec((BM, D), lambda i: (i, 0)),
            pl.BlockSpec((D, D), lambda i: (0, 0)),
            pl.BlockSpec((1, D), lambda i: (0, 0)),
        ],
        out_specs=pl.BlockSpec((BM, D), lambda i: (i, 0)),
        out_shape=jax.ShapeDtypeStruct((N, D), jnp.float32),
    )(agg2, g2, degc, b22, x, Wfc, bfc2)



@jax.jit
def _run(x, edge_index, W1, b1, W2, b2, Wfc, bfc):
    src = edge_index[0].reshape(NW, NCHUNK, CH)
    dst = edge_index[1].reshape(NW, 2, HCH, CH)
    dstd = edge_index[1].reshape(NW, DNCH, DCH)

    deg_parts = _deg_call(dstd)
    h1 = _mm1(x, W1)
    degc = (deg_parts[0, :N] + deg_parts[1, :N] + 1.0).reshape(N, 1)

    g1 = lax.rsqrt(degc) * h1
    dum = jnp.zeros((CH, D), jnp.float32)
    agg1 = _agg_call(g1, src, dst, dum)
    g2 = _mid(agg1, g1, degc, b1.reshape(1, D), W2)
    agg2 = _agg_call(g2, src, dst, dum)
    return _outk(agg2, g2, degc, b2.reshape(1, D), x, Wfc,
                 bfc.reshape(1, D))


def kernel(x, edge_index, W1, b1, W2, b2, Wfc, bfc):
    return _run(x, edge_index, W1, b1, W2, b2, Wfc, bfc)

# --- scband reference (transcript-rebuilt; emitter-appended) ---
"""Pipeline reference for scband-encoder-12017318494790 (READ-ONLY COPY).

The authoritative reference and input builder live on the scoring server;
editing this copy changes nothing except your own understanding.
"""

import jax, jax.numpy as jnp
import numpy as np

N = 10000
E = 320000
D = 128


def setup_inputs(seed: int = 0) -> dict:
    key = jax.random.key(seed)
    ks = jax.random.split(key, 8)
    x = jax.random.normal(ks[0], (N, D), dtype=jnp.float32)
    edge_index = jax.random.randint(ks[1], (2, E), 0, N, dtype=jnp.int32)
    s = 1.0 / np.sqrt(D)
    W1 = jax.random.uniform(ks[2], (D, D), dtype=jnp.float32, minval=-s, maxval=s)
    b1 = jnp.zeros((D,), dtype=jnp.float32)
    W2 = jax.random.uniform(ks[3], (D, D), dtype=jnp.float32, minval=-s, maxval=s)
    b2 = jnp.zeros((D,), dtype=jnp.float32)
    Wfc = jax.random.uniform(ks[4], (D, D), dtype=jnp.float32, minval=-s, maxval=s)
    bfc = jax.random.uniform(ks[5], (D,), dtype=jnp.float32, minval=-s, maxval=s)
    return {"x": x, "edge_index": edge_index, "W1": W1, "b1": b1, "W2": W2, "b2": b2, "Wfc": Wfc, "bfc": bfc}


def _gcn_conv(x, edge_index, W, b):
    # PyG GCNConv: add self-loops, symmetric normalization, linear transform, scatter-add aggregation
    n = x.shape[0]
    loop = jnp.arange(n, dtype=edge_index.dtype)
    src = jnp.concatenate([edge_index[0], loop])
    dst = jnp.concatenate([edge_index[1], loop])
    deg = jnp.zeros((n,), dtype=x.dtype).at[dst].add(1.0)
    dinv = jnp.where(deg > 0, deg ** -0.5, 0.0)
    norm = dinv[src] * dinv[dst]
    h = x @ W
    msg = jnp.take(h, src, axis=0) * norm[:, None]
    out = jnp.zeros((n, h.shape[1]), dtype=h.dtype).at[dst].add(msg)
    return out + b


def reference(x, edge_index, W1, b1, W2, b2, Wfc, bfc):
    res = x @ Wfc + bfc          # self.fc(x)
    h = _gcn_conv(x, edge_index, W1, b1)   # conv[0]
    h = jax.nn.relu(h)                      # activation
    h = _gcn_conv(h, edge_index, W2, b2)   # conv[1]
    h = jax.nn.relu(h)                      # activation
    return h + res

if __name__ == "__main__":
    import jax
    _d = setup_inputs()
    print(jax.jit(kernel)(*tuple(_d.values())))

</pallas_src>

<mosaic_0001>
#map = affine_map<(d0, d1) -> (0, 0, 0)>
#map1 = affine_map<(d0, d1) -> (0, 0)>
module attributes {stable_mosaic.version = 14 : i64} {
  func.func @_deg_body(%arg0: i32, %arg1: i32, %arg2: memref<32x80x125xi32, #tpu.memory_space<hbm>>, %arg3: memref<2x10240xf32, #tpu.memory_space<hbm>>, %arg4: memref<80x125xi32, #tpu.memory_space<vmem>>, %arg5: memref<128xf32, #tpu.memory_space<vmem>>, %arg6: memref<640xf32, #tpu.memory_space<vmem>>, %arg7: memref<10240xf32, #tpu.memory_space<vmem_shared>>, %arg8: memref<!tpu.dma_semaphore, #tpu.memory_space<semaphore_mem>>) attributes {dimension_semantics = [#tpu.dimension_semantics<core_parallel>, #tpu.dimension_semantics<subcore_parallel>], iteration_bounds = array<i64: 2, 16>, scalar_prefetch = 0 : i64, scratch_operands = 5 : i64, tpu.core_type = #tpu.core_type<sc_vector_subcore>, window_params = [{transform_indices = #map}, {transform_indices = #map1}]} {
    %mul3A = arith.constant 16 : i32
    %mul3A_0 = arith.muli %arg0, %mul3A : i32
    %add3A = arith.addi %mul3A_0, %arg1 : i32
    %dma_start3A = arith.constant 0 : i32
    %dma_start3A_1 = arith.constant 0 : i32
    %dma_start3A_2 = tpu.memref_slice %arg2[%add3A, %dma_start3A, %dma_start3A_1] : memref<32x80x125xi32, #tpu.memory_space<hbm>> -> memref<1x80x125xi32, #tpu.memory_space<hbm>>
    %dma_start3A_3 = tpu.memref_squeeze %dma_start3A_2 : memref<1x80x125xi32, #tpu.memory_space<hbm>> -> memref<80x125xi32, #tpu.memory_space<hbm>>
    %dma_start3A_4 = arith.constant 0 : i32
    %dma_start3A_5 = arith.constant 0 : i32
    %dma_start3A_6 = tpu.memref_slice %arg2[%add3A, %dma_start3A_4, %dma_start3A_5] : memref<32x80x125xi32, #tpu.memory_space<hbm>> -> memref<1x80x125xi32, #tpu.memory_space<hbm>>
    %dma_start3A_7 = tpu.memref_squeeze %dma_start3A_6 : memref<1x80x125xi32, #tpu.memory_space<hbm>> -> memref<80x125xi32, #tpu.memory_space<hbm>>
    tpu.enqueue_dma source(%dma_start3A_7 : memref<80x125xi32, #tpu.memory_space<hbm>>) target(%arg4 : memref<80x125xi32, #tpu.memory_space<vmem>>) target_semaphore(%arg8 : memref<!tpu.dma_semaphore, #tpu.memory_space<semaphore_mem>>)
    %scan3A = arith.constant 0 : i32
    %scan3A_8 = arith.constant 0 : i32
    %scan3A_9 = arith.constant 40 : i32
    %scan3A_10 = arith.addi %scan3A_8, %scan3A_9 : i32
    %scan3A_11 = arith.constant 1 : i32
    %scan3A_12 = scf.for %scan3A_49 = %scan3A_8 to %scan3A_10 step %scan3A_11 iter_args(%scan3A_50 = %scan3A) -> (i32)  : i32 {
      %broadcast_in_dim3A = arith.constant 0.000000e+00 : f32
      %broadcast_in_dim3A_51 = vector.broadcast %broadcast_in_dim3A : f32 to vector<16xf32>
      %mul3A_52 = arith.constant 16 : i32
      %mul3A_53 = arith.muli %scan3A_49, %mul3A_52 : i32
      %swap3A = arith.index_cast %mul3A_53 : i32 to index
      %swap3A_54 = tpu.vector_load %arg6[%swap3A] {strides = array<i32>} : memref<640xf32, #tpu.memory_space<vmem>>, vector<16xf32>,
      %swap3A_55 = vector.shape_cast %swap3A_54 : vector<16xf32> to vector<16xf32>
      %swap3A_56 = vector.shape_cast %broadcast_in_dim3A_51 : vector<16xf32> to vector<16xf32>
      tpu.vector_store %arg6[%swap3A], %swap3A_56 {strides = array<i32>} : memref<640xf32, #tpu.memory_space<vmem>>, vector<16xf32>,
      %scan3A_57 = arith.constant 0 : i32
      scf.yield %scan3A_57 : i32
    }
    %scan3A_13 = arith.constant 40 : i32
    %mul3A_14 = arith.constant 640 : i32
    %mul3A_15 = arith.muli %arg1, %mul3A_14 : i32
    "tpu.region"() ({
      %run_scoped3A = tpu.sem_alloc : memref<!tpu.dma_semaphore, #tpu.memory_space<semaphore_mem>>
      %dma_start3A_49 = tpu.memref_slice %arg7[%mul3A_15] : memref<10240xf32, #tpu.memory_space<vmem_shared>> -> memref<640xf32, #tpu.memory_space<vmem_shared>>
      %dma_start3A_50 = tpu.memref_slice %arg7[%mul3A_15] : memref<10240xf32, #tpu.memory_space<vmem_shared>> -> memref<640xf32, #tpu.memory_space<vmem_shared>>
      tpu.enqueue_dma source(%arg6 : memref<640xf32, #tpu.memory_space<vmem>>) target(%dma_start3A_50 : memref<640xf32, #tpu.memory_space<vmem_shared>>) target_semaphore(%run_scoped3A : memref<!tpu.dma_semaphore, #tpu.memory_space<semaphore_mem>>)
      %dma_wait3A_51 = tpu.memref_slice %arg7[%mul3A_15] : memref<10240xf32, #tpu.memory_space<vmem_shared>> -> memref<640xf32, #tpu.memory_space<vmem_shared>>
      %dma_wait3A_52 = tpu.memref_slice %arg7[%mul3A_15] : memref<10240xf32, #tpu.memory_space<vmem_shared>> -> memref<640xf32, #tpu.memory_space<vmem_shared>>
      tpu.wait_dma2 semaphore(%run_scoped3A : memref<!tpu.dma_semaphore, #tpu.memory_space<semaphore_mem>>) src(%arg6 : memref<640xf32, #tpu.memory_space<vmem>>) dst(%dma_wait3A_52 : memref<640xf32, #tpu.memory_space<vmem_shared>>)
      tpu.yield
    }) : () -> ()
    %scan3A_16 = arith.constant 0 : i32
    %scan3A_17 = arith.constant 0 : i32
    %scan3A_18 = arith.constant 8 : i32
    %scan3A_19 = arith.addi %scan3A_17, %scan3A_18 : i32
    %scan3A_20 = arith.constant 1 : i32
    %scan3A_21 = scf.for %scan3A_49 = %scan3A_17 to %scan3A_19 step %scan3A_20 iter_args(%scan3A_50 = %scan3A_16) -> (i32)  : i32 {
      %broadcast_in_dim3A = arith.constant 1.000000e+00 : f32
      %broadcast_in_dim3A_51 = vector.broadcast %broadcast_in_dim3A : f32 to vector<16xf32>
      %mul3A_52 = arith.constant 16 : i32
      %mul3A_53 = arith.muli %scan3A_49, %mul3A_52 : i32
      %swap3A = arith.index_cast %mul3A_53 : i32 to index
      %swap3A_54 = tpu.vector_load %arg5[%swap3A] {strides = array<i32>} : memref<128xf32, #tpu.memory_space<vmem>>, vector<16xf32>,
      %swap3A_55 = vector.shape_cast %swap3A_54 : vector<16xf32> to vector<16xf32>
      %swap3A_56 = vector.shape_cast %broadcast_in_dim3A_51 : vector<16xf32> to vector<16xf32>
      tpu.vector_store %arg5[%swap3A], %swap3A_56 {strides = array<i32>} : memref<128xf32, #tpu.memory_space<vmem>>, vector<16xf32>,
      %scan3A_57 = arith.constant 0 : i32
      scf.yield %scan3A_57 : i32
    }
    %scan3A_22 = arith.constant 8 : i32
    %dma_wait3A = arith.constant 0 : i32
    %dma_wait3A_23 = arith.constant 0 : i32
    %dma_wait3A_24 = tpu.memref_slice %arg2[%add3A, %dma_wait3A, %dma_wait3A_23] : memref<32x80x125xi32, #tpu.memory_space<hbm>> -> memref<1x80x125xi32, #tpu.memory_space<hbm>>
    %dma_wait3A_25 = tpu.memref_squeeze %dma_wait3A_24 : memref<1x80x125xi32, #tpu.memory_space<hbm>> -> memref<80x125xi32, #tpu.memory_space<hbm>>
    %dma_wait3A_26 = arith.constant 0 : i32
    %dma_wait3A_27 = arith.constant 0 : i32
    %dma_wait3A_28 = tpu.memref_slice %arg2[%add3A, %dma_wait3A_26, %dma_wait3A_27] : memref<32x80x125xi32, #tpu.memory_space<hbm>> -> memref<1x80x125xi32, #tpu.memory_space<hbm>>
    %dma_wait3A_29 = tpu.memref_squeeze %dma_wait3A_28 : memref<1x80x125xi32, #tpu.memory_space<hbm>> -> memref<80x125xi32, #tpu.memory_space<hbm>>
    tpu.wait_dma2 semaphore(%arg8 : memref<!tpu.dma_semaphore, #tpu.memory_space<semaphore_mem>>) src(%dma_wait3A_29 : memref<80x125xi32, #tpu.memory_space<hbm>>) dst(%arg4 : memref<80x125xi32, #tpu.memory_space<vmem>>)
    %barrier3A = arith.constant 0 : index
    tpu.barrier barrier_id(%barrier3A)
    %scan3A_30 = arith.constant 0 : i32
    %scan3A_31 = arith.constant 0 : i32
    %scan3A_32 = arith.constant 80 : i32
    %scan3A_33 = arith.addi %scan3A_31, %scan3A_32 : i32
    %scan3A_34 = arith.constant 1 : i32
    %scan3A_35 = scf.for %scan3A_49 = %scan3A_31 to %scan3A_33 step %scan3A_34 iter_args(%scan3A_50 = %scan3A_30) -> (i32)  : i32 {
      %dma_start3A_51 = arith.constant 0 : i32
      %dma_start3A_52 = tpu.memref_slice %arg5[%dma_start3A_51] : memref<128xf32, #tpu.memory_space<vmem>> -> memref<125xf32, #tpu.memory_space<vmem>>
      %dma_start3A_53 = arith.constant 0 : i32
      %dma_start3A_54 = tpu.memref_slice %arg4[%scan3A_49, %dma_start3A_53] : memref<80x125xi32, #tpu.memory_space<vmem>> -> memref<1x125xi32, #tpu.memory_space<vmem>>
      %dma_start3A_55 = tpu.memref_squeeze %dma_start3A_54 : memref<1x125xi32, #tpu.memory_space<vmem>> -> memref<125xi32, #tpu.memory_space<vmem>>
      %dma_start3A_56 = arith.constant 0 : i32
      %dma_start3A_57 = tpu.memref_slice %arg7[%dma_start3A_56] : memref<10240xf32, #tpu.memory_space<vmem_shared>> -> memref<10240xf32, #tpu.memory_space<vmem_shared>>
      tpu.enqueue_indirect_dma source(%dma_start3A_52 : memref<125xf32, #tpu.memory_space<vmem>>) target(%dma_start3A_57 : memref<10240xf32, #tpu.memory_space<vmem_shared>>) offsets(%dma_start3A_55 : memref<125xi32, #tpu.memory_space<vmem>>) semaphore(%arg8 : memref<!tpu.dma_semaphore, #tpu.memory_space<semaphore_mem>>) {add = true}
      %scan3A_58 = arith.constant 0 : i32
      scf.yield %scan3A_58 : i32
    }
    %scan3A_36 = arith.constant 80 : i32
    %scan3A_37 = arith.constant 0 : i32
    %scan3A_38 = arith.constant 0 : i32
    %scan3A_39 = arith.constant 80 : i32
    %scan3A_40 = arith.addi %scan3A_38, %scan3A_39 : i32
    %scan3A_41 = arith.constant 1 : i32
    %scan3A_42 = scf.for %scan3A_49 = %scan3A_38 to %scan3A_40 step %scan3A_41 iter_args(%scan3A_50 = %scan3A_37) -> (i32)  : i32 {
      %dma_wait3A_51 = arith.constant 0 : i32
      %dma_wait3A_52 = arith.constant 0 : i32
      %dma_wait3A_53 = tpu.memref_slice %arg5[%dma_wait3A_52] : memref<128xf32, #tpu.memory_space<vmem>> -> memref<125xf32, #tpu.memory_space<vmem>>
      %dma_wait3A_54 = arith.constant 0 : i32
      %dma_wait3A_55 = tpu.memref_slice %arg4[%dma_wait3A_51, %dma_wait3A_54] : memref<80x125xi32, #tpu.memory_space<vmem>> -> memref<1x125xi32, #tpu.memory_space<vmem>>
      %dma_wait3A_56 = tpu.memref_squeeze %dma_wait3A_55 : memref<1x125xi32, #tpu.memory_space<vmem>> -> memref<125xi32, #tpu.memory_space<vmem>>
      %dma_wait3A_57 = arith.constant 0 : i32
      %dma_wait3A_58 = tpu.memref_slice %arg7[%dma_wait3A_57] : memref<10240xf32, #tpu.memory_space<vmem_shared>> -> memref<10240xf32, #tpu.memory_space<vmem_shared>>
      tpu.wait_indirect_dma semaphore(%arg8 : memref<!tpu.dma_semaphore, #tpu.memory_space<semaphore_mem>>) src(%dma_wait3A_53 : memref<125xf32, #tpu.memory_space<vmem>>) dst(%dma_wait3A_58 : memref<10240xf32, #tpu.memory_space<vmem_shared>>)
      %scan3A_59 = arith.constant 0 : i32
      scf.yield %scan3A_59 : i32
    }
    %scan3A_43 = arith.constant 80 : i32
    %barrier3A_44 = arith.constant 0 : index
    tpu.barrier barrier_id(%barrier3A_44)
    %mul3A_45 = arith.constant 640 : i32
    %mul3A_46 = arith.muli %arg1, %mul3A_45 : i32
    %mul3A_47 = arith.constant 640 : i32
    %mul3A_48 = arith.muli %arg1, %mul3A_47 : i32
    "tpu.region"() ({
      %run_scoped3A = tpu.sem_alloc : memref<!tpu.dma_semaphore, #tpu.memory_space<semaphore_mem>>
      %dma_start3A_49 = tpu.memref_slice %arg3[%arg0, %mul3A_48] : memref<2x10240xf32, #tpu.memory_space<hbm>> -> memref<1x640xf32, #tpu.memory_space<hbm>>
      %dma_start3A_50 = tpu.memref_squeeze %dma_start3A_49 : memref<1x640xf32, #tpu.memory_space<hbm>> -> memref<640xf32, #tpu.memory_space<hbm>>
      %dma_start3A_51 = tpu.memref_slice %arg7[%mul3A_46] : memref<10240xf32, #tpu.memory_space<vmem_shared>> -> memref<640xf32, #tpu.memory_space<vmem_shared>>
      tpu.enqueue_dma source(%dma_start3A_51 : memref<640xf32, #tpu.memory_space<vmem_shared>>) target(%dma_start3A_50 : memref<640xf32, #tpu.memory_space<hbm>>) target_semaphore(%run_scoped3A : memref<!tpu.dma_semaphore, #tpu.memory_space<semaphore_mem>>)
      %dma_wait3A_52 = tpu.memref_slice %arg3[%arg0, %mul3A_48] : memref<2x10240xf32, #tpu.memory_space<hbm>> -> memref<1x640xf32, #tpu.memory_space<hbm>>
      %dma_wait3A_53 = tpu.memref_squeeze %dma_wait3A_52 : memref<1x640xf32, #tpu.memory_space<hbm>> -> memref<640xf32, #tpu.memory_space<hbm>>
      %dma_wait3A_54 = tpu.memref_slice %arg7[%mul3A_46] : memref<10240xf32, #tpu.memory_space<vmem_shared>> -> memref<640xf32, #tpu.memory_space<vmem_shared>>
      tpu.wait_dma2 semaphore(%run_scoped3A : memref<!tpu.dma_semaphore, #tpu.memory_space<semaphore_mem>>) src(%dma_wait3A_54 : memref<640xf32, #tpu.memory_space<vmem_shared>>) dst(%dma_wait3A_53 : memref<640xf32, #tpu.memory_space<hbm>>)
      tpu.yield
    }) : () -> ()
    return
  }
}

#map = affine_map<(d0, d1) -> (0, 0)>
#map1 = affine_map<(d0, d1) -> (0, 0, 0)>
#map2 = affine_map<(d0, d1) -> (0, 0, 0, 0)>
module attributes {stable_mosaic.version = 14 : i64} {
  func.func @_agg_body(%arg0: i32, %arg1: i32, %arg2: memref<10000x128xf32, #tpu.memory_space<hbm>>, %arg3: memref<32x100x100xi32, #tpu.memory_space<hbm>>, %arg4: memref<32x2x50x100xi32, #tpu.memory_space<hbm>>, %arg5: memref<100x128xf32, #tpu.memory_space<hbm>>, %arg6: memref<2x10240x128xf32, #tpu.memory_space<hbm>>, %arg7: memref<100x100xi32, #tpu.memory_space<vmem>>, %arg8: memref<50x100xi32, #tpu.memory_space<vmem>>, %arg9: memref<100x128xf32, #tpu.memory_space<vmem>>, %arg10: memref<100x128xf32, #tpu.memory_space<vmem>>, %arg11: memref<10240x128xf32, #tpu.memory_space<vmem_shared>>, %arg12: memref<!tpu.dma_semaphore, #tpu.memory_space<semaphore_mem>>, %arg13: memref<!tpu.dma_semaphore, #tpu.memory_space<semaphore_mem>>) attributes {dimension_semantics = [#tpu.dimension_semantics<core_parallel>, #tpu.dimension_semantics<subcore_parallel>], iteration_bounds = array<i64: 2, 16>, scalar_prefetch = 0 : i64, scratch_operands = 7 : i64, tpu.core_type = #tpu.core_type<sc_vector_subcore>, window_params = [{transform_indices = #map}, {transform_indices = #map1}, {transform_indices = #map2}, {transform_indices = #map}, {transform_indices = #map1}]} {
    %mul3A = arith.constant 16 : i32
    %mul3A_0 = arith.muli %arg0, %mul3A : i32
    %add3A = arith.addi %mul3A_0, %arg1 : i32
    %dma_start3A = arith.constant 0 : i32
    %dma_start3A_1 = arith.constant 0 : i32
    %dma_start3A_2 = tpu.memref_slice %arg3[%add3A, %dma_start3A, %dma_start3A_1] : memref<32x100x100xi32, #tpu.memory_space<hbm>> -> memref<1x100x100xi32, #tpu.memory_space<hbm>>
    %dma_start3A_3 = tpu.memref_squeeze %dma_start3A_2 : memref<1x100x100xi32, #tpu.memory_space<hbm>> -> memref<100x100xi32, #tpu.memory_space<hbm>>
    %dma_start3A_4 = arith.constant 0 : i32
    %dma_start3A_5 = arith.constant 0 : i32
    %dma_start3A_6 = tpu.memref_slice %arg3[%add3A, %dma_start3A_4, %dma_start3A_5] : memref<32x100x100xi32, #tpu.memory_space<hbm>> -> memref<1x100x100xi32, #tpu.memory_space<hbm>>
    %dma_start3A_7 = tpu.memref_squeeze %dma_start3A_6 : memref<1x100x100xi32, #tpu.memory_space<hbm>> -> memref<100x100xi32, #tpu.memory_space<hbm>>
    tpu.enqueue_dma source(%dma_start3A_7 : memref<100x100xi32, #tpu.memory_space<hbm>>) target(%arg7 : memref<100x100xi32, #tpu.memory_space<vmem>>) target_semaphore(%arg13 : memref<!tpu.dma_semaphore, #tpu.memory_space<semaphore_mem>>)
    %dma_start3A_8 = arith.constant 0 : i32
    %dma_start3A_9 = arith.constant 0 : i32
    %dma_start3A_10 = arith.constant 0 : i32
    %dma_start3A_11 = tpu.memref_slice %arg4[%add3A, %dma_start3A_8, %dma_start3A_9, %dma_start3A_10] : memref<32x2x50x100xi32, #tpu.memory_space<hbm>> -> memref<1x1x50x100xi32, #tpu.memory_space<hbm>>
    %dma_start3A_12 = tpu.memref_squeeze %dma_start3A_11 : memref<1x1x50x100xi32, #tpu.memory_space<hbm>> -> memref<50x100xi32, #tpu.memory_space<hbm>>
    %dma_start3A_13 = arith.constant 0 : i32
    %dma_start3A_14 = arith.constant 0 : i32
    %dma_start3A_15 = tpu.memref_slice %arg4[%add3A, %dma_start3A_8, %dma_start3A_13, %dma_start3A_14] : memref<32x2x50x100xi32, #tpu.memory_space<hbm>> -> memref<1x1x50x100xi32, #tpu.memory_space<hbm>>
    %dma_start3A_16 = tpu.memref_squeeze %dma_start3A_15 : memref<1x1x50x100xi32, #tpu.memory_space<hbm>> -> memref<50x100xi32, #tpu.memory_space<hbm>>
    tpu.enqueue_dma source(%dma_start3A_16 : memref<50x100xi32, #tpu.memory_space<hbm>>) target(%arg8 : memref<50x100xi32, #tpu.memory_space<vmem>>) target_semaphore(%arg13 : memref<!tpu.dma_semaphore, #tpu.memory_space<semaphore_mem>>)
    %scan3A = arith.constant 0 : i32
    %scan3A_17 = arith.constant 0 : i32
    %scan3A_18 = arith.constant 100 : i32
    %scan3A_19 = arith.addi %scan3A_17, %scan3A_18 : i32
    %scan3A_20 = arith.constant 1 : i32
    %scan3A_21 = scf.for %scan3A_198 = %scan3A_17 to %scan3A_19 step %scan3A_20 iter_args(%scan3A_199 = %scan3A) -> (i32)  : i32 {
      %broadcast_in_dim3A = arith.constant 0.000000e+00 : f32
      %broadcast_in_dim3A_200 = vector.broadcast %broadcast_in_dim3A : f32 to vector<16xf32>
      %swap3A = arith.index_cast %scan3A_198 : i32 to index
      %swap3A_201 = arith.constant 0 : index
      %swap3A_202 = tpu.vector_load %arg9[%swap3A, %swap3A_201] {strides = array<i32>} : memref<100x128xf32, #tpu.memory_space<vmem>>, vector<1x16xf32>,
      %swap3A_203 = vector.shape_cast %swap3A_202 : vector<1x16xf32> to vector<16xf32>
      %swap3A_204 = vector.shape_cast %broadcast_in_dim3A_200 : vector<16xf32> to vector<1x16xf32>
      tpu.vector_store %arg9[%swap3A, %swap3A_201], %swap3A_204 {strides = array<i32>} : memref<100x128xf32, #tpu.memory_space<vmem>>, vector<1x16xf32>,
      %broadcast_in_dim3A_205 = arith.constant 0.000000e+00 : f32
      %broadcast_in_dim3A_206 = vector.broadcast %broadcast_in_dim3A_205 : f32 to vector<16xf32>
      %swap3A_207 = arith.index_cast %scan3A_198 : i32 to index
      %swap3A_208 = arith.constant 16 : index
      %swap3A_209 = tpu.vector_load %arg9[%swap3A_207, %swap3A_208] {strides = array<i32>} : memref<100x128xf32, #tpu.memory_space<vmem>>, vector<1x16xf32>,
      %swap3A_210 = vector.shape_cast %swap3A_209 : vector<1x16xf32> to vector<16xf32>
      %swap3A_211 = vector.shape_cast %broadcast_in_dim3A_206 : vector<16xf32> to vector<1x16xf32>
      tpu.vector_store %arg9[%swap3A_207, %swap3A_208], %swap3A_211 {strides = array<i32>} : memref<100x128xf32, #tpu.memory_space<vmem>>, vector<1x16xf32>,
      %broadcast_in_dim3A_212 = arith.constant 0.000000e+00 : f32
      %broadcast_in_dim3A_213 = vector.broadcast %broadcast_in_dim3A_212 : f32 to vector<16xf32>
      %swap3A_214 = arith.index_cast %scan3A_198 : i32 to index
      %swap3A_215 = arith.constant 32 : index
      %swap3A_216 = tpu.vector_load %arg9[%swap3A_214, %swap3A_215] {strides = array<i32>} : memref<100x128xf32, #tpu.memory_space<vmem>>, vector<1x16xf32>,
      %swap3A_217 = vector.shape_cast %swap3A_216 : vector<1x16xf32> to vector<16xf32>
      %swap3A_218 = vector.shape_cast %broadcast_in_dim3A_213 : vector<16xf32> to vector<1x16xf32>
      tpu.vector_store %arg9[%swap3A_214, %swap3A_215], %swap3A_218 {strides = array<i32>} : memref<100x128xf32, #tpu.memory_space<vmem>>, vector<1x16xf32>,
      %broadcast_in_dim3A_219 = arith.constant 0.000000e+00 : f32
      %broadcast_in_dim3A_220 = vector.broadcast %broadcast_in_dim3A_219 : f32 to vector<16xf32>
      %swap3A_221 = arith.index_cast %scan3A_198 : i32 to index
      %swap3A_222 = arith.constant 48 : index
      %swap3A_223 = tpu.vector_load %arg9[%swap3A_221, %swap3A_222] {strides = array<i32>} : memref<100x128xf32, #tpu.memory_space<vmem>>, vector<1x16xf32>,
      %swap3A_224 = vector.shape_cast %swap3A_223 : vector<1x16xf32> to vector<16xf32>
      %swap3A_225 = vector.shape_cast %broadcast_in_dim3A_220 : vector<16xf32> to vector<1x16xf32>
      tpu.vector_store %arg9[%swap3A_221, %swap3A_222], %swap3A_225 {strides = array<i32>} : memref<100x128xf32, #tpu.memory_space<vmem>>, vector<1x16xf32>,
      %broadcast_in_dim3A_226 = arith.constant 0.000000e+00 : f32
      %broadcast_in_dim3A_227 = vector.broadcast %broadcast_in_dim3A_226 : f32 to vector<16xf32>
      %swap3A_228 = arith.index_cast %scan3A_198 : i32 to index
      %swap3A_229 = arith.constant 64 : index
      %swap3A_230 = tpu.vector_load %arg9[%swap3A_228, %swap3A_229] {strides = array<i32>} : memref<100x128xf32, #tpu.memory_space<vmem>>, vector<1x16xf32>,
      %swap3A_231 = vector.shape_cast %swap3A_230 : vector<1x16xf32> to vector<16xf32>
      %swap3A_232 = vector.shape_cast %broadcast_in_dim3A_227 : vector<16xf32> to vector<1x16xf32>
      tpu.vector_store %arg9[%swap3A_228, %swap3A_229], %swap3A_232 {strides = array<i32>} : memref<100x128xf32, #tpu.memory_space<vmem>>, vector<1x16xf32>,
      %broadcast_in_dim3A_233 = arith.constant 0.000000e+00 : f32
      %broadcast_in_dim3A_234 = vector.broadcast %broadcast_in_dim3A_233 : f32 to vector<16xf32>
      %swap3A_235 = arith.index_cast %scan3A_198 : i32 to index
      %swap3A_236 = arith.constant 80 : index
      %swap3A_237 = tpu.vector_load %arg9[%swap3A_235, %swap3A_236] {strides = array<i32>} : memref<100x128xf32, #tpu.memory_space<vmem>>, vector<1x16xf32>,
      %swap3A_238 = vector.shape_cast %swap3A_237 : vector<1x16xf32> to vector<16xf32>
      %swap3A_239 = vector.shape_cast %broadcast_in_dim3A_234 : vector<16xf32> to vector<1x16xf32>
      tpu.vector_store %arg9[%swap3A_235, %swap3A_236], %swap3A_239 {strides = array<i32>} : memref<100x128xf32, #tpu.memory_space<vmem>>, vector<1x16xf32>,
      %broadcast_in_dim3A_240 = arith.constant 0.000000e+00 : f32
      %broadcast_in_dim3A_241 = vector.broadcast %broadcast_in_dim3A_240 : f32 to vector<16xf32>
      %swap3A_242 = arith.index_cast %scan3A_198 : i32 to index
      %swap3A_243 = arith.constant 96 : index
      %swap3A_244 = tpu.vector_load %arg9[%swap3A_242, %swap3A_243] {strides = array<i32>} : memref<100x128xf32, #tpu.memory_space<vmem>>, vector<1x16xf32>,
      %swap3A_245 = vector.shape_cast %swap3A_244 : vector<1x16xf32> to vector<16xf32>
      %swap3A_246 = vector.shape_cast %broadcast_in_dim3A_241 : vector<16xf32> to vector<1x16xf32>
      tpu.vector_store %arg9[%swap3A_242, %swap3A_243], %swap3A_246 {strides = array<i32>} : memref<100x128xf32, #tpu.memory_space<vmem>>, vector<1x16xf32>,
      %broadcast_in_dim3A_247 = arith.constant 0.000000e+00 : f32
      %broadcast_in_dim3A_248 = vector.broadcast %broadcast_in_dim3A_247 : f32 to vector<16xf32>
      %swap3A_249 = arith.index_cast %scan3A_198 : i32 to index
      %swap3A_250 = arith.constant 112 : index
      %swap3A_251 = tpu.vector_load %arg9[%swap3A_249, %swap3A_250] {strides = array<i32>} : memref<100x128xf32, #tpu.memory_space<vmem>>, vector<1x16xf32>,
      %swap3A_252 = vector.shape_cast %swap3A_251 : vector<1x16xf32> to vector<16xf32>
      %swap3A_253 = vector.shape_cast %broadcast_in_dim3A_248 : vector<16xf32> to vector<1x16xf32>
      tpu.vector_store %arg9[%swap3A_249, %swap3A_250], %swap3A_253 {strides = array<i32>} : memref<100x128xf32, #tpu.memory_space<vmem>>, vector<1x16xf32>,
      %scan3A_254 = arith.constant 0 : i32
      scf.yield %scan3A_254 : i32
    }
    %scan3A_22 = arith.constant 100 : i32
    %mul3A_23 = arith.constant 640 : i32
    %mul3A_24 = arith.muli %arg1, %mul3A_23 : i32
    %add3A_25 = arith.constant 0 : i32
    %add3A_26 = arith.addi %mul3A_24, %add3A_25 : i32
    %dma_start3A_27 = arith.constant 0 : i32
    %dma_start3A_28 = tpu.memref_slice %arg11[%add3A_26, %dma_start3A_27] : memref<10240x128xf32, #tpu.memory_space<vmem_shared>> -> memref<100x128xf32, #tpu.memory_space<vmem_shared>>
    %dma_start3A_29 = arith.constant 0 : i32
    %dma_start3A_30 = tpu.memref_slice %arg11[%add3A_26, %dma_start3A_29] : memref<10240x128xf32, #tpu.memory_space<vmem_shared>> -> memref<100x128xf32, #tpu.memory_space<vmem_shared>>
    tpu.enqueue_dma source(%arg9 : memref<100x128xf32, #tpu.memory_space<vmem>>) target(%dma_start3A_30 : memref<100x128xf32, #tpu.memory_space<vmem_shared>>) target_semaphore(%arg12 : memref<!tpu.dma_semaphore, #tpu.memory_space<semaphore_mem>>)
    %mul3A_31 = arith.constant 640 : i32
    %mul3A_32 = arith.muli %arg1, %mul3A_31 : i32
    %add3A_33 = arith.constant 100 : i32
    %add3A_34 = arith.addi %mul3A_32, %add3A_33 : i32
    %dma_start3A_35 = arith.constant 0 : i32
    %dma_start3A_36 = tpu.memref_slice %arg11[%add3A_34, %dma_start3A_35] : memref<10240x128xf32, #tpu.memory_space<vmem_shared>> -> memref<100x128xf32, #tpu.memory_space<vmem_shared>>
    %dma_start3A_37 = arith.constant 0 : i32
    %dma_start3A_38 = tpu.memref_slice %arg11[%add3A_34, %dma_start3A_37] : memref<10240x128xf32, #tpu.memory_space<vmem_shared>> -> memref<100x128xf32, #tpu.memory_space<vmem_shared>>
    tpu.enqueue_dma source(%arg9 : memref<100x128xf32, #tpu.memory_space<vmem>>) target(%dma_start3A_38 : memref<100x128xf32, #tpu.memory_space<vmem_shared>>) target_semaphore(%arg12 : memref<!tpu.dma_semaphore, #tpu.memory_space<semaphore_mem>>)
    %mul3A_39 = arith.constant 640 : i32
    %mul3A_40 = arith.muli %arg1, %mul3A_39 : i32
    %add3A_41 = arith.constant 200 : i32
    %add3A_42 = arith.addi %mul3A_40, %add3A_41 : i32
    %dma_start3A_43 = arith.constant 0 : i32
    %dma_start3A_44 = tpu.memref_slice %arg11[%add3A_42, %dma_start3A_43] : memref<10240x128xf32, #tpu.memory_space<vmem_shared>> -> memref<100x128xf32, #tpu.memory_space<vmem_shared>>
    %dma_start3A_45 = arith.constant 0 : i32
    %dma_start3A_46 = tpu.memref_slice %arg11[%add3A_42, %dma_start3A_45] : memref<10240x128xf32, #tpu.memory_space<vmem_shared>> -> memref<100x128xf32, #tpu.memory_space<vmem_shared>>
    tpu.enqueue_dma source(%arg9 : memref<100x128xf32, #tpu.memory_space<vmem>>) target(%dma_start3A_46 : memref<100x128xf32, #tpu.memory_space<vmem_shared>>) target_semaphore(%arg12 : memref<!tpu.dma_semaphore, #tpu.memory_space<semaphore_mem>>)
    %mul3A_47 = arith.constant 640 : i32
    %mul3A_48 = arith.muli %arg1, %mul3A_47 : i32
    %add3A_49 = arith.constant 300 : i32
    %add3A_50 = arith.addi %mul3A_48, %add3A_49 : i32
    %dma_start3A_51 = arith.constant 0 : i32
    %dma_start3A_52 = tpu.memref_slice %arg11[%add3A_50, %dma_start3A_51] : memref<10240x128xf32, #tpu.memory_space<vmem_shared>> -> memref<100x128xf32, #tpu.memory_space<vmem_shared>>
    %dma_start3A_53 = arith.constant 0 : i32
    %dma_start3A_54 = tpu.memref_slice %arg11[%add3A_50, %dma_start3A_53] : memref<10240x128xf32, #tpu.memory_space<vmem_shared>> -> memref<100x128xf32, #tpu.memory_space<vmem_shared>>
    tpu.enqueue_dma source(%arg9 : memref<100x128xf32, #tpu.memory_space<vmem>>) target(%dma_start3A_54 : memref<100x128xf32, #tpu.memory_space<vmem_shared>>) target_semaphore(%arg12 : memref<!tpu.dma_semaphore, #tpu.memory_space<semaphore_mem>>)
    %mul3A_55 = arith.constant 640 : i32
    %mul3A_56 = arith.muli %arg1, %mul3A_55 : i32
    %add3A_57 = arith.constant 400 : i32
    %add3A_58 = arith.addi %mul3A_56, %add3A_57 : i32
    %dma_start3A_59 = arith.constant 0 : i32
    %dma_start3A_60 = tpu.memref_slice %arg11[%add3A_58, %dma_start3A_59] : memref<10240x128xf32, #tpu.memory_space<vmem_shared>> -> memref<100x128xf32, #tpu.memory_space<vmem_shared>>
    %dma_start3A_61 = arith.constant 0 : i32
    %dma_start3A_62 = tpu.memref_slice %arg11[%add3A_58, %dma_start3A_61] : memref<10240x128xf32, #tpu.memory_space<vmem_shared>> -> memref<100x128xf32, #tpu.memory_space<vmem_shared>>
    tpu.enqueue_dma source(%arg9 : memref<100x128xf32, #tpu.memory_space<vmem>>) target(%dma_start3A_62 : memref<100x128xf32, #tpu.memory_space<vmem_shared>>) target_semaphore(%arg12 : memref<!tpu.dma_semaphore, #tpu.memory_space<semaphore_mem>>)
    %mul3A_63 = arith.constant 640 : i32
    %mul3A_64 = arith.muli %arg1, %mul3A_63 : i32
    %add3A_65 = arith.constant 500 : i32
    %add3A_66 = arith.addi %mul3A_64, %add3A_65 : i32
    %dma_start3A_67 = arith.constant 0 : i32
    %dma_start3A_68 = tpu.memref_slice %arg11[%add3A_66, %dma_start3A_67] : memref<10240x128xf32, #tpu.memory_space<vmem_shared>> -> memref<100x128xf32, #tpu.memory_space<vmem_shared>>
    %dma_start3A_69 = arith.constant 0 : i32
    %dma_start3A_70 = tpu.memref_slice %arg11[%add3A_66, %dma_start3A_69] : memref<10240x128xf32, #tpu.memory_space<vmem_shared>> -> memref<100x128xf32, #tpu.memory_space<vmem_shared>>
    tpu.enqueue_dma source(%arg9 : memref<100x128xf32, #tpu.memory_space<vmem>>) target(%dma_start3A_70 : memref<100x128xf32, #tpu.memory_space<vmem_shared>>) target_semaphore(%arg12 : memref<!tpu.dma_semaphore, #tpu.memory_space<semaphore_mem>>)
    %mul3A_71 = arith.constant 640 : i32
    %mul3A_72 = arith.muli %arg1, %mul3A_71 : i32
    %add3A_73 = arith.constant 600 : i32
    %add3A_74 = arith.addi %mul3A_72, %add3A_73 : i32
    %dma_start3A_75 = arith.constant 0 : i32
    %dma_start3A_76 = arith.constant 0 : i32
    %dma_start3A_77 = tpu.memref_slice %arg9[%dma_start3A_75, %dma_start3A_76] : memref<100x128xf32, #tpu.memory_space<vmem>> -> memref<40x128xf32, #tpu.memory_space<vmem>>
    %dma_start3A_78 = arith.constant 0 : i32
    %dma_start3A_79 = tpu.memref_slice %arg11[%add3A_74, %dma_start3A_78] : memref<10240x128xf32, #tpu.memory_space<vmem_shared>> -> memref<40x128xf32, #tpu.memory_space<vmem_shared>>
    %dma_start3A_80 = arith.constant 0 : i32
    %dma_start3A_81 = tpu.memref_slice %arg11[%add3A_74, %dma_start3A_80] : memref<10240x128xf32, #tpu.memory_space<vmem_shared>> -> memref<40x128xf32, #tpu.memory_space<vmem_shared>>
    %dma_start3A_82 = arith.constant 0 : i32
    %dma_start3A_83 = arith.constant 0 : i32
    %dma_start3A_84 = tpu.memref_slice %arg9[%dma_start3A_82, %dma_start3A_83] : memref<100x128xf32, #tpu.memory_space<vmem>> -> memref<40x128xf32, #tpu.memory_space<vmem>>
    tpu.enqueue_dma source(%dma_start3A_84 : memref<40x128xf32, #tpu.memory_space<vmem>>) target(%dma_start3A_81 : memref<40x128xf32, #tpu.memory_space<vmem_shared>>) target_semaphore(%arg12 : memref<!tpu.dma_semaphore, #tpu.memory_space<semaphore_mem>>)
    %dma_wait3A = arith.constant 0 : i32
    %dma_wait3A_85 = arith.constant 0 : i32
    %dma_wait3A_86 = tpu.memref_slice %arg3[%add3A, %dma_wait3A, %dma_wait3A_85] : memref<32x100x100xi32, #tpu.memory_space<hbm>> -> memref<1x100x100xi32, #tpu.memory_space<hbm>>
    %dma_wait3A_87 = tpu.memref_squeeze %dma_wait3A_86 : memref<1x100x100xi32, #tpu.memory_space<hbm>> -> memref<100x100xi32, #tpu.memory_space<hbm>>
    %dma_wait3A_88 = arith.constant 0 : i32
    %dma_wait3A_89 = arith.constant 0 : i32
    %dma_wait3A_90 = tpu.memref_slice %arg3[%add3A, %dma_wait3A_88, %dma_wait3A_89] : memref<32x100x100xi32, #tpu.memory_space<hbm>> -> memref<1x100x100xi32, #tpu.memory_space<hbm>>
    %dma_wait3A_91 = tpu.memref_squeeze %dma_wait3A_90 : memref<1x100x100xi32, #tpu.memory_space<hbm>> -> memref<100x100xi32, #tpu.memory_space<hbm>>
    tpu.wait_dma2 semaphore(%arg13 : memref<!tpu.dma_semaphore, #tpu.memory_space<semaphore_mem>>) src(%dma_wait3A_91 : memref<100x100xi32, #tpu.memory_space<hbm>>) dst(%arg7 : memref<100x100xi32, #tpu.memory_space<vmem>>)
    %dma_wait3A_92 = arith.constant 0 : i32
    %dma_wait3A_93 = arith.constant 0 : i32
    %dma_wait3A_94 = arith.constant 0 : i32
    %dma_wait3A_95 = tpu.memref_slice %arg4[%add3A, %dma_wait3A_92, %dma_wait3A_93, %dma_wait3A_94] : memref<32x2x50x100xi32, #tpu.memory_space<hbm>> -> memref<1x1x50x100xi32, #tpu.memory_space<hbm>>
    %dma_wait3A_96 = tpu.memref_squeeze %dma_wait3A_95 : memref<1x1x50x100xi32, #tpu.memory_space<hbm>> -> memref<50x100xi32, #tpu.memory_space<hbm>>
    %dma_wait3A_97 = arith.constant 0 : i32
    %dma_wait3A_98 = arith.constant 0 : i32
    %dma_wait3A_99 = tpu.memref_slice %arg4[%add3A, %dma_wait3A_92, %dma_wait3A_97, %dma_wait3A_98] : memref<32x2x50x100xi32, #tpu.memory_space<hbm>> -> memref<1x1x50x100xi32, #tpu.memory_space<hbm>>
    %dma_wait3A_100 = tpu.memref_squeeze %dma_wait3A_99 : memref<1x1x50x100xi32, #tpu.memory_space<hbm>> -> memref<50x100xi32, #tpu.memory_space<hbm>>
    tpu.wait_dma2 semaphore(%arg13 : memref<!tpu.dma_semaphore, #tpu.memory_space<semaphore_mem>>) src(%dma_wait3A_100 : memref<50x100xi32, #tpu.memory_space<hbm>>) dst(%arg8 : memref<50x100xi32, #tpu.memory_space<vmem>>)
    %mul3A_101 = arith.constant 640 : i32
    %mul3A_102 = arith.muli %arg1, %mul3A_101 : i32
    %add3A_103 = arith.constant 0 : i32
    %add3A_104 = arith.addi %mul3A_102, %add3A_103 : i32
    %dma_wait3A_105 = arith.constant 0 : i32
    %dma_wait3A_106 = tpu.memref_slice %arg11[%add3A_104, %dma_wait3A_105] : memref<10240x128xf32, #tpu.memory_space<vmem_shared>> -> memref<100x128xf32, #tpu.memory_space<vmem_shared>>
    %dma_wait3A_107 = arith.constant 0 : i32
    %dma_wait3A_108 = tpu.memref_slice %arg11[%add3A_104, %dma_wait3A_107] : memref<10240x128xf32, #tpu.memory_space<vmem_shared>> -> memref<100x128xf32, #tpu.memory_space<vmem_shared>>
    tpu.wait_dma2 semaphore(%arg12 : memref<!tpu.dma_semaphore, #tpu.memory_space<semaphore_mem>>) src(%arg9 : memref<100x128xf32, #tpu.memory_space<vmem>>) dst(%dma_wait3A_108 : memref<100x128xf32, #tpu.memory_space<vmem_shared>>)
    %mul3A_109 = arith.constant 640 : i32
    %mul3A_110 = arith.muli %arg1, %mul3A_109 : i32
    %add3A_111 = arith.constant 100 : i32
    %add3A_112 = arith.addi %mul3A_110, %add3A_111 : i32
    %dma_wait3A_113 = arith.constant 0 : i32
    %dma_wait3A_114 = tpu.memref_slice %arg11[%add3A_112, %dma_wait3A_113] : memref<10240x128xf32, #tpu.memory_space<vmem_shared>> -> memref<100x128xf32, #tpu.memory_space<vmem_shared>>
    %dma_wait3A_115 = arith.constant 0 : i32
    %dma_wait3A_116 = tpu.memref_slice %arg11[%add3A_112, %dma_wait3A_115] : memref<10240x128xf32, #tpu.memory_space<vmem_shared>> -> memref<100x128xf32, #tpu.memory_space<vmem_shared>>
    tpu.wait_dma2 semaphore(%arg12 : memref<!tpu.dma_semaphore, #tpu.memory_space<semaphore_mem>>) src(%arg9 : memref<100x128xf32, #tpu.memory_space<vmem>>) dst(%dma_wait3A_116 : memref<100x128xf32, #tpu.memory_space<vmem_shared>>)
    %mul3A_117 = arith.constant 640 : i32
    %mul3A_118 = arith.muli %arg1, %mul3A_117 : i32
    %add3A_119 = arith.constant 200 : i32
    %add3A_120 = arith.addi %mul3A_118, %add3A_119 : i32
    %dma_wait3A_121 = arith.constant 0 : i32
    %dma_wait3A_122 = tpu.memref_slice %arg11[%add3A_120, %dma_wait3A_121] : memref<10240x128xf32, #tpu.memory_space<vmem_shared>> -> memref<100x128xf32, #tpu.memory_space<vmem_shared>>
    %dma_wait3A_123 = arith.constant 0 : i32
    %dma_wait3A_124 = tpu.memref_slice %arg11[%add3A_120, %dma_wait3A_123] : memref<10240x128xf32, #tpu.memory_space<vmem_shared>> -> memref<100x128xf32, #tpu.memory_space<vmem_shared>>
    tpu.wait_dma2 semaphore(%arg12 : memref<!tpu.dma_semaphore, #tpu.memory_space<semaphore_mem>>) src(%arg9 : memref<100x128xf32, #tpu.memory_space<vmem>>) dst(%dma_wait3A_124 : memref<100x128xf32, #tpu.memory_space<vmem_shared>>)
    %mul3A_125 = arith.constant 640 : i32
    %mul3A_126 = arith.muli %arg1, %mul3A_125 : i32
    %add3A_127 = arith.constant 300 : i32
    %add3A_128 = arith.addi %mul3A_126, %add3A_127 : i32
    %dma_wait3A_129 = arith.constant 0 : i32
    %dma_wait3A_130 = tpu.memref_slice %arg11[%add3A_128, %dma_wait3A_129] : memref<10240x128xf32, #tpu.memory_space<vmem_shared>> -> memref<100x128xf32, #tpu.memory_space<vmem_shared>>
    %dma_wait3A_131 = arith.constant 0 : i32
    %dma_wait3A_132 = tpu.memref_slice %arg11[%add3A_128, %dma_wait3A_131] : memref<10240x128xf32, #tpu.memory_space<vmem_shared>> -> memref<100x128xf32, #tpu.memory_space<vmem_shared>>
    tpu.wait_dma2 semaphore(%arg12 : memref<!tpu.dma_semaphore, #tpu.memory_space<semaphore_mem>>) src(%arg9 : memref<100x128xf32, #tpu.memory_space<vmem>>) dst(%dma_wait3A_132 : memref<100x128xf32, #tpu.memory_space<vmem_shared>>)
    %mul3A_133 = arith.constant 640 : i32
    %mul3A_134 = arith.muli %arg1, %mul3A_133 : i32
    %add3A_135 = arith.constant 400 : i32
    %add3A_136 = arith.addi %mul3A_134, %add3A_135 : i32
    %dma_wait3A_137 = arith.constant 0 : i32
    %dma_wait3A_138 = tpu.memref_slice %arg11[%add3A_136, %dma_wait3A_137] : memref<10240x128xf32, #tpu.memory_space<vmem_shared>> -> memref<100x128xf32, #tpu.memory_space<vmem_shared>>
    %dma_wait3A_139 = arith.constant 0 : i32
    %dma_wait3A_140 = tpu.memref_slice %arg11[%add3A_136, %dma_wait3A_139] : memref<10240x128xf32, #tpu.memory_space<vmem_shared>> -> memref<100x128xf32, #tpu.memory_space<vmem_shared>>
    tpu.wait_dma2 semaphore(%arg12 : memref<!tpu.dma_semaphore, #tpu.memory_space<semaphore_mem>>) src(%arg9 : memref<100x128xf32, #tpu.memory_space<vmem>>) dst(%dma_wait3A_140 : memref<100x128xf32, #tpu.memory_space<vmem_shared>>)
    %mul3A_141 = arith.constant 640 : i32
    %mul3A_142 = arith.muli %arg1, %mul3A_141 : i32
    %add3A_143 = arith.constant 500 : i32
    %add3A_144 = arith.addi %mul3A_142, %add3A_143 : i32
    %dma_wait3A_145 = arith.constant 0 : i32
    %dma_wait3A_146 = tpu.memref_slice %arg11[%add3A_144, %dma_wait3A_145] : memref<10240x128xf32, #tpu.memory_space<vmem_shared>> -> memref<100x128xf32, #tpu.memory_space<vmem_shared>>
    %dma_wait3A_147 = arith.constant 0 : i32
    %dma_wait3A_148 = tpu.memref_slice %arg11[%add3A_144, %dma_wait3A_147] : memref<10240x128xf32, #tpu.memory_space<vmem_shared>> -> memref<100x128xf32, #tpu.memory_space<vmem_shared>>
    tpu.wait_dma2 semaphore(%arg12 : memref<!tpu.dma_semaphore, #tpu.memory_space<semaphore_mem>>) src(%arg9 : memref<100x128xf32, #tpu.memory_space<vmem>>) dst(%dma_wait3A_148 : memref<100x128xf32, #tpu.memory_space<vmem_shared>>)
    %mul3A_149 = arith.constant 640 : i32
    %mul3A_150 = arith.muli %arg1, %mul3A_149 : i32
    %add3A_151 = arith.constant 600 : i32
    %add3A_152 = arith.addi %mul3A_150, %add3A_151 : i32
    %dma_wait3A_153 = arith.constant 0 : i32
    %dma_wait3A_154 = arith.constant 0 : i32
    %dma_wait3A_155 = tpu.memref_slice %arg9[%dma_wait3A_153, %dma_wait3A_154] : memref<100x128xf32, #tpu.memory_space<vmem>> -> memref<40x128xf32, #tpu.memory_space<vmem>>
    %dma_wait3A_156 = arith.constant 0 : i32
    %dma_wait3A_157 = tpu.memref_slice %arg11[%add3A_152, %dma_wait3A_156] : memref<10240x128xf32, #tpu.memory_space<vmem_shared>> -> memref<40x128xf32, #tpu.memory_space<vmem_shared>>
    %dma_wait3A_158 = arith.constant 0 : i32
    %dma_wait3A_159 = tpu.memref_slice %arg11[%add3A_152, %dma_wait3A_158] : memref<10240x128xf32, #tpu.memory_space<vmem_shared>> -> memref<40x128xf32, #tpu.memory_space<vmem_shared>>
    %dma_wait3A_160 = arith.constant 0 : i32
    %dma_wait3A_161 = arith.constant 0 : i32
    %dma_wait3A_162 = tpu.memref_slice %arg9[%dma_wait3A_160, %dma_wait3A_161] : memref<100x128xf32, #tpu.memory_space<vmem>> -> memref<40x128xf32, #tpu.memory_space<vmem>>
    tpu.wait_dma2 semaphore(%arg12 : memref<!tpu.dma_semaphore, #tpu.memory_space<semaphore_mem>>) src(%dma_wait3A_162 : memref<40x128xf32, #tpu.memory_space<vmem>>) dst(%dma_wait3A_159 : memref<40x128xf32, #tpu.memory_space<vmem_shared>>)
    %barrier3A = arith.constant 0 : index
    tpu.barrier barrier_id(%barrier3A)
    %dma_start3A_163 = arith.constant 0 : i32
    %dma_start3A_164 = arith.constant 0 : i32
    %dma_start3A_165 = tpu.memref_slice %arg7[%dma_start3A_163, %dma_start3A_164] : memref<100x100xi32, #tpu.memory_space<vmem>> -> memref<1x100xi32, #tpu.memory_space<vmem>>
    %dma_start3A_166 = tpu.memref_squeeze %dma_start3A_165 : memref<1x100xi32, #tpu.memory_space<vmem>> -> memref<100xi32, #tpu.memory_space<vmem>>
    %dma_start3A_167 = arith.constant 0 : i32
    %dma_start3A_168 = arith.constant 0 : i32
    %dma_start3A_169 = tpu.memref_slice %arg2[%dma_start3A_167, %dma_start3A_168] : memref<10000x128xf32, #tpu.memory_space<hbm>> -> memref<10000x128xf32, #tpu.memory_space<hbm>>
    tpu.enqueue_indirect_dma source(%dma_start3A_169 : memref<10000x128xf32, #tpu.memory_space<hbm>>) target(%arg9 : memref<100x128xf32, #tpu.memory_space<vmem>>) offsets(%dma_start3A_166 : memref<100xi32, #tpu.memory_space<vmem>>) semaphore(%arg12 : memref<!tpu.dma_semaphore, #tpu.memory_space<semaphore_mem>>)
    %scan3A_170 = arith.constant 0 : i32
    %scan3A_171 = arith.constant 0 : i32
    %scan3A_172 = arith.constant 25 : i32
    %scan3A_173 = arith.addi %scan3A_171, %scan3A_172 : i32
    %scan3A_174 = arith.constant 1 : i32
    %scan3A_175 = scf.for %scan3A_198 = %scan3A_171 to %scan3A_173 step %scan3A_174 iter_args(%scan3A_199 = %scan3A_170) -> (i32)  : i32 {
      %mul3A_200 = arith.constant 2 : i32
      %mul3A_201 = arith.muli %mul3A_200, %scan3A_198 : i32
      %add3A_202 = arith.constant 0 : i32
      %add3A_203 = arith.addi %add3A_202, %mul3A_201 : i32
      %add3A_204 = arith.constant 1 : i32
      %add3A_205 = arith.addi %add3A_203, %add3A_204 : i32
      %dma_start3A_206 = arith.constant 0 : i32
      %dma_start3A_207 = tpu.memref_slice %arg7[%add3A_205, %dma_start3A_206] : memref<100x100xi32, #tpu.memory_space<vmem>> -> memref<1x100xi32, #tpu.memory_space<vmem>>
      %dma_start3A_208 = tpu.memref_squeeze %dma_start3A_207 : memref<1x100xi32, #tpu.memory_space<vmem>> -> memref<100xi32, #tpu.memory_space<vmem>>
      %dma_start3A_209 = arith.constant 0 : i32
      %dma_start3A_210 = arith.constant 0 : i32
      %dma_start3A_211 = tpu.memref_slice %arg2[%dma_start3A_209, %dma_start3A_210] : memref<10000x128xf32, #tpu.memory_space<hbm>> -> memref<10000x128xf32, #tpu.memory_space<hbm>>
      tpu.enqueue_indirect_dma source(%dma_start3A_211 : memref<10000x128xf32, #tpu.memory_space<hbm>>) target(%arg10 : memref<100x128xf32, #tpu.memory_space<vmem>>) offsets(%dma_start3A_208 : memref<100xi32, #tpu.memory_space<vmem>>) semaphore(%arg13 : memref<!tpu.dma_semaphore, #tpu.memory_space<semaphore_mem>>)
      tpu.wait_dma2 semaphore(%arg12 : memref<!tpu.dma_semaphore, #tpu.memory_space<semaphore_mem>>) src(%arg5 : memref<100x128xf32, #tpu.memory_space<hbm>>) dst(%arg9 : memref<100x128xf32, #tpu.memory_space<vmem>>)
      %mul3A_212 = arith.constant 2 : i32
      %mul3A_213 = arith.muli %mul3A_212, %scan3A_198 : i32
      "tpu.region"() ({
        %run_scoped3A_227 = tpu.sem_alloc : memref<!tpu.dma_semaphore, #tpu.memory_space<semaphore_mem>>
        %dma_start3A_228 = arith.constant 0 : i32
        %dma_start3A_229 = tpu.memref_slice %arg8[%mul3A_213, %dma_start3A_228] : memref<50x100xi32, #tpu.memory_space<vmem>> -> memref<1x100xi32, #tpu.memory_space<vmem>>
        %dma_start3A_230 = tpu.memref_squeeze %dma_start3A_229 : memref<1x100xi32, #tpu.memory_space<vmem>> -> memref<100xi32, #tpu.memory_space<vmem>>
        %dma_start3A_231 = arith.constant 0 : i32
        %dma_start3A_232 = arith.constant 0 : i32
        %dma_start3A_233 = tpu.memref_slice %arg11[%dma_start3A_231, %dma_start3A_232] : memref<10240x128xf32, #tpu.memory_space<vmem_shared>> -> memref<10240x128xf32, #tpu.memory_space<vmem_shared>>
        tpu.enqueue_indirect_dma source(%arg9 : memref<100x128xf32, #tpu.memory_space<vmem>>) target(%dma_start3A_233 : memref<10240x128xf32, #tpu.memory_space<vmem_shared>>) offsets(%dma_start3A_230 : memref<100xi32, #tpu.memory_space<vmem>>) semaphore(%run_scoped3A_227 : memref<!tpu.dma_semaphore, #tpu.memory_space<semaphore_mem>>) {add = true}
        %dma_wait3A_234 = arith.constant 0 : i32
        %dma_wait3A_235 = tpu.memref_slice %arg8[%mul3A_213, %dma_wait3A_234] : memref<50x100xi32, #tpu.memory_space<vmem>> -> memref<1x100xi32, #tpu.memory_space<vmem>>
        %dma_wait3A_236 = tpu.memref_squeeze %dma_wait3A_235 : memref<1x100xi32, #tpu.memory_space<vmem>> -> memref<100xi32, #tpu.memory_space<vmem>>
        %dma_wait3A_237 = arith.constant 0 : i32
        %dma_wait3A_238 = arith.constant 0 : i32
        %dma_wait3A_239 = tpu.memref_slice %arg11[%dma_wait3A_237, %dma_wait3A_238] : memref<10240x128xf32, #tpu.memory_space<vmem_shared>> -> memref<10240x128xf32, #tpu.memory_space<vmem_shared>>
        tpu.wait_indirect_dma semaphore(%run_scoped3A_227 : memref<!tpu.dma_semaphore, #tpu.memory_space<semaphore_mem>>) src(%arg9 : memref<100x128xf32, #tpu.memory_space<vmem>>) dst(%dma_wait3A_239 : memref<10240x128xf32, #tpu.memory_space<vmem_shared>>)
        tpu.yield
      }) : () -> ()
      %add3A_214 = arith.constant 2 : i32
      %add3A_215 = arith.addi %add3A_203, %add3A_214 : i32
      %dma_start3A_216 = arith.constant 0 : i32
      %dma_start3A_217 = tpu.memref_slice %arg7[%add3A_215, %dma_start3A_216] : memref<100x100xi32, #tpu.memory_space<vmem>> -> memref<1x100xi32, #tpu.memory_space<vmem>>
      %dma_start3A_218 = tpu.memref_squeeze %dma_start3A_217 : memref<1x100xi32, #tpu.memory_space<vmem>> -> memref<100xi32, #tpu.memory_space<vmem>>
      %dma_start3A_219 = arith.constant 0 : i32
      %dma_start3A_220 = arith.constant 0 : i32
      %dma_start3A_221 = tpu.memref_slice %arg2[%dma_start3A_219, %dma_start3A_220] : memref<10000x128xf32, #tpu.memory_space<hbm>> -> memref<10000x128xf32, #tpu.memory_space<hbm>>
      tpu.enqueue_indirect_dma source(%dma_start3A_221 : memref<10000x128xf32, #tpu.memory_space<hbm>>) target(%arg9 : memref<100x128xf32, #tpu.memory_space<vmem>>) offsets(%dma_start3A_218 : memref<100xi32, #tpu.memory_space<vmem>>) semaphore(%arg12 : memref<!tpu.dma_semaphore, #tpu.memory_space<semaphore_mem>>)
      tpu.wait_dma2 semaphore(%arg13 : memref<!tpu.dma_semaphore, #tpu.memory_space<semaphore_mem>>) src(%arg5 : memref<100x128xf32, #tpu.memory_space<hbm>>) dst(%arg10 : memref<100x128xf32, #tpu.memory_space<vmem>>)
      %mul3A_222 = arith.constant 2 : i32
      %mul3A_223 = arith.muli %mul3A_222, %scan3A_198 : i32
      %add3A_224 = arith.constant 1 : i32
      %add3A_225 = arith.addi %mul3A_223, %add3A_224 : i32
      "tpu.region"() ({
        %run_scoped3A_227 = tpu.sem_alloc : memref<!tpu.dma_semaphore, #tpu.memory_space<semaphore_mem>>
        %dma_start3A_228 = arith.constant 0 : i32
        %dma_start3A_229 = tpu.memref_slice %arg8[%add3A_225, %dma_start3A_228] : memref<50x100xi32, #tpu.memory_space<vmem>> -> memref<1x100xi32, #tpu.memory_space<vmem>>
        %dma_start3A_230 = tpu.memref_squeeze %dma_start3A_229 : memref<1x100xi32, #tpu.memory_space<vmem>> -> memref<100xi32, #tpu.memory_space<vmem>>
        %dma_start3A_231 = arith.constant 0 : i32
        %dma_start3A_232 = arith.constant 0 : i32
        %dma_start3A_233 = tpu.memref_slice %arg11[%dma_start3A_231, %dma_start3A_232] : memref<10240x128xf32, #tpu.memory_space<vmem_shared>> -> memref<10240x128xf32, #tpu.memory_space<vmem_shared>>
        tpu.enqueue_indirect_dma source(%arg10 : memref<100x128xf32, #tpu.memory_space<vmem>>) target(%dma_start3A_233 : memref<10240x128xf32, #tpu.memory_space<vmem_shared>>) offsets(%dma_start3A_230 : memref<100xi32, #tpu.memory_space<vmem>>) semaphore(%run_scoped3A_227 : memref<!tpu.dma_semaphore, #tpu.memory_space<semaphore_mem>>) {add = true}
        %dma_wait3A_234 = arith.constant 0 : i32
        %dma_wait3A_235 = tpu.memref_slice %arg8[%add3A_225, %dma_wait3A_234] : memref<50x100xi32, #tpu.memory_space<vmem>> -> memref<1x100xi32, #tpu.memory_space<vmem>>
        %dma_wait3A_236 = tpu.memref_squeeze %dma_wait3A_235 : memref<1x100xi32, #tpu.memory_space<vmem>> -> memref<100xi32, #tpu.memory_space<vmem>>
        %dma_wait3A_237 = arith.constant 0 : i32
        %dma_wait3A_238 = arith.constant 0 : i32
        %dma_wait3A_239 = tpu.memref_slice %arg11[%dma_wait3A_237, %dma_wait3A_238] : memref<10240x128xf32, #tpu.memory_space<vmem_shared>> -> memref<10240x128xf32, #tpu.memory_space<vmem_shared>>
        tpu.wait_indirect_dma semaphore(%run_scoped3A_227 : memref<!tpu.dma_semaphore, #tpu.memory_space<semaphore_mem>>) src(%arg10 : memref<100x128xf32, #tpu.memory_space<vmem>>) dst(%dma_wait3A_239 : memref<10240x128xf32, #tpu.memory_space<vmem_shared>>)
        tpu.yield
      }) : () -> ()
      %scan3A_226 = arith.constant 0 : i32
      scf.yield %scan3A_226 : i32
    }
    %scan3A_176 = arith.constant 25 : i32
    %run_scoped3A = arith.constant 1 : i32
    "tpu.region"() ({
      %run_scoped3A_198 = tpu.sem_alloc : memref<!tpu.dma_semaphore, #tpu.memory_space<semaphore_mem>>
      %dma_start3A_199 = arith.constant 0 : i32
      %dma_start3A_200 = arith.constant 0 : i32
      %dma_start3A_201 = tpu.memref_slice %arg4[%add3A, %run_scoped3A, %dma_start3A_199, %dma_start3A_200] : memref<32x2x50x100xi32, #tpu.memory_space<hbm>> -> memref<1x1x50x100xi32, #tpu.memory_space<hbm>>
      %dma_start3A_202 = tpu.memref_squeeze %dma_start3A_201 : memref<1x1x50x100xi32, #tpu.memory_space<hbm>> -> memref<50x100xi32, #tpu.memory_space<hbm>>
      %dma_start3A_203 = arith.constant 0 : i32
      %dma_start3A_204 = arith.constant 0 : i32
      %dma_start3A_205 = tpu.memref_slice %arg4[%add3A, %run_scoped3A, %dma_start3A_203, %dma_start3A_204] : memref<32x2x50x100xi32, #tpu.memory_space<hbm>> -> memref<1x1x50x100xi32, #tpu.memory_space<hbm>>
      %dma_start3A_206 = tpu.memref_squeeze %dma_start3A_205 : memref<1x1x50x100xi32, #tpu.memory_space<hbm>> -> memref<50x100xi32, #tpu.memory_space<hbm>>
      tpu.enqueue_dma source(%dma_start3A_206 : memref<50x100xi32, #tpu.memory_space<hbm>>) target(%arg8 : memref<50x100xi32, #tpu.memory_space<vmem>>) target_semaphore(%run_scoped3A_198 : memref<!tpu.dma_semaphore, #tpu.memory_space<semaphore_mem>>)
      %dma_wait3A_207 = arith.constant 0 : i32
      %dma_wait3A_208 = arith.constant 0 : i32
      %dma_wait3A_209 = tpu.memref_slice %arg4[%add3A, %run_scoped3A, %dma_wait3A_207, %dma_wait3A_208] : memref<32x2x50x100xi32, #tpu.memory_space<hbm>> -> memref<1x1x50x100xi32, #tpu.memory_space<hbm>>
      %dma_wait3A_210 = tpu.memref_squeeze %dma_wait3A_209 : memref<1x1x50x100xi32, #tpu.memory_space<hbm>> -> memref<50x100xi32, #tpu.memory_space<hbm>>
      %dma_wait3A_211 = arith.constant 0 : i32
      %dma_wait3A_212 = arith.constant 0 : i32
      %dma_wait3A_213 = tpu.memref_slice %arg4[%add3A, %run_scoped3A, %dma_wait3A_211, %dma_wait3A_212] : memref<32x2x50x100xi32, #tpu.memory_space<hbm>> -> memref<1x1x50x100xi32, #tpu.memory_space<hbm>>
      %dma_wait3A_214 = tpu.memref_squeeze %dma_wait3A_213 : memref<1x1x50x100xi32, #tpu.memory_space<hbm>> -> memref<50x100xi32, #tpu.memory_space<hbm>>
      tpu.wait_dma2 semaphore(%run_scoped3A_198 : memref<!tpu.dma_semaphore, #tpu.memory_space<semaphore_mem>>) src(%dma_wait3A_214 : memref<50x100xi32, #tpu.memory_space<hbm>>) dst(%arg8 : memref<50x100xi32, #tpu.memory_space<vmem>>)
      tpu.yield
    }) : () -> ()
    %scan3A_177 = arith.constant 0 : i32
    %scan3A_178 = arith.constant 0 : i32
    %scan3A_179 = arith.constant 24 : i32
    %scan3A_180 = arith.addi %scan3A_178, %scan3A_179 : i32
    %scan3A_181 = arith.constant 1 : i32
    %scan3A_182 = scf.for %scan3A_198 = %scan3A_178 to %scan3A_180 step %scan3A_181 iter_args(%scan3A_199 = %scan3A_177) -> (i32)  : i32 {
      %mul3A_200 = arith.constant 2 : i32
      %mul3A_201 = arith.muli %mul3A_200, %scan3A_198 : i32
      %add3A_202 = arith.constant 50 : i32
      %add3A_203 = arith.addi %add3A_202, %mul3A_201 : i32
      %add3A_204 = arith.constant 1 : i32
      %add3A_205 = arith.addi %add3A_203, %add3A_204 : i32
      %dma_start3A_206 = arith.constant 0 : i32
      %dma_start3A_207 = tpu.memref_slice %arg7[%add3A_205, %dma_start3A_206] : memref<100x100xi32, #tpu.memory_space<vmem>> -> memref<1x100xi32, #tpu.memory_space<vmem>>
      %dma_start3A_208 = tpu.memref_squeeze %dma_start3A_207 : memref<1x100xi32, #tpu.memory_space<vmem>> -> memref<100xi32, #tpu.memory_space<vmem>>
      %dma_start3A_209 = arith.constant 0 : i32
      %dma_start3A_210 = arith.constant 0 : i32
      %dma_start3A_211 = tpu.memref_slice %arg2[%dma_start3A_209, %dma_start3A_210] : memref<10000x128xf32, #tpu.memory_space<hbm>> -> memref<10000x128xf32, #tpu.memory_space<hbm>>
      tpu.enqueue_indirect_dma source(%dma_start3A_211 : memref<10000x128xf32, #tpu.memory_space<hbm>>) target(%arg10 : memref<100x128xf32, #tpu.memory_space<vmem>>) offsets(%dma_start3A_208 : memref<100xi32, #tpu.memory_space<vmem>>) semaphore(%arg13 : memref<!tpu.dma_semaphore, #tpu.memory_space<semaphore_mem>>)
      tpu.wait_dma2 semaphore(%arg12 : memref<!tpu.dma_semaphore, #tpu.memory_space<semaphore_mem>>) src(%arg5 : memref<100x128xf32, #tpu.memory_space<hbm>>) dst(%arg9 : memref<100x128xf32, #tpu.memory_space<vmem>>)
      %mul3A_212 = arith.constant 2 : i32
      %mul3A_213 = arith.muli %mul3A_212, %scan3A_198 : i32
      "tpu.region"() ({
        %run_scoped3A_227 = tpu.sem_alloc : memref<!tpu.dma_semaphore, #tpu.memory_space<semaphore_mem>>
        %dma_start3A_228 = arith.constant 0 : i32
        %dma_start3A_229 = tpu.memref_slice %arg8[%mul3A_213, %dma_start3A_228] : memref<50x100xi32, #tpu.memory_space<vmem>> -> memref<1x100xi32, #tpu.memory_space<vmem>>
        %dma_start3A_230 = tpu.memref_squeeze %dma_start3A_229 : memref<1x100xi32, #tpu.memory_space<vmem>> -> memref<100xi32, #tpu.memory_space<vmem>>
        %dma_start3A_231 = arith.constant 0 : i32
        %dma_start3A_232 = arith.constant 0 : i32
        %dma_start3A_233 = tpu.memref_slice %arg11[%dma_start3A_231, %dma_start3A_232] : memref<10240x128xf32, #tpu.memory_space<vmem_shared>> -> memref<10240x128xf32, #tpu.memory_space<vmem_shared>>
        tpu.enqueue_indirect_dma source(%arg9 : memref<100x128xf32, #tpu.memory_space<vmem>>) target(%dma_start3A_233 : memref<10240x128xf32, #tpu.memory_space<vmem_shared>>) offsets(%dma_start3A_230 : memref<100xi32, #tpu.memory_space<vmem>>) semaphore(%run_scoped3A_227 : memref<!tpu.dma_semaphore, #tpu.memory_space<semaphore_mem>>) {add = true}
        %dma_wait3A_234 = arith.constant 0 : i32
        %dma_wait3A_235 = tpu.memref_slice %arg8[%mul3A_213, %dma_wait3A_234] : memref<50x100xi32, #tpu.memory_space<vmem>> -> memref<1x100xi32, #tpu.memory_space<vmem>>
        %dma_wait3A_236 = tpu.memref_squeeze %dma_wait3A_235 : memref<1x100xi32, #tpu.memory_space<vmem>> -> memref<100xi32, #tpu.memory_space<vmem>>
        %dma_wait3A_237 = arith.constant 0 : i32
        %dma_wait3A_238 = arith.constant 0 : i32
        %dma_wait3A_239 = tpu.memref_slice %arg11[%dma_wait3A_237, %dma_wait3A_238] : memref<10240x128xf32, #tpu.memory_space<vmem_shared>> -> memref<10240x128xf32, #tpu.memory_space<vmem_shared>>
        tpu.wait_indirect_dma semaphore(%run_scoped3A_227 : memref<!tpu.dma_semaphore, #tpu.memory_space<semaphore_mem>>) src(%arg9 : memref<100x128xf32, #tpu.memory_space<vmem>>) dst(%dma_wait3A_239 : memref<10240x128xf32, #tpu.memory_space<vmem_shared>>)
        tpu.yield
      }) : () -> ()
      %add3A_214 = arith.constant 2 : i32
      %add3A_215 = arith.addi %add3A_203, %add3A_214 : i32
      %dma_start3A_216 = arith.constant 0 : i32
      %dma_start3A_217 = tpu.memref_slice %arg7[%add3A_215, %dma_start3A_216] : memref<100x100xi32, #tpu.memory_space<vmem>> -> memref<1x100xi32, #tpu.memory_space<vmem>>
      %dma_start3A_218 = tpu.memref_squeeze %dma_start3A_217 : memref<1x100xi32, #tpu.memory_space<vmem>> -> memref<100xi32, #tpu.memory_space<vmem>>
      %dma_start3A_219 = arith.constant 0 : i32
      %dma_start3A_220 = arith.constant 0 : i32
      %dma_start3A_221 = tpu.memref_slice %arg2[%dma_start3A_219, %dma_start3A_220] : memref<10000x128xf32, #tpu.memory_space<hbm>> -> memref<10000x128xf32, #tpu.memory_space<hbm>>
      tpu.enqueue_indirect_dma source(%dma_start3A_221 : memref<10000x128xf32, #tpu.memory_space<hbm>>) target(%arg9 : memref<100x128xf32, #tpu.memory_space<vmem>>) offsets(%dma_start3A_218 : memref<100xi32, #tpu.memory_space<vmem>>) semaphore(%arg12 : memref<!tpu.dma_semaphore, #tpu.memory_space<semaphore_mem>>)
      tpu.wait_dma2 semaphore(%arg13 : memref<!tpu.dma_semaphore, #tpu.memory_space<semaphore_mem>>) src(%arg5 : memref<100x128xf32, #tpu.memory_space<hbm>>) dst(%arg10 : memref<100x128xf32, #tpu.memory_space<vmem>>)
      %mul3A_222 = arith.constant 2 : i32
      %mul3A_223 = arith.muli %mul3A_222, %scan3A_198 : i32
      %add3A_224 = arith.constant 1 : i32
      %add3A_225 = arith.addi %mul3A_223, %add3A_224 : i32
      "tpu.region"() ({
        %run_scoped3A_227 = tpu.sem_alloc : memref<!tpu.dma_semaphore, #tpu.memory_space<semaphore_mem>>
        %dma_start3A_228 = arith.constant 0 : i32
        %dma_start3A_229 = tpu.memref_slice %arg8[%add3A_225, %dma_start3A_228] : memref<50x100xi32, #tpu.memory_space<vmem>> -> memref<1x100xi32, #tpu.memory_space<vmem>>
        %dma_start3A_230 = tpu.memref_squeeze %dma_start3A_229 : memref<1x100xi32, #tpu.memory_space<vmem>> -> memref<100xi32, #tpu.memory_space<vmem>>
        %dma_start3A_231 = arith.constant 0 : i32
        %dma_start3A_232 = arith.constant 0 : i32
        %dma_start3A_233 = tpu.memref_slice %arg11[%dma_start3A_231, %dma_start3A_232] : memref<10240x128xf32, #tpu.memory_space<vmem_shared>> -> memref<10240x128xf32, #tpu.memory_space<vmem_shared>>
        tpu.enqueue_indirect_dma source(%arg10 : memref<100x128xf32, #tpu.memory_space<vmem>>) target(%dma_start3A_233 : memref<10240x128xf32, #tpu.memory_space<vmem_shared>>) offsets(%dma_start3A_230 : memref<100xi32, #tpu.memory_space<vmem>>) semaphore(%run_scoped3A_227 : memref<!tpu.dma_semaphore, #tpu.memory_space<semaphore_mem>>) {add = true}
        %dma_wait3A_234 = arith.constant 0 : i32
        %dma_wait3A_235 = tpu.memref_slice %arg8[%add3A_225, %dma_wait3A_234] : memref<50x100xi32, #tpu.memory_space<vmem>> -> memref<1x100xi32, #tpu.memory_space<vmem>>
        %dma_wait3A_236 = tpu.memref_squeeze %dma_wait3A_235 : memref<1x100xi32, #tpu.memory_space<vmem>> -> memref<100xi32, #tpu.memory_space<vmem>>
        %dma_wait3A_237 = arith.constant 0 : i32
        %dma_wait3A_238 = arith.constant 0 : i32
        %dma_wait3A_239 = tpu.memref_slice %arg11[%dma_wait3A_237, %dma_wait3A_238] : memref<10240x128xf32, #tpu.memory_space<vmem_shared>> -> memref<10240x128xf32, #tpu.memory_space<vmem_shared>>
        tpu.wait_indirect_dma semaphore(%run_scoped3A_227 : memref<!tpu.dma_semaphore, #tpu.memory_space<semaphore_mem>>) src(%arg10 : memref<100x128xf32, #tpu.memory_space<vmem>>) dst(%dma_wait3A_239 : memref<10240x128xf32, #tpu.memory_space<vmem_shared>>)
        tpu.yield
      }) : () -> ()
      %scan3A_226 = arith.constant 0 : i32
      scf.yield %scan3A_226 : i32
    }
    %scan3A_183 = arith.constant 24 : i32
    %dma_start3A_184 = arith.constant 99 : i32
    %dma_start3A_185 = arith.constant 0 : i32
    %dma_start3A_186 = tpu.memref_slice %arg7[%dma_start3A_184, %dma_start3A_185] : memref<100x100xi32, #tpu.memory_space<vmem>> -> memref<1x100xi32, #tpu.memory_space<vmem>>
    %dma_start3A_187 = tpu.memref_squeeze %dma_start3A_186 : memref<1x100xi32, #tpu.memory_space<vmem>> -> memref<100xi32, #tpu.memory_space<vmem>>
    %dma_start3A_188 = arith.constant 0 : i32
    %dma_start3A_189 = arith.constant 0 : i32
    %dma_start3A_190 = tpu.memref_slice %arg2[%dma_start3A_188, %dma_start3A_189] : memref<10000x128xf32, #tpu.memory_space<hbm>> -> memref<10000x128xf32, #tpu.memory_space<hbm>>
    tpu.enqueue_indirect_dma source(%dma_start3A_190 : memref<10000x128xf32, #tpu.memory_space<hbm>>) target(%arg10 : memref<100x128xf32, #tpu.memory_space<vmem>>) offsets(%dma_start3A_187 : memref<100xi32, #tpu.memory_space<vmem>>) semaphore(%arg13 : memref<!tpu.dma_semaphore, #tpu.memory_space<semaphore_mem>>)
    tpu.wait_dma2 semaphore(%arg12 : memref<!tpu.dma_semaphore, #tpu.memory_space<semaphore_mem>>) src(%arg5 : memref<100x128xf32, #tpu.memory_space<hbm>>) dst(%arg9 : memref<100x128xf32, #tpu.memory_space<vmem>>)
    %run_scoped3A_191 = arith.constant 48 : i32
    "tpu.region"() ({
      %run_scoped3A_198 = tpu.sem_alloc : memref<!tpu.dma_semaphore, #tpu.memory_space<semaphore_mem>>
      %dma_start3A_199 = arith.constant 0 : i32
      %dma_start3A_200 = tpu.memref_slice %arg8[%run_scoped3A_191, %dma_start3A_199] : memref<50x100xi32, #tpu.memory_space<vmem>> -> memref<1x100xi32, #tpu.memory_space<vmem>>
      %dma_start3A_201 = tpu.memref_squeeze %dma_start3A_200 : memref<1x100xi32, #tpu.memory_space<vmem>> -> memref<100xi32, #tpu.memory_space<vmem>>
      %dma_start3A_202 = arith.constant 0 : i32
      %dma_start3A_203 = arith.constant 0 : i32
      %dma_start3A_204 = tpu.memref_slice %arg11[%dma_start3A_202, %dma_start3A_203] : memref<10240x128xf32, #tpu.memory_space<vmem_shared>> -> memref<10240x128xf32, #tpu.memory_space<vmem_shared>>
      tpu.enqueue_indirect_dma source(%arg9 : memref<100x128xf32, #tpu.memory_space<vmem>>) target(%dma_start3A_204 : memref<10240x128xf32, #tpu.memory_space<vmem_shared>>) offsets(%dma_start3A_201 : memref<100xi32, #tpu.memory_space<vmem>>) semaphore(%run_scoped3A_198 : memref<!tpu.dma_semaphore, #tpu.memory_space<semaphore_mem>>) {add = true}
      %dma_wait3A_205 = arith.constant 0 : i32
      %dma_wait3A_206 = tpu.memref_slice %arg8[%run_scoped3A_191, %dma_wait3A_205] : memref<50x100xi32, #tpu.memory_space<vmem>> -> memref<1x100xi32, #tpu.memory_space<vmem>>
      %dma_wait3A_207 = tpu.memref_squeeze %dma_wait3A_206 : memref<1x100xi32, #tpu.memory_space<vmem>> -> memref<100xi32, #tpu.memory_space<vmem>>
      %dma_wait3A_208 = arith.constant 0 : i32
      %dma_wait3A_209 = arith.constant 0 : i32
      %dma_wait3A_210 = tpu.memref_slice %arg11[%dma_wait3A_208, %dma_wait3A_209] : memref<10240x128xf32, #tpu.memory_space<vmem_shared>> -> memref<10240x128xf32, #tpu.memory_space<vmem_shared>>
      tpu.wait_indirect_dma semaphore(%run_scoped3A_198 : memref<!tpu.dma_semaphore, #tpu.memory_space<semaphore_mem>>) src(%arg9 : memref<100x128xf32, #tpu.memory_space<vmem>>) dst(%dma_wait3A_210 : memref<10240x128xf32, #tpu.memory_space<vmem_shared>>)
      tpu.yield
    }) : () -> ()
    tpu.wait_dma2 semaphore(%arg13 : memref<!tpu.dma_semaphore, #tpu.memory_space<semaphore_mem>>) src(%arg5 : memref<100x128xf32, #tpu.memory_space<hbm>>) dst(%arg10 : memref<100x128xf32, #tpu.memory_space<vmem>>)
    %run_scoped3A_192 = arith.constant 49 : i32
    "tpu.region"() ({
      %run_scoped3A_198 = tpu.sem_alloc : memref<!tpu.dma_semaphore, #tpu.memory_space<semaphore_mem>>
      %dma_start3A_199 = arith.constant 0 : i32
      %dma_start3A_200 = tpu.memref_slice %arg8[%run_scoped3A_192, %dma_start3A_199] : memref<50x100xi32, #tpu.memory_space<vmem>> -> memref<1x100xi32, #tpu.memory_space<vmem>>
      %dma_start3A_201 = tpu.memref_squeeze %dma_start3A_200 : memref<1x100xi32, #tpu.memory_space<vmem>> -> memref<100xi32, #tpu.memory_space<vmem>>
      %dma_start3A_202 = arith.constant 0 : i32
      %dma_start3A_203 = arith.constant 0 : i32
      %dma_start3A_204 = tpu.memref_slice %arg11[%dma_start3A_202, %dma_start3A_203] : memref<10240x128xf32, #tpu.memory_space<vmem_shared>> -> memref<10240x128xf32, #tpu.memory_space<vmem_shared>>
      tpu.enqueue_indirect_dma source(%arg10 : memref<100x128xf32, #tpu.memory_space<vmem>>) target(%dma_start3A_204 : memref<10240x128xf32, #tpu.memory_space<vmem_shared>>) offsets(%dma_start3A_201 : memref<100xi32, #tpu.memory_space<vmem>>) semaphore(%run_scoped3A_198 : memref<!tpu.dma_semaphore, #tpu.memory_space<semaphore_mem>>) {add = true}
      %dma_wait3A_205 = arith.constant 0 : i32
      %dma_wait3A_206 = tpu.memref_slice %arg8[%run_scoped3A_192, %dma_wait3A_205] : memref<50x100xi32, #tpu.memory_space<vmem>> -> memref<1x100xi32, #tpu.memory_space<vmem>>
      %dma_wait3A_207 = tpu.memref_squeeze %dma_wait3A_206 : memref<1x100xi32, #tpu.memory_space<vmem>> -> memref<100xi32, #tpu.memory_space<vmem>>
      %dma_wait3A_208 = arith.constant 0 : i32
      %dma_wait3A_209 = arith.constant 0 : i32
      %dma_wait3A_210 = tpu.memref_slice %arg11[%dma_wait3A_208, %dma_wait3A_209] : memref<10240x128xf32, #tpu.memory_space<vmem_shared>> -> memref<10240x128xf32, #tpu.memory_space<vmem_shared>>
      tpu.wait_indirect_dma semaphore(%run_scoped3A_198 : memref<!tpu.dma_semaphore, #tpu.memory_space<semaphore_mem>>) src(%arg10 : memref<100x128xf32, #tpu.memory_space<vmem>>) dst(%dma_wait3A_210 : memref<10240x128xf32, #tpu.memory_space<vmem_shared>>)
      tpu.yield
    }) : () -> ()
    %barrier3A_193 = arith.constant 0 : index
    tpu.barrier barrier_id(%barrier3A_193)
    %mul3A_194 = arith.constant 640 : i32
    %mul3A_195 = arith.muli %arg1, %mul3A_194 : i32
    %mul3A_196 = arith.constant 640 : i32
    %mul3A_197 = arith.muli %arg1, %mul3A_196 : i32
    "tpu.region"() ({
      %run_scoped3A_198 = tpu.sem_alloc : memref<!tpu.dma_semaphore, #tpu.memory_space<semaphore_mem>>
      %dma_start3A_199 = arith.constant 0 : i32
      %dma_start3A_200 = tpu.memref_slice %arg6[%arg0, %mul3A_197, %dma_start3A_199] : memref<2x10240x128xf32, #tpu.memory_space<hbm>> -> memref<1x640x128xf32, #tpu.memory_space<hbm>>
      %dma_start3A_201 = tpu.memref_squeeze %dma_start3A_200 : memref<1x640x128xf32, #tpu.memory_space<hbm>> -> memref<640x128xf32, #tpu.memory_space<hbm>>
      %dma_start3A_202 = arith.constant 0 : i32
      %dma_start3A_203 = tpu.memref_slice %arg11[%mul3A_195, %dma_start3A_202] : memref<10240x128xf32, #tpu.memory_space<vmem_shared>> -> memref<640x128xf32, #tpu.memory_space<vmem_shared>>
      tpu.enqueue_dma source(%dma_start3A_203 : memref<640x128xf32, #tpu.memory_space<vmem_shared>>) target(%dma_start3A_201 : memref<640x128xf32, #tpu.memory_space<hbm>>) target_semaphore(%run_scoped3A_198 : memref<!tpu.dma_semaphore, #tpu.memory_space<semaphore_mem>>)
      %dma_wait3A_204 = arith.constant 0 : i32
      %dma_wait3A_205 = tpu.memref_slice %arg6[%arg0, %mul3A_197, %dma_wait3A_204] : memref<2x10240x128xf32, #tpu.memory_space<hbm>> -> memref<1x640x128xf32, #tpu.memory_space<hbm>>
      %dma_wait3A_206 = tpu.memref_squeeze %dma_wait3A_205 : memref<1x640x128xf32, #tpu.memory_space<hbm>> -> memref<640x128xf32, #tpu.memory_space<hbm>>
      %dma_wait3A_207 = arith.constant 0 : i32
      %dma_wait3A_208 = tpu.memref_slice %arg11[%mul3A_195, %dma_wait3A_207] : memref<10240x128xf32, #tpu.memory_space<vmem_shared>> -> memref<640x128xf32, #tpu.memory_space<vmem_shared>>
      tpu.wait_dma2 semaphore(%run_scoped3A_198 : memref<!tpu.dma_semaphore, #tpu.memory_space<semaphore_mem>>) src(%dma_wait3A_208 : memref<640x128xf32, #tpu.memory_space<vmem_shared>>) dst(%dma_wait3A_206 : memref<640x128xf32, #tpu.memory_space<hbm>>)
      tpu.yield
    }) : () -> ()
    return
  }
}

#map = affine_map<(d0, d1) -> (0, 0)>
#map1 = affine_map<(d0, d1) -> (0, 0, 0)>
#map2 = affine_map<(d0, d1) -> (0, 0, 0, 0)>
module attributes {stable_mosaic.version = 14 : i64} {
  func.func @_agg_body(%arg0: i32, %arg1: i32, %arg2: memref<10000x128xf32, #tpu.memory_space<hbm>>, %arg3: memref<32x100x100xi32, #tpu.memory_space<hbm>>, %arg4: memref<32x2x50x100xi32, #tpu.memory_space<hbm>>, %arg5: memref<100x128xf32, #tpu.memory_space<hbm>>, %arg6: memref<2x10240x128xf32, #tpu.memory_space<hbm>>, %arg7: memref<100x100xi32, #tpu.memory_space<vmem>>, %arg8: memref<50x100xi32, #tpu.memory_space<vmem>>, %arg9: memref<100x128xf32, #tpu.memory_space<vmem>>, %arg10: memref<100x128xf32, #tpu.memory_space<vmem>>, %arg11: memref<10240x128xf32, #tpu.memory_space<vmem_shared>>, %arg12: memref<!tpu.dma_semaphore, #tpu.memory_space<semaphore_mem>>, %arg13: memref<!tpu.dma_semaphore, #tpu.memory_space<semaphore_mem>>) attributes {dimension_semantics = [#tpu.dimension_semantics<core_parallel>, #tpu.dimension_semantics<subcore_parallel>], iteration_bounds = array<i64: 2, 16>, scalar_prefetch = 0 : i64, scratch_operands = 7 : i64, tpu.core_type = #tpu.core_type<sc_vector_subcore>, window_params = [{transform_indices = #map}, {transform_indices = #map1}, {transform_indices = #map2}, {transform_indices = #map}, {transform_indices = #map1}]} {
    %mul3A = arith.constant 16 : i32
    %mul3A_0 = arith.muli %arg0, %mul3A : i32
    %add3A = arith.addi %mul3A_0, %arg1 : i32
    %dma_start3A = arith.constant 0 : i32
    %dma_start3A_1 = arith.constant 0 : i32
    %dma_start3A_2 = tpu.memref_slice %arg3[%add3A, %dma_start3A, %dma_start3A_1] : memref<32x100x100xi32, #tpu.memory_space<hbm>> -> memref<1x100x100xi32, #tpu.memory_space<hbm>>
    %dma_start3A_3 = tpu.memref_squeeze %dma_start3A_2 : memref<1x100x100xi32, #tpu.memory_space<hbm>> -> memref<100x100xi32, #tpu.memory_space<hbm>>
    %dma_start3A_4 = arith.constant 0 : i32
    %dma_start3A_5 = arith.constant 0 : i32
    %dma_start3A_6 = tpu.memref_slice %arg3[%add3A, %dma_start3A_4, %dma_start3A_5] : memref<32x100x100xi32, #tpu.memory_space<hbm>> -> memref<1x100x100xi32, #tpu.memory_space<hbm>>
    %dma_start3A_7 = tpu.memref_squeeze %dma_start3A_6 : memref<1x100x100xi32, #tpu.memory_space<hbm>> -> memref<100x100xi32, #tpu.memory_space<hbm>>
    tpu.enqueue_dma source(%dma_start3A_7 : memref<100x100xi32, #tpu.memory_space<hbm>>) target(%arg7 : memref<100x100xi32, #tpu.memory_space<vmem>>) target_semaphore(%arg13 : memref<!tpu.dma_semaphore, #tpu.memory_space<semaphore_mem>>)
    %dma_start3A_8 = arith.constant 0 : i32
    %dma_start3A_9 = arith.constant 0 : i32
    %dma_start3A_10 = arith.constant 0 : i32
    %dma_start3A_11 = tpu.memref_slice %arg4[%add3A, %dma_start3A_8, %dma_start3A_9, %dma_start3A_10] : memref<32x2x50x100xi32, #tpu.memory_space<hbm>> -> memref<1x1x50x100xi32, #tpu.memory_space<hbm>>
    %dma_start3A_12 = tpu.memref_squeeze %dma_start3A_11 : memref<1x1x50x100xi32, #tpu.memory_space<hbm>> -> memref<50x100xi32, #tpu.memory_space<hbm>>
    %dma_start3A_13 = arith.constant 0 : i32
    %dma_start3A_14 = arith.constant 0 : i32
    %dma_start3A_15 = tpu.memref_slice %arg4[%add3A, %dma_start3A_8, %dma_start3A_13, %dma_start3A_14] : memref<32x2x50x100xi32, #tpu.memory_space<hbm>> -> memref<1x1x50x100xi32, #tpu.memory_space<hbm>>
    %dma_start3A_16 = tpu.memref_squeeze %dma_start3A_15 : memref<1x1x50x100xi32, #tpu.memory_space<hbm>> -> memref<50x100xi32, #tpu.memory_space<hbm>>
    tpu.enqueue_dma source(%dma_start3A_16 : memref<50x100xi32, #tpu.memory_space<hbm>>) target(%arg8 : memref<50x100xi32, #tpu.memory_space<vmem>>) target_semaphore(%arg13 : memref<!tpu.dma_semaphore, #tpu.memory_space<semaphore_mem>>)
    %scan3A = arith.constant 0 : i32
    %scan3A_17 = arith.constant 0 : i32
    %scan3A_18 = arith.constant 100 : i32
    %scan3A_19 = arith.addi %scan3A_17, %scan3A_18 : i32
    %scan3A_20 = arith.constant 1 : i32
    %scan3A_21 = scf.for %scan3A_198 = %scan3A_17 to %scan3A_19 step %scan3A_20 iter_args(%scan3A_199 = %scan3A) -> (i32)  : i32 {
      %broadcast_in_dim3A = arith.constant 0.000000e+00 : f32
      %broadcast_in_dim3A_200 = vector.broadcast %broadcast_in_dim3A : f32 to vector<16xf32>
      %swap3A = arith.index_cast %scan3A_198 : i32 to index
      %swap3A_201 = arith.constant 0 : index
      %swap3A_202 = tpu.vector_load %arg9[%swap3A, %swap3A_201] {strides = array<i32>} : memref<100x128xf32, #tpu.memory_space<vmem>>, vector<1x16xf32>,
      %swap3A_203 = vector.shape_cast %swap3A_202 : vector<1x16xf32> to vector<16xf32>
      %swap3A_204 = vector.shape_cast %broadcast_in_dim3A_200 : vector<16xf32> to vector<1x16xf32>
      tpu.vector_store %arg9[%swap3A, %swap3A_201], %swap3A_204 {strides = array<i32>} : memref<100x128xf32, #tpu.memory_space<vmem>>, vector<1x16xf32>,
      %broadcast_in_dim3A_205 = arith.constant 0.000000e+00 : f32
      %broadcast_in_dim3A_206 = vector.broadcast %broadcast_in_dim3A_205 : f32 to vector<16xf32>
      %swap3A_207 = arith.index_cast %scan3A_198 : i32 to index
      %swap3A_208 = arith.constant 16 : index
      %swap3A_209 = tpu.vector_load %arg9[%swap3A_207, %swap3A_208] {strides = array<i32>} : memref<100x128xf32, #tpu.memory_space<vmem>>, vector<1x16xf32>,
      %swap3A_210 = vector.shape_cast %swap3A_209 : vector<1x16xf32> to vector<16xf32>
      %swap3A_211 = vector.shape_cast %broadcast_in_dim3A_206 : vector<16xf32> to vector<1x16xf32>
      tpu.vector_store %arg9[%swap3A_207, %swap3A_208], %swap3A_211 {strides = array<i32>} : memref<100x128xf32, #tpu.memory_space<vmem>>, vector<1x16xf32>,
      %broadcast_in_dim3A_212 = arith.constant 0.000000e+00 : f32
      %broadcast_in_dim3A_213 = vector.broadcast %broadcast_in_dim3A_212 : f32 to vector<16xf32>
      %swap3A_214 = arith.index_cast %scan3A_198 : i32 to index
      %swap3A_215 = arith.constant 32 : index
      %swap3A_216 = tpu.vector_load %arg9[%swap3A_214, %swap3A_215] {strides = array<i32>} : memref<100x128xf32, #tpu.memory_space<vmem>>, vector<1x16xf32>,
      %swap3A_217 = vector.shape_cast %swap3A_216 : vector<1x16xf32> to vector<16xf32>
      %swap3A_218 = vector.shape_cast %broadcast_in_dim3A_213 : vector<16xf32> to vector<1x16xf32>
      tpu.vector_store %arg9[%swap3A_214, %swap3A_215], %swap3A_218 {strides = array<i32>} : memref<100x128xf32, #tpu.memory_space<vmem>>, vector<1x16xf32>,
      %broadcast_in_dim3A_219 = arith.constant 0.000000e+00 : f32
      %broadcast_in_dim3A_220 = vector.broadcast %broadcast_in_dim3A_219 : f32 to vector<16xf32>
      %swap3A_221 = arith.index_cast %scan3A_198 : i32 to index
      %swap3A_222 = arith.constant 48 : index
      %swap3A_223 = tpu.vector_load %arg9[%swap3A_221, %swap3A_222] {strides = array<i32>} : memref<100x128xf32, #tpu.memory_space<vmem>>, vector<1x16xf32>,
      %swap3A_224 = vector.shape_cast %swap3A_223 : vector<1x16xf32> to vector<16xf32>
      %swap3A_225 = vector.shape_cast %broadcast_in_dim3A_220 : vector<16xf32> to vector<1x16xf32>
      tpu.vector_store %arg9[%swap3A_221, %swap3A_222], %swap3A_225 {strides = array<i32>} : memref<100x128xf32, #tpu.memory_space<vmem>>, vector<1x16xf32>,
      %broadcast_in_dim3A_226 = arith.constant 0.000000e+00 : f32
      %broadcast_in_dim3A_227 = vector.broadcast %broadcast_in_dim3A_226 : f32 to vector<16xf32>
      %swap3A_228 = arith.index_cast %scan3A_198 : i32 to index
      %swap3A_229 = arith.constant 64 : index
      %swap3A_230 = tpu.vector_load %arg9[%swap3A_228, %swap3A_229] {strides = array<i32>} : memref<100x128xf32, #tpu.memory_space<vmem>>, vector<1x16xf32>,
      %swap3A_231 = vector.shape_cast %swap3A_230 : vector<1x16xf32> to vector<16xf32>
      %swap3A_232 = vector.shape_cast %broadcast_in_dim3A_227 : vector<16xf32> to vector<1x16xf32>
      tpu.vector_store %arg9[%swap3A_228, %swap3A_229], %swap3A_232 {strides = array<i32>} : memref<100x128xf32, #tpu.memory_space<vmem>>, vector<1x16xf32>,
      %broadcast_in_dim3A_233 = arith.constant 0.000000e+00 : f32
      %broadcast_in_dim3A_234 = vector.broadcast %broadcast_in_dim3A_233 : f32 to vector<16xf32>
      %swap3A_235 = arith.index_cast %scan3A_198 : i32 to index
      %swap3A_236 = arith.constant 80 : index
      %swap3A_237 = tpu.vector_load %arg9[%swap3A_235, %swap3A_236] {strides = array<i32>} : memref<100x128xf32, #tpu.memory_space<vmem>>, vector<1x16xf32>,
      %swap3A_238 = vector.shape_cast %swap3A_237 : vector<1x16xf32> to vector<16xf32>
      %swap3A_239 = vector.shape_cast %broadcast_in_dim3A_234 : vector<16xf32> to vector<1x16xf32>
      tpu.vector_store %arg9[%swap3A_235, %swap3A_236], %swap3A_239 {strides = array<i32>} : memref<100x128xf32, #tpu.memory_space<vmem>>, vector<1x16xf32>,
      %broadcast_in_dim3A_240 = arith.constant 0.000000e+00 : f32
      %broadcast_in_dim3A_241 = vector.broadcast %broadcast_in_dim3A_240 : f32 to vector<16xf32>
      %swap3A_242 = arith.index_cast %scan3A_198 : i32 to index
      %swap3A_243 = arith.constant 96 : index
      %swap3A_244 = tpu.vector_load %arg9[%swap3A_242, %swap3A_243] {strides = array<i32>} : memref<100x128xf32, #tpu.memory_space<vmem>>, vector<1x16xf32>,
      %swap3A_245 = vector.shape_cast %swap3A_244 : vector<1x16xf32> to vector<16xf32>
      %swap3A_246 = vector.shape_cast %broadcast_in_dim3A_241 : vector<16xf32> to vector<1x16xf32>
      tpu.vector_store %arg9[%swap3A_242, %swap3A_243], %swap3A_246 {strides = array<i32>} : memref<100x128xf32, #tpu.memory_space<vmem>>, vector<1x16xf32>,
      %broadcast_in_dim3A_247 = arith.constant 0.000000e+00 : f32
      %broadcast_in_dim3A_248 = vector.broadcast %broadcast_in_dim3A_247 : f32 to vector<16xf32>
      %swap3A_249 = arith.index_cast %scan3A_198 : i32 to index
      %swap3A_250 = arith.constant 112 : index
      %swap3A_251 = tpu.vector_load %arg9[%swap3A_249, %swap3A_250] {strides = array<i32>} : memref<100x128xf32, #tpu.memory_space<vmem>>, vector<1x16xf32>,
      %swap3A_252 = vector.shape_cast %swap3A_251 : vector<1x16xf32> to vector<16xf32>
      %swap3A_253 = vector.shape_cast %broadcast_in_dim3A_248 : vector<16xf32> to vector<1x16xf32>
      tpu.vector_store %arg9[%swap3A_249, %swap3A_250], %swap3A_253 {strides = array<i32>} : memref<100x128xf32, #tpu.memory_space<vmem>>, vector<1x16xf32>,
      %scan3A_254 = arith.constant 0 : i32
      scf.yield %scan3A_254 : i32
    }
    %scan3A_22 = arith.constant 100 : i32
    %mul3A_23 = arith.constant 640 : i32
    %mul3A_24 = arith.muli %arg1, %mul3A_23 : i32
    %add3A_25 = arith.constant 0 : i32
    %add3A_26 = arith.addi %mul3A_24, %add3A_25 : i32
    %dma_start3A_27 = arith.constant 0 : i32
    %dma_start3A_28 = tpu.memref_slice %arg11[%add3A_26, %dma_start3A_27] : memref<10240x128xf32, #tpu.memory_space<vmem_shared>> -> memref<100x128xf32, #tpu.memory_space<vmem_shared>>
    %dma_start3A_29 = arith.constant 0 : i32
    %dma_start3A_30 = tpu.memref_slice %arg11[%add3A_26, %dma_start3A_29] : memref<10240x128xf32, #tpu.memory_space<vmem_shared>> -> memref<100x128xf32, #tpu.memory_space<vmem_shared>>
    tpu.enqueue_dma source(%arg9 : memref<100x128xf32, #tpu.memory_space<vmem>>) target(%dma_start3A_30 : memref<100x128xf32, #tpu.memory_space<vmem_shared>>) target_semaphore(%arg12 : memref<!tpu.dma_semaphore, #tpu.memory_space<semaphore_mem>>)
    %mul3A_31 = arith.constant 640 : i32
    %mul3A_32 = arith.muli %arg1, %mul3A_31 : i32
    %add3A_33 = arith.constant 100 : i32
    %add3A_34 = arith.addi %mul3A_32, %add3A_33 : i32
    %dma_start3A_35 = arith.constant 0 : i32
    %dma_start3A_36 = tpu.memref_slice %arg11[%add3A_34, %dma_start3A_35] : memref<10240x128xf32, #tpu.memory_space<vmem_shared>> -> memref<100x128xf32, #tpu.memory_space<vmem_shared>>
    %dma_start3A_37 = arith.constant 0 : i32
    %dma_start3A_38 = tpu.memref_slice %arg11[%add3A_34, %dma_start3A_37] : memref<10240x128xf32, #tpu.memory_space<vmem_shared>> -> memref<100x128xf32, #tpu.memory_space<vmem_shared>>
    tpu.enqueue_dma source(%arg9 : memref<100x128xf32, #tpu.memory_space<vmem>>) target(%dma_start3A_38 : memref<100x128xf32, #tpu.memory_space<vmem_shared>>) target_semaphore(%arg12 : memref<!tpu.dma_semaphore, #tpu.memory_space<semaphore_mem>>)
    %mul3A_39 = arith.constant 640 : i32
    %mul3A_40 = arith.muli %arg1, %mul3A_39 : i32
    %add3A_41 = arith.constant 200 : i32
    %add3A_42 = arith.addi %mul3A_40, %add3A_41 : i32
    %dma_start3A_43 = arith.constant 0 : i32
    %dma_start3A_44 = tpu.memref_slice %arg11[%add3A_42, %dma_start3A_43] : memref<10240x128xf32, #tpu.memory_space<vmem_shared>> -> memref<100x128xf32, #tpu.memory_space<vmem_shared>>
    %dma_start3A_45 = arith.constant 0 : i32
    %dma_start3A_46 = tpu.memref_slice %arg11[%add3A_42, %dma_start3A_45] : memref<10240x128xf32, #tpu.memory_space<vmem_shared>> -> memref<100x128xf32, #tpu.memory_space<vmem_shared>>
    tpu.enqueue_dma source(%arg9 : memref<100x128xf32, #tpu.memory_space<vmem>>) target(%dma_start3A_46 : memref<100x128xf32, #tpu.memory_space<vmem_shared>>) target_semaphore(%arg12 : memref<!tpu.dma_semaphore, #tpu.memory_space<semaphore_mem>>)
    %mul3A_47 = arith.constant 640 : i32
    %mul3A_48 = arith.muli %arg1, %mul3A_47 : i32
    %add3A_49 = arith.constant 300 : i32
    %add3A_50 = arith.addi %mul3A_48, %add3A_49 : i32
    %dma_start3A_51 = arith.constant 0 : i32
    %dma_start3A_52 = tpu.memref_slice %arg11[%add3A_50, %dma_start3A_51] : memref<10240x128xf32, #tpu.memory_space<vmem_shared>> -> memref<100x128xf32, #tpu.memory_space<vmem_shared>>
    %dma_start3A_53 = arith.constant 0 : i32
    %dma_start3A_54 = tpu.memref_slice %arg11[%add3A_50, %dma_start3A_53] : memref<10240x128xf32, #tpu.memory_space<vmem_shared>> -> memref<100x128xf32, #tpu.memory_space<vmem_shared>>
    tpu.enqueue_dma source(%arg9 : memref<100x128xf32, #tpu.memory_space<vmem>>) target(%dma_start3A_54 : memref<100x128xf32, #tpu.memory_space<vmem_shared>>) target_semaphore(%arg12 : memref<!tpu.dma_semaphore, #tpu.memory_space<semaphore_mem>>)
    %mul3A_55 = arith.constant 640 : i32
    %mul3A_56 = arith.muli %arg1, %mul3A_55 : i32
    %add3A_57 = arith.constant 400 : i32
    %add3A_58 = arith.addi %mul3A_56, %add3A_57 : i32
    %dma_start3A_59 = arith.constant 0 : i32
    %dma_start3A_60 = tpu.memref_slice %arg11[%add3A_58, %dma_start3A_59] : memref<10240x128xf32, #tpu.memory_space<vmem_shared>> -> memref<100x128xf32, #tpu.memory_space<vmem_shared>>
    %dma_start3A_61 = arith.constant 0 : i32
    %dma_start3A_62 = tpu.memref_slice %arg11[%add3A_58, %dma_start3A_61] : memref<10240x128xf32, #tpu.memory_space<vmem_shared>> -> memref<100x128xf32, #tpu.memory_space<vmem_shared>>
    tpu.enqueue_dma source(%arg9 : memref<100x128xf32, #tpu.memory_space<vmem>>) target(%dma_start3A_62 : memref<100x128xf32, #tpu.memory_space<vmem_shared>>) target_semaphore(%arg12 : memref<!tpu.dma_semaphore, #tpu.memory_space<semaphore_mem>>)
    %mul3A_63 = arith.constant 640 : i32
    %mul3A_64 = arith.muli %arg1, %mul3A_63 : i32
    %add3A_65 = arith.constant 500 : i32
    %add3A_66 = arith.addi %mul3A_64, %add3A_65 : i32
    %dma_start3A_67 = arith.constant 0 : i32
    %dma_start3A_68 = tpu.memref_slice %arg11[%add3A_66, %dma_start3A_67] : memref<10240x128xf32, #tpu.memory_space<vmem_shared>> -> memref<100x128xf32, #tpu.memory_space<vmem_shared>>
    %dma_start3A_69 = arith.constant 0 : i32
    %dma_start3A_70 = tpu.memref_slice %arg11[%add3A_66, %dma_start3A_69] : memref<10240x128xf32, #tpu.memory_space<vmem_shared>> -> memref<100x128xf32, #tpu.memory_space<vmem_shared>>
    tpu.enqueue_dma source(%arg9 : memref<100x128xf32, #tpu.memory_space<vmem>>) target(%dma_start3A_70 : memref<100x128xf32, #tpu.memory_space<vmem_shared>>) target_semaphore(%arg12 : memref<!tpu.dma_semaphore, #tpu.memory_space<semaphore_mem>>)
    %mul3A_71 = arith.constant 640 : i32
    %mul3A_72 = arith.muli %arg1, %mul3A_71 : i32
    %add3A_73 = arith.constant 600 : i32
    %add3A_74 = arith.addi %mul3A_72, %add3A_73 : i32
    %dma_start3A_75 = arith.constant 0 : i32
    %dma_start3A_76 = arith.constant 0 : i32
    %dma_start3A_77 = tpu.memref_slice %arg9[%dma_start3A_75, %dma_start3A_76] : memref<100x128xf32, #tpu.memory_space<vmem>> -> memref<40x128xf32, #tpu.memory_space<vmem>>
    %dma_start3A_78 = arith.constant 0 : i32
    %dma_start3A_79 = tpu.memref_slice %arg11[%add3A_74, %dma_start3A_78] : memref<10240x128xf32, #tpu.memory_space<vmem_shared>> -> memref<40x128xf32, #tpu.memory_space<vmem_shared>>
    %dma_start3A_80 = arith.constant 0 : i32
    %dma_start3A_81 = tpu.memref_slice %arg11[%add3A_74, %dma_start3A_80] : memref<10240x128xf32, #tpu.memory_space<vmem_shared>> -> memref<40x128xf32, #tpu.memory_space<vmem_shared>>
    %dma_start3A_82 = arith.constant 0 : i32
    %dma_start3A_83 = arith.constant 0 : i32
    %dma_start3A_84 = tpu.memref_slice %arg9[%dma_start3A_82, %dma_start3A_83] : memref<100x128xf32, #tpu.memory_space<vmem>> -> memref<40x128xf32, #tpu.memory_space<vmem>>
    tpu.enqueue_dma source(%dma_start3A_84 : memref<40x128xf32, #tpu.memory_space<vmem>>) target(%dma_start3A_81 : memref<40x128xf32, #tpu.memory_space<vmem_shared>>) target_semaphore(%arg12 : memref<!tpu.dma_semaphore, #tpu.memory_space<semaphore_mem>>)
    %dma_wait3A = arith.constant 0 : i32
    %dma_wait3A_85 = arith.constant 0 : i32
    %dma_wait3A_86 = tpu.memref_slice %arg3[%add3A, %dma_wait3A, %dma_wait3A_85] : memref<32x100x100xi32, #tpu.memory_space<hbm>> -> memref<1x100x100xi32, #tpu.memory_space<hbm>>
    %dma_wait3A_87 = tpu.memref_squeeze %dma_wait3A_86 : memref<1x100x100xi32, #tpu.memory_space<hbm>> -> memref<100x100xi32, #tpu.memory_space<hbm>>
    %dma_wait3A_88 = arith.constant 0 : i32
    %dma_wait3A_89 = arith.constant 0 : i32
    %dma_wait3A_90 = tpu.memref_slice %arg3[%add3A, %dma_wait3A_88, %dma_wait3A_89] : memref<32x100x100xi32, #tpu.memory_space<hbm>> -> memref<1x100x100xi32, #tpu.memory_space<hbm>>
    %dma_wait3A_91 = tpu.memref_squeeze %dma_wait3A_90 : memref<1x100x100xi32, #tpu.memory_space<hbm>> -> memref<100x100xi32, #tpu.memory_space<hbm>>
    tpu.wait_dma2 semaphore(%arg13 : memref<!tpu.dma_semaphore, #tpu.memory_space<semaphore_mem>>) src(%dma_wait3A_91 : memref<100x100xi32, #tpu.memory_space<hbm>>) dst(%arg7 : memref<100x100xi32, #tpu.memory_space<vmem>>)
    %dma_wait3A_92 = arith.constant 0 : i32
    %dma_wait3A_93 = arith.constant 0 : i32
    %dma_wait3A_94 = arith.constant 0 : i32
    %dma_wait3A_95 = tpu.memref_slice %arg4[%add3A, %dma_wait3A_92, %dma_wait3A_93, %dma_wait3A_94] : memref<32x2x50x100xi32, #tpu.memory_space<hbm>> -> memref<1x1x50x100xi32, #tpu.memory_space<hbm>>
    %dma_wait3A_96 = tpu.memref_squeeze %dma_wait3A_95 : memref<1x1x50x100xi32, #tpu.memory_space<hbm>> -> memref<50x100xi32, #tpu.memory_space<hbm>>
    %dma_wait3A_97 = arith.constant 0 : i32
    %dma_wait3A_98 = arith.constant 0 : i32
    %dma_wait3A_99 = tpu.memref_slice %arg4[%add3A, %dma_wait3A_92, %dma_wait3A_97, %dma_wait3A_98] : memref<32x2x50x100xi32, #tpu.memory_space<hbm>> -> memref<1x1x50x100xi32, #tpu.memory_space<hbm>>
    %dma_wait3A_100 = tpu.memref_squeeze %dma_wait3A_99 : memref<1x1x50x100xi32, #tpu.memory_space<hbm>> -> memref<50x100xi32, #tpu.memory_space<hbm>>
    tpu.wait_dma2 semaphore(%arg13 : memref<!tpu.dma_semaphore, #tpu.memory_space<semaphore_mem>>) src(%dma_wait3A_100 : memref<50x100xi32, #tpu.memory_space<hbm>>) dst(%arg8 : memref<50x100xi32, #tpu.memory_space<vmem>>)
    %mul3A_101 = arith.constant 640 : i32
    %mul3A_102 = arith.muli %arg1, %mul3A_101 : i32
    %add3A_103 = arith.constant 0 : i32
    %add3A_104 = arith.addi %mul3A_102, %add3A_103 : i32
    %dma_wait3A_105 = arith.constant 0 : i32
    %dma_wait3A_106 = tpu.memref_slice %arg11[%add3A_104, %dma_wait3A_105] : memref<10240x128xf32, #tpu.memory_space<vmem_shared>> -> memref<100x128xf32, #tpu.memory_space<vmem_shared>>
    %dma_wait3A_107 = arith.constant 0 : i32
    %dma_wait3A_108 = tpu.memref_slice %arg11[%add3A_104, %dma_wait3A_107] : memref<10240x128xf32, #tpu.memory_space<vmem_shared>> -> memref<100x128xf32, #tpu.memory_space<vmem_shared>>
    tpu.wait_dma2 semaphore(%arg12 : memref<!tpu.dma_semaphore, #tpu.memory_space<semaphore_mem>>) src(%arg9 : memref<100x128xf32, #tpu.memory_space<vmem>>) dst(%dma_wait3A_108 : memref<100x128xf32, #tpu.memory_space<vmem_shared>>)
    %mul3A_109 = arith.constant 640 : i32
    %mul3A_110 = arith.muli %arg1, %mul3A_109 : i32
    %add3A_111 = arith.constant 100 : i32
    %add3A_112 = arith.addi %mul3A_110, %add3A_111 : i32
    %dma_wait3A_113 = arith.constant 0 : i32
    %dma_wait3A_114 = tpu.memref_slice %arg11[%add3A_112, %dma_wait3A_113] : memref<10240x128xf32, #tpu.memory_space<vmem_shared>> -> memref<100x128xf32, #tpu.memory_space<vmem_shared>>
    %dma_wait3A_115 = arith.constant 0 : i32
    %dma_wait3A_116 = tpu.memref_slice %arg11[%add3A_112, %dma_wait3A_115] : memref<10240x128xf32, #tpu.memory_space<vmem_shared>> -> memref<100x128xf32, #tpu.memory_space<vmem_shared>>
    tpu.wait_dma2 semaphore(%arg12 : memref<!tpu.dma_semaphore, #tpu.memory_space<semaphore_mem>>) src(%arg9 : memref<100x128xf32, #tpu.memory_space<vmem>>) dst(%dma_wait3A_116 : memref<100x128xf32, #tpu.memory_space<vmem_shared>>)
    %mul3A_117 = arith.constant 640 : i32
    %mul3A_118 = arith.muli %arg1, %mul3A_117 : i32
    %add3A_119 = arith.constant 200 : i32
    %add3A_120 = arith.addi %mul3A_118, %add3A_119 : i32
    %dma_wait3A_121 = arith.constant 0 : i32
    %dma_wait3A_122 = tpu.memref_slice %arg11[%add3A_120, %dma_wait3A_121] : memref<10240x128xf32, #tpu.memory_space<vmem_shared>> -> memref<100x128xf32, #tpu.memory_space<vmem_shared>>
    %dma_wait3A_123 = arith.constant 0 : i32
    %dma_wait3A_124 = tpu.memref_slice %arg11[%add3A_120, %dma_wait3A_123] : memref<10240x128xf32, #tpu.memory_space<vmem_shared>> -> memref<100x128xf32, #tpu.memory_space<vmem_shared>>
    tpu.wait_dma2 semaphore(%arg12 : memref<!tpu.dma_semaphore, #tpu.memory_space<semaphore_mem>>) src(%arg9 : memref<100x128xf32, #tpu.memory_space<vmem>>) dst(%dma_wait3A_124 : memref<100x128xf32, #tpu.memory_space<vmem_shared>>)
    %mul3A_125 = arith.constant 640 : i32
    %mul3A_126 = arith.muli %arg1, %mul3A_125 : i32
    %add3A_127 = arith.constant 300 : i32
    %add3A_128 = arith.addi %mul3A_126, %add3A_127 : i32
    %dma_wait3A_129 = arith.constant 0 : i32
    %dma_wait3A_130 = tpu.memref_slice %arg11[%add3A_128, %dma_wait3A_129] : memref<10240x128xf32, #tpu.memory_space<vmem_shared>> -> memref<100x128xf32, #tpu.memory_space<vmem_shared>>
    %dma_wait3A_131 = arith.constant 0 : i32
    %dma_wait3A_132 = tpu.memref_slice %arg11[%add3A_128, %dma_wait3A_131] : memref<10240x128xf32, #tpu.memory_space<vmem_shared>> -> memref<100x128xf32, #tpu.memory_space<vmem_shared>>
    tpu.wait_dma2 semaphore(%arg12 : memref<!tpu.dma_semaphore, #tpu.memory_space<semaphore_mem>>) src(%arg9 : memref<100x128xf32, #tpu.memory_space<vmem>>) dst(%dma_wait3A_132 : memref<100x128xf32, #tpu.memory_space<vmem_shared>>)
    %mul3A_133 = arith.constant 640 : i32
    %mul3A_134 = arith.muli %arg1, %mul3A_133 : i32
    %add3A_135 = arith.constant 400 : i32
    %add3A_136 = arith.addi %mul3A_134, %add3A_135 : i32
    %dma_wait3A_137 = arith.constant 0 : i32
    %dma_wait3A_138 = tpu.memref_slice %arg11[%add3A_136, %dma_wait3A_137] : memref<10240x128xf32, #tpu.memory_space<vmem_shared>> -> memref<100x128xf32, #tpu.memory_space<vmem_shared>>
    %dma_wait3A_139 = arith.constant 0 : i32
    %dma_wait3A_140 = tpu.memref_slice %arg11[%add3A_136, %dma_wait3A_139] : memref<10240x128xf32, #tpu.memory_space<vmem_shared>> -> memref<100x128xf32, #tpu.memory_space<vmem_shared>>
    tpu.wait_dma2 semaphore(%arg12 : memref<!tpu.dma_semaphore, #tpu.memory_space<semaphore_mem>>) src(%arg9 : memref<100x128xf32, #tpu.memory_space<vmem>>) dst(%dma_wait3A_140 : memref<100x128xf32, #tpu.memory_space<vmem_shared>>)
    %mul3A_141 = arith.constant 640 : i32
    %mul3A_142 = arith.muli %arg1, %mul3A_141 : i32
    %add3A_143 = arith.constant 500 : i32
    %add3A_144 = arith.addi %mul3A_142, %add3A_143 : i32
    %dma_wait3A_145 = arith.constant 0 : i32
    %dma_wait3A_146 = tpu.memref_slice %arg11[%add3A_144, %dma_wait3A_145] : memref<10240x128xf32, #tpu.memory_space<vmem_shared>> -> memref<100x128xf32, #tpu.memory_space<vmem_shared>>
    %dma_wait3A_147 = arith.constant 0 : i32
    %dma_wait3A_148 = tpu.memref_slice %arg11[%add3A_144, %dma_wait3A_147] : memref<10240x128xf32, #tpu.memory_space<vmem_shared>> -> memref<100x128xf32, #tpu.memory_space<vmem_shared>>
    tpu.wait_dma2 semaphore(%arg12 : memref<!tpu.dma_semaphore, #tpu.memory_space<semaphore_mem>>) src(%arg9 : memref<100x128xf32, #tpu.memory_space<vmem>>) dst(%dma_wait3A_148 : memref<100x128xf32, #tpu.memory_space<vmem_shared>>)
    %mul3A_149 = arith.constant 640 : i32
    %mul3A_150 = arith.muli %arg1, %mul3A_149 : i32
    %add3A_151 = arith.constant 600 : i32
    %add3A_152 = arith.addi %mul3A_150, %add3A_151 : i32
    %dma_wait3A_153 = arith.constant 0 : i32
    %dma_wait3A_154 = arith.constant 0 : i32
    %dma_wait3A_155 = tpu.memref_slice %arg9[%dma_wait3A_153, %dma_wait3A_154] : memref<100x128xf32, #tpu.memory_space<vmem>> -> memref<40x128xf32, #tpu.memory_space<vmem>>
    %dma_wait3A_156 = arith.constant 0 : i32
    %dma_wait3A_157 = tpu.memref_slice %arg11[%add3A_152, %dma_wait3A_156] : memref<10240x128xf32, #tpu.memory_space<vmem_shared>> -> memref<40x128xf32, #tpu.memory_space<vmem_shared>>
    %dma_wait3A_158 = arith.constant 0 : i32
    %dma_wait3A_159 = tpu.memref_slice %arg11[%add3A_152, %dma_wait3A_158] : memref<10240x128xf32, #tpu.memory_space<vmem_shared>> -> memref<40x128xf32, #tpu.memory_space<vmem_shared>>
    %dma_wait3A_160 = arith.constant 0 : i32
    %dma_wait3A_161 = arith.constant 0 : i32
    %dma_wait3A_162 = tpu.memref_slice %arg9[%dma_wait3A_160, %dma_wait3A_161] : memref<100x128xf32, #tpu.memory_space<vmem>> -> memref<40x128xf32, #tpu.memory_space<vmem>>
    tpu.wait_dma2 semaphore(%arg12 : memref<!tpu.dma_semaphore, #tpu.memory_space<semaphore_mem>>) src(%dma_wait3A_162 : memref<40x128xf32, #tpu.memory_space<vmem>>) dst(%dma_wait3A_159 : memref<40x128xf32, #tpu.memory_space<vmem_shared>>)
    %barrier3A = arith.constant 0 : index
    tpu.barrier barrier_id(%barrier3A)
    %dma_start3A_163 = arith.constant 0 : i32
    %dma_start3A_164 = arith.constant 0 : i32
    %dma_start3A_165 = tpu.memref_slice %arg7[%dma_start3A_163, %dma_start3A_164] : memref<100x100xi32, #tpu.memory_space<vmem>> -> memref<1x100xi32, #tpu.memory_space<vmem>>
    %dma_start3A_166 = tpu.memref_squeeze %dma_start3A_165 : memref<1x100xi32, #tpu.memory_space<vmem>> -> memref<100xi32, #tpu.memory_space<vmem>>
    %dma_start3A_167 = arith.constant 0 : i32
    %dma_start3A_168 = arith.constant 0 : i32
    %dma_start3A_169 = tpu.memref_slice %arg2[%dma_start3A_167, %dma_start3A_168] : memref<10000x128xf32, #tpu.memory_space<hbm>> -> memref<10000x128xf32, #tpu.memory_space<hbm>>
    tpu.enqueue_indirect_dma source(%dma_start3A_169 : memref<10000x128xf32, #tpu.memory_space<hbm>>) target(%arg9 : memref<100x128xf32, #tpu.memory_space<vmem>>) offsets(%dma_start3A_166 : memref<100xi32, #tpu.memory_space<vmem>>) semaphore(%arg12 : memref<!tpu.dma_semaphore, #tpu.memory_space<semaphore_mem>>)
    %scan3A_170 = arith.constant 0 : i32
    %scan3A_171 = arith.constant 0 : i32
    %scan3A_172 = arith.constant 25 : i32
    %scan3A_173 = arith.addi %scan3A_171, %scan3A_172 : i32
    %scan3A_174 = arith.constant 1 : i32
    %scan3A_175 = scf.for %scan3A_198 = %scan3A_171 to %scan3A_173 step %scan3A_174 iter_args(%scan3A_199 = %scan3A_170) -> (i32)  : i32 {
      %mul3A_200 = arith.constant 2 : i32
      %mul3A_201 = arith.muli %mul3A_200, %scan3A_198 : i32
      %add3A_202 = arith.constant 0 : i32
      %add3A_203 = arith.addi %add3A_202, %mul3A_201 : i32
      %add3A_204 = arith.constant 1 : i32
      %add3A_205 = arith.addi %add3A_203, %add3A_204 : i32
      %dma_start3A_206 = arith.constant 0 : i32
      %dma_start3A_207 = tpu.memref_slice %arg7[%add3A_205, %dma_start3A_206] : memref<100x100xi32, #tpu.memory_space<vmem>> -> memref<1x100xi32, #tpu.memory_space<vmem>>
      %dma_start3A_208 = tpu.memref_squeeze %dma_start3A_207 : memref<1x100xi32, #tpu.memory_space<vmem>> -> memref<100xi32, #tpu.memory_space<vmem>>
      %dma_start3A_209 = arith.constant 0 : i32
      %dma_start3A_210 = arith.constant 0 : i32
      %dma_start3A_211 = tpu.memref_slice %arg2[%dma_start3A_209, %dma_start3A_210] : memref<10000x128xf32, #tpu.memory_space<hbm>> -> memref<10000x128xf32, #tpu.memory_space<hbm>>
      tpu.enqueue_indirect_dma source(%dma_start3A_211 : memref<10000x128xf32, #tpu.memory_space<hbm>>) target(%arg10 : memref<100x128xf32, #tpu.memory_space<vmem>>) offsets(%dma_start3A_208 : memref<100xi32, #tpu.memory_space<vmem>>) semaphore(%arg13 : memref<!tpu.dma_semaphore, #tpu.memory_space<semaphore_mem>>)
      tpu.wait_dma2 semaphore(%arg12 : memref<!tpu.dma_semaphore, #tpu.memory_space<semaphore_mem>>) src(%arg5 : memref<100x128xf32, #tpu.memory_space<hbm>>) dst(%arg9 : memref<100x128xf32, #tpu.memory_space<vmem>>)
      %mul3A_212 = arith.constant 2 : i32
      %mul3A_213 = arith.muli %mul3A_212, %scan3A_198 : i32
      "tpu.region"() ({
        %run_scoped3A_227 = tpu.sem_alloc : memref<!tpu.dma_semaphore, #tpu.memory_space<semaphore_mem>>
        %dma_start3A_228 = arith.constant 0 : i32
        %dma_start3A_229 = tpu.memref_slice %arg8[%mul3A_213, %dma_start3A_228] : memref<50x100xi32, #tpu.memory_space<vmem>> -> memref<1x100xi32, #tpu.memory_space<vmem>>
        %dma_start3A_230 = tpu.memref_squeeze %dma_start3A_229 : memref<1x100xi32, #tpu.memory_space<vmem>> -> memref<100xi32, #tpu.memory_space<vmem>>
        %dma_start3A_231 = arith.constant 0 : i32
        %dma_start3A_232 = arith.constant 0 : i32
        %dma_start3A_233 = tpu.memref_slice %arg11[%dma_start3A_231, %dma_start3A_232] : memref<10240x128xf32, #tpu.memory_space<vmem_shared>> -> memref<10240x128xf32, #tpu.memory_space<vmem_shared>>
        tpu.enqueue_indirect_dma source(%arg9 : memref<100x128xf32, #tpu.memory_space<vmem>>) target(%dma_start3A_233 : memref<10240x128xf32, #tpu.memory_space<vmem_shared>>) offsets(%dma_start3A_230 : memref<100xi32, #tpu.memory_space<vmem>>) semaphore(%run_scoped3A_227 : memref<!tpu.dma_semaphore, #tpu.memory_space<semaphore_mem>>) {add = true}
        %dma_wait3A_234 = arith.constant 0 : i32
        %dma_wait3A_235 = tpu.memref_slice %arg8[%mul3A_213, %dma_wait3A_234] : memref<50x100xi32, #tpu.memory_space<vmem>> -> memref<1x100xi32, #tpu.memory_space<vmem>>
        %dma_wait3A_236 = tpu.memref_squeeze %dma_wait3A_235 : memref<1x100xi32, #tpu.memory_space<vmem>> -> memref<100xi32, #tpu.memory_space<vmem>>
        %dma_wait3A_237 = arith.constant 0 : i32
        %dma_wait3A_238 = arith.constant 0 : i32
        %dma_wait3A_239 = tpu.memref_slice %arg11[%dma_wait3A_237, %dma_wait3A_238] : memref<10240x128xf32, #tpu.memory_space<vmem_shared>> -> memref<10240x128xf32, #tpu.memory_space<vmem_shared>>
        tpu.wait_indirect_dma semaphore(%run_scoped3A_227 : memref<!tpu.dma_semaphore, #tpu.memory_space<semaphore_mem>>) src(%arg9 : memref<100x128xf32, #tpu.memory_space<vmem>>) dst(%dma_wait3A_239 : memref<10240x128xf32, #tpu.memory_space<vmem_shared>>)
        tpu.yield
      }) : () -> ()
      %add3A_214 = arith.constant 2 : i32
      %add3A_215 = arith.addi %add3A_203, %add3A_214 : i32
      %dma_start3A_216 = arith.constant 0 : i32
      %dma_start3A_217 = tpu.memref_slice %arg7[%add3A_215, %dma_start3A_216] : memref<100x100xi32, #tpu.memory_space<vmem>> -> memref<1x100xi32, #tpu.memory_space<vmem>>
      %dma_start3A_218 = tpu.memref_squeeze %dma_start3A_217 : memref<1x100xi32, #tpu.memory_space<vmem>> -> memref<100xi32, #tpu.memory_space<vmem>>
      %dma_start3A_219 = arith.constant 0 : i32
      %dma_start3A_220 = arith.constant 0 : i32
      %dma_start3A_221 = tpu.memref_slice %arg2[%dma_start3A_219, %dma_start3A_220] : memref<10000x128xf32, #tpu.memory_space<hbm>> -> memref<10000x128xf32, #tpu.memory_space<hbm>>
      tpu.enqueue_indirect_dma source(%dma_start3A_221 : memref<10000x128xf32, #tpu.memory_space<hbm>>) target(%arg9 : memref<100x128xf32, #tpu.memory_space<vmem>>) offsets(%dma_start3A_218 : memref<100xi32, #tpu.memory_space<vmem>>) semaphore(%arg12 : memref<!tpu.dma_semaphore, #tpu.memory_space<semaphore_mem>>)
      tpu.wait_dma2 semaphore(%arg13 : memref<!tpu.dma_semaphore, #tpu.memory_space<semaphore_mem>>) src(%arg5 : memref<100x128xf32, #tpu.memory_space<hbm>>) dst(%arg10 : memref<100x128xf32, #tpu.memory_space<vmem>>)
      %mul3A_222 = arith.constant 2 : i32
      %mul3A_223 = arith.muli %mul3A_222, %scan3A_198 : i32
      %add3A_224 = arith.constant 1 : i32
      %add3A_225 = arith.addi %mul3A_223, %add3A_224 : i32
      "tpu.region"() ({
        %run_scoped3A_227 = tpu.sem_alloc : memref<!tpu.dma_semaphore, #tpu.memory_space<semaphore_mem>>
        %dma_start3A_228 = arith.constant 0 : i32
        %dma_start3A_229 = tpu.memref_slice %arg8[%add3A_225, %dma_start3A_228] : memref<50x100xi32, #tpu.memory_space<vmem>> -> memref<1x100xi32, #tpu.memory_space<vmem>>
        %dma_start3A_230 = tpu.memref_squeeze %dma_start3A_229 : memref<1x100xi32, #tpu.memory_space<vmem>> -> memref<100xi32, #tpu.memory_space<vmem>>
        %dma_start3A_231 = arith.constant 0 : i32
        %dma_start3A_232 = arith.constant 0 : i32
        %dma_start3A_233 = tpu.memref_slice %arg11[%dma_start3A_231, %dma_start3A_232] : memref<10240x128xf32, #tpu.memory_space<vmem_shared>> -> memref<10240x128xf32, #tpu.memory_space<vmem_shared>>
        tpu.enqueue_indirect_dma source(%arg10 : memref<100x128xf32, #tpu.memory_space<vmem>>) target(%dma_start3A_233 : memref<10240x128xf32, #tpu.memory_space<vmem_shared>>) offsets(%dma_start3A_230 : memref<100xi32, #tpu.memory_space<vmem>>) semaphore(%run_scoped3A_227 : memref<!tpu.dma_semaphore, #tpu.memory_space<semaphore_mem>>) {add = true}
        %dma_wait3A_234 = arith.constant 0 : i32
        %dma_wait3A_235 = tpu.memref_slice %arg8[%add3A_225, %dma_wait3A_234] : memref<50x100xi32, #tpu.memory_space<vmem>> -> memref<1x100xi32, #tpu.memory_space<vmem>>
        %dma_wait3A_236 = tpu.memref_squeeze %dma_wait3A_235 : memref<1x100xi32, #tpu.memory_space<vmem>> -> memref<100xi32, #tpu.memory_space<vmem>>
        %dma_wait3A_237 = arith.constant 0 : i32
        %dma_wait3A_238 = arith.constant 0 : i32
        %dma_wait3A_239 = tpu.memref_slice %arg11[%dma_wait3A_237, %dma_wait3A_238] : memref<10240x128xf32, #tpu.memory_space<vmem_shared>> -> memref<10240x128xf32, #tpu.memory_space<vmem_shared>>
        tpu.wait_indirect_dma semaphore(%run_scoped3A_227 : memref<!tpu.dma_semaphore, #tpu.memory_space<semaphore_mem>>) src(%arg10 : memref<100x128xf32, #tpu.memory_space<vmem>>) dst(%dma_wait3A_239 : memref<10240x128xf32, #tpu.memory_space<vmem_shared>>)
        tpu.yield
      }) : () -> ()
      %scan3A_226 = arith.constant 0 : i32
      scf.yield %scan3A_226 : i32
    }
    %scan3A_176 = arith.constant 25 : i32
    %run_scoped3A = arith.constant 1 : i32
    "tpu.region"() ({
      %run_scoped3A_198 = tpu.sem_alloc : memref<!tpu.dma_semaphore, #tpu.memory_space<semaphore_mem>>
      %dma_start3A_199 = arith.constant 0 : i32
      %dma_start3A_200 = arith.constant 0 : i32
      %dma_start3A_201 = tpu.memref_slice %arg4[%add3A, %run_scoped3A, %dma_start3A_199, %dma_start3A_200] : memref<32x2x50x100xi32, #tpu.memory_space<hbm>> -> memref<1x1x50x100xi32, #tpu.memory_space<hbm>>
      %dma_start3A_202 = tpu.memref_squeeze %dma_start3A_201 : memref<1x1x50x100xi32, #tpu.memory_space<hbm>> -> memref<50x100xi32, #tpu.memory_space<hbm>>
      %dma_start3A_203 = arith.constant 0 : i32
      %dma_start3A_204 = arith.constant 0 : i32
      %dma_start3A_205 = tpu.memref_slice %arg4[%add3A, %run_scoped3A, %dma_start3A_203, %dma_start3A_204] : memref<32x2x50x100xi32, #tpu.memory_space<hbm>> -> memref<1x1x50x100xi32, #tpu.memory_space<hbm>>
      %dma_start3A_206 = tpu.memref_squeeze %dma_start3A_205 : memref<1x1x50x100xi32, #tpu.memory_space<hbm>> -> memref<50x100xi32, #tpu.memory_space<hbm>>
      tpu.enqueue_dma source(%dma_start3A_206 : memref<50x100xi32, #tpu.memory_space<hbm>>) target(%arg8 : memref<50x100xi32, #tpu.memory_space<vmem>>) target_semaphore(%run_scoped3A_198 : memref<!tpu.dma_semaphore, #tpu.memory_space<semaphore_mem>>)
      %dma_wait3A_207 = arith.constant 0 : i32
      %dma_wait3A_208 = arith.constant 0 : i32
      %dma_wait3A_209 = tpu.memref_slice %arg4[%add3A, %run_scoped3A, %dma_wait3A_207, %dma_wait3A_208] : memref<32x2x50x100xi32, #tpu.memory_space<hbm>> -> memref<1x1x50x100xi32, #tpu.memory_space<hbm>>
      %dma_wait3A_210 = tpu.memref_squeeze %dma_wait3A_209 : memref<1x1x50x100xi32, #tpu.memory_space<hbm>> -> memref<50x100xi32, #tpu.memory_space<hbm>>
      %dma_wait3A_211 = arith.constant 0 : i32
      %dma_wait3A_212 = arith.constant 0 : i32
      %dma_wait3A_213 = tpu.memref_slice %arg4[%add3A, %run_scoped3A, %dma_wait3A_211, %dma_wait3A_212] : memref<32x2x50x100xi32, #tpu.memory_space<hbm>> -> memref<1x1x50x100xi32, #tpu.memory_space<hbm>>
      %dma_wait3A_214 = tpu.memref_squeeze %dma_wait3A_213 : memref<1x1x50x100xi32, #tpu.memory_space<hbm>> -> memref<50x100xi32, #tpu.memory_space<hbm>>
      tpu.wait_dma2 semaphore(%run_scoped3A_198 : memref<!tpu.dma_semaphore, #tpu.memory_space<semaphore_mem>>) src(%dma_wait3A_214 : memref<50x100xi32, #tpu.memory_space<hbm>>) dst(%arg8 : memref<50x100xi32, #tpu.memory_space<vmem>>)
      tpu.yield
    }) : () -> ()
    %scan3A_177 = arith.constant 0 : i32
    %scan3A_178 = arith.constant 0 : i32
    %scan3A_179 = arith.constant 24 : i32
    %scan3A_180 = arith.addi %scan3A_178, %scan3A_179 : i32
    %scan3A_181 = arith.constant 1 : i32
    %scan3A_182 = scf.for %scan3A_198 = %scan3A_178 to %scan3A_180 step %scan3A_181 iter_args(%scan3A_199 = %scan3A_177) -> (i32)  : i32 {
      %mul3A_200 = arith.constant 2 : i32
      %mul3A_201 = arith.muli %mul3A_200, %scan3A_198 : i32
      %add3A_202 = arith.constant 50 : i32
      %add3A_203 = arith.addi %add3A_202, %mul3A_201 : i32
      %add3A_204 = arith.constant 1 : i32
      %add3A_205 = arith.addi %add3A_203, %add3A_204 : i32
      %dma_start3A_206 = arith.constant 0 : i32
      %dma_start3A_207 = tpu.memref_slice %arg7[%add3A_205, %dma_start3A_206] : memref<100x100xi32, #tpu.memory_space<vmem>> -> memref<1x100xi32, #tpu.memory_space<vmem>>
      %dma_start3A_208 = tpu.memref_squeeze %dma_start3A_207 : memref<1x100xi32, #tpu.memory_space<vmem>> -> memref<100xi32, #tpu.memory_space<vmem>>
      %dma_start3A_209 = arith.constant 0 : i32
      %dma_start3A_210 = arith.constant 0 : i32
      %dma_start3A_211 = tpu.memref_slice %arg2[%dma_start3A_209, %dma_start3A_210] : memref<10000x128xf32, #tpu.memory_space<hbm>> -> memref<10000x128xf32, #tpu.memory_space<hbm>>
      tpu.enqueue_indirect_dma source(%dma_start3A_211 : memref<10000x128xf32, #tpu.memory_space<hbm>>) target(%arg10 : memref<100x128xf32, #tpu.memory_space<vmem>>) offsets(%dma_start3A_208 : memref<100xi32, #tpu.memory_space<vmem>>) semaphore(%arg13 : memref<!tpu.dma_semaphore, #tpu.memory_space<semaphore_mem>>)
      tpu.wait_dma2 semaphore(%arg12 : memref<!tpu.dma_semaphore, #tpu.memory_space<semaphore_mem>>) src(%arg5 : memref<100x128xf32, #tpu.memory_space<hbm>>) dst(%arg9 : memref<100x128xf32, #tpu.memory_space<vmem>>)
      %mul3A_212 = arith.constant 2 : i32
      %mul3A_213 = arith.muli %mul3A_212, %scan3A_198 : i32
      "tpu.region"() ({
        %run_scoped3A_227 = tpu.sem_alloc : memref<!tpu.dma_semaphore, #tpu.memory_space<semaphore_mem>>
        %dma_start3A_228 = arith.constant 0 : i32
        %dma_start3A_229 = tpu.memref_slice %arg8[%mul3A_213, %dma_start3A_228] : memref<50x100xi32, #tpu.memory_space<vmem>> -> memref<1x100xi32, #tpu.memory_space<vmem>>
        %dma_start3A_230 = tpu.memref_squeeze %dma_start3A_229 : memref<1x100xi32, #tpu.memory_space<vmem>> -> memref<100xi32, #tpu.memory_space<vmem>>
        %dma_start3A_231 = arith.constant 0 : i32
        %dma_start3A_232 = arith.constant 0 : i32
        %dma_start3A_233 = tpu.memref_slice %arg11[%dma_start3A_231, %dma_start3A_232] : memref<10240x128xf32, #tpu.memory_space<vmem_shared>> -> memref<10240x128xf32, #tpu.memory_space<vmem_shared>>
        tpu.enqueue_indirect_dma source(%arg9 : memref<100x128xf32, #tpu.memory_space<vmem>>) target(%dma_start3A_233 : memref<10240x128xf32, #tpu.memory_space<vmem_shared>>) offsets(%dma_start3A_230 : memref<100xi32, #tpu.memory_space<vmem>>) semaphore(%run_scoped3A_227 : memref<!tpu.dma_semaphore, #tpu.memory_space<semaphore_mem>>) {add = true}
        %dma_wait3A_234 = arith.constant 0 : i32
        %dma_wait3A_235 = tpu.memref_slice %arg8[%mul3A_213, %dma_wait3A_234] : memref<50x100xi32, #tpu.memory_space<vmem>> -> memref<1x100xi32, #tpu.memory_space<vmem>>
        %dma_wait3A_236 = tpu.memref_squeeze %dma_wait3A_235 : memref<1x100xi32, #tpu.memory_space<vmem>> -> memref<100xi32, #tpu.memory_space<vmem>>
        %dma_wait3A_237 = arith.constant 0 : i32
        %dma_wait3A_238 = arith.constant 0 : i32
        %dma_wait3A_239 = tpu.memref_slice %arg11[%dma_wait3A_237, %dma_wait3A_238] : memref<10240x128xf32, #tpu.memory_space<vmem_shared>> -> memref<10240x128xf32, #tpu.memory_space<vmem_shared>>
        tpu.wait_indirect_dma semaphore(%run_scoped3A_227 : memref<!tpu.dma_semaphore, #tpu.memory_space<semaphore_mem>>) src(%arg9 : memref<100x128xf32, #tpu.memory_space<vmem>>) dst(%dma_wait3A_239 : memref<10240x128xf32, #tpu.memory_space<vmem_shared>>)
        tpu.yield
      }) : () -> ()
      %add3A_214 = arith.constant 2 : i32
      %add3A_215 = arith.addi %add3A_203, %add3A_214 : i32
      %dma_start3A_216 = arith.constant 0 : i32
      %dma_start3A_217 = tpu.memref_slice %arg7[%add3A_215, %dma_start3A_216] : memref<100x100xi32, #tpu.memory_space<vmem>> -> memref<1x100xi32, #tpu.memory_space<vmem>>
      %dma_start3A_218 = tpu.memref_squeeze %dma_start3A_217 : memref<1x100xi32, #tpu.memory_space<vmem>> -> memref<100xi32, #tpu.memory_space<vmem>>
      %dma_start3A_219 = arith.constant 0 : i32
      %dma_start3A_220 = arith.constant 0 : i32
      %dma_start3A_221 = tpu.memref_slice %arg2[%dma_start3A_219, %dma_start3A_220] : memref<10000x128xf32, #tpu.memory_space<hbm>> -> memref<10000x128xf32, #tpu.memory_space<hbm>>
      tpu.enqueue_indirect_dma source(%dma_start3A_221 : memref<10000x128xf32, #tpu.memory_space<hbm>>) target(%arg9 : memref<100x128xf32, #tpu.memory_space<vmem>>) offsets(%dma_start3A_218 : memref<100xi32, #tpu.memory_space<vmem>>) semaphore(%arg12 : memref<!tpu.dma_semaphore, #tpu.memory_space<semaphore_mem>>)
      tpu.wait_dma2 semaphore(%arg13 : memref<!tpu.dma_semaphore, #tpu.memory_space<semaphore_mem>>) src(%arg5 : memref<100x128xf32, #tpu.memory_space<hbm>>) dst(%arg10 : memref<100x128xf32, #tpu.memory_space<vmem>>)
      %mul3A_222 = arith.constant 2 : i32
      %mul3A_223 = arith.muli %mul3A_222, %scan3A_198 : i32
      %add3A_224 = arith.constant 1 : i32
      %add3A_225 = arith.addi %mul3A_223, %add3A_224 : i32
      "tpu.region"() ({
        %run_scoped3A_227 = tpu.sem_alloc : memref<!tpu.dma_semaphore, #tpu.memory_space<semaphore_mem>>
        %dma_start3A_228 = arith.constant 0 : i32
        %dma_start3A_229 = tpu.memref_slice %arg8[%add3A_225, %dma_start3A_228] : memref<50x100xi32, #tpu.memory_space<vmem>> -> memref<1x100xi32, #tpu.memory_space<vmem>>
        %dma_start3A_230 = tpu.memref_squeeze %dma_start3A_229 : memref<1x100xi32, #tpu.memory_space<vmem>> -> memref<100xi32, #tpu.memory_space<vmem>>
        %dma_start3A_231 = arith.constant 0 : i32
        %dma_start3A_232 = arith.constant 0 : i32
        %dma_start3A_233 = tpu.memref_slice %arg11[%dma_start3A_231, %dma_start3A_232] : memref<10240x128xf32, #tpu.memory_space<vmem_shared>> -> memref<10240x128xf32, #tpu.memory_space<vmem_shared>>
        tpu.enqueue_indirect_dma source(%arg10 : memref<100x128xf32, #tpu.memory_space<vmem>>) target(%dma_start3A_233 : memref<10240x128xf32, #tpu.memory_space<vmem_shared>>) offsets(%dma_start3A_230 : memref<100xi32, #tpu.memory_space<vmem>>) semaphore(%run_scoped3A_227 : memref<!tpu.dma_semaphore, #tpu.memory_space<semaphore_mem>>) {add = true}
        %dma_wait3A_234 = arith.constant 0 : i32
        %dma_wait3A_235 = tpu.memref_slice %arg8[%add3A_225, %dma_wait3A_234] : memref<50x100xi32, #tpu.memory_space<vmem>> -> memref<1x100xi32, #tpu.memory_space<vmem>>
        %dma_wait3A_236 = tpu.memref_squeeze %dma_wait3A_235 : memref<1x100xi32, #tpu.memory_space<vmem>> -> memref<100xi32, #tpu.memory_space<vmem>>
        %dma_wait3A_237 = arith.constant 0 : i32
        %dma_wait3A_238 = arith.constant 0 : i32
        %dma_wait3A_239 = tpu.memref_slice %arg11[%dma_wait3A_237, %dma_wait3A_238] : memref<10240x128xf32, #tpu.memory_space<vmem_shared>> -> memref<10240x128xf32, #tpu.memory_space<vmem_shared>>
        tpu.wait_indirect_dma semaphore(%run_scoped3A_227 : memref<!tpu.dma_semaphore, #tpu.memory_space<semaphore_mem>>) src(%arg10 : memref<100x128xf32, #tpu.memory_space<vmem>>) dst(%dma_wait3A_239 : memref<10240x128xf32, #tpu.memory_space<vmem_shared>>)
        tpu.yield
      }) : () -> ()
      %scan3A_226 = arith.constant 0 : i32
      scf.yield %scan3A_226 : i32
    }
    %scan3A_183 = arith.constant 24 : i32
    %dma_start3A_184 = arith.constant 99 : i32
    %dma_start3A_185 = arith.constant 0 : i32
    %dma_start3A_186 = tpu.memref_slice %arg7[%dma_start3A_184, %dma_start3A_185] : memref<100x100xi32, #tpu.memory_space<vmem>> -> memref<1x100xi32, #tpu.memory_space<vmem>>
    %dma_start3A_187 = tpu.memref_squeeze %dma_start3A_186 : memref<1x100xi32, #tpu.memory_space<vmem>> -> memref<100xi32, #tpu.memory_space<vmem>>
    %dma_start3A_188 = arith.constant 0 : i32
    %dma_start3A_189 = arith.constant 0 : i32
    %dma_start3A_190 = tpu.memref_slice %arg2[%dma_start3A_188, %dma_start3A_189] : memref<10000x128xf32, #tpu.memory_space<hbm>> -> memref<10000x128xf32, #tpu.memory_space<hbm>>
    tpu.enqueue_indirect_dma source(%dma_start3A_190 : memref<10000x128xf32, #tpu.memory_space<hbm>>) target(%arg10 : memref<100x128xf32, #tpu.memory_space<vmem>>) offsets(%dma_start3A_187 : memref<100xi32, #tpu.memory_space<vmem>>) semaphore(%arg13 : memref<!tpu.dma_semaphore, #tpu.memory_space<semaphore_mem>>)
    tpu.wait_dma2 semaphore(%arg12 : memref<!tpu.dma_semaphore, #tpu.memory_space<semaphore_mem>>) src(%arg5 : memref<100x128xf32, #tpu.memory_space<hbm>>) dst(%arg9 : memref<100x128xf32, #tpu.memory_space<vmem>>)
    %run_scoped3A_191 = arith.constant 48 : i32
    "tpu.region"() ({
      %run_scoped3A_198 = tpu.sem_alloc : memref<!tpu.dma_semaphore, #tpu.memory_space<semaphore_mem>>
      %dma_start3A_199 = arith.constant 0 : i32
      %dma_start3A_200 = tpu.memref_slice %arg8[%run_scoped3A_191, %dma_start3A_199] : memref<50x100xi32, #tpu.memory_space<vmem>> -> memref<1x100xi32, #tpu.memory_space<vmem>>
      %dma_start3A_201 = tpu.memref_squeeze %dma_start3A_200 : memref<1x100xi32, #tpu.memory_space<vmem>> -> memref<100xi32, #tpu.memory_space<vmem>>
      %dma_start3A_202 = arith.constant 0 : i32
      %dma_start3A_203 = arith.constant 0 : i32
      %dma_start3A_204 = tpu.memref_slice %arg11[%dma_start3A_202, %dma_start3A_203] : memref<10240x128xf32, #tpu.memory_space<vmem_shared>> -> memref<10240x128xf32, #tpu.memory_space<vmem_shared>>
      tpu.enqueue_indirect_dma source(%arg9 : memref<100x128xf32, #tpu.memory_space<vmem>>) target(%dma_start3A_204 : memref<10240x128xf32, #tpu.memory_space<vmem_shared>>) offsets(%dma_start3A_201 : memref<100xi32, #tpu.memory_space<vmem>>) semaphore(%run_scoped3A_198 : memref<!tpu.dma_semaphore, #tpu.memory_space<semaphore_mem>>) {add = true}
      %dma_wait3A_205 = arith.constant 0 : i32
      %dma_wait3A_206 = tpu.memref_slice %arg8[%run_scoped3A_191, %dma_wait3A_205] : memref<50x100xi32, #tpu.memory_space<vmem>> -> memref<1x100xi32, #tpu.memory_space<vmem>>
      %dma_wait3A_207 = tpu.memref_squeeze %dma_wait3A_206 : memref<1x100xi32, #tpu.memory_space<vmem>> -> memref<100xi32, #tpu.memory_space<vmem>>
      %dma_wait3A_208 = arith.constant 0 : i32
      %dma_wait3A_209 = arith.constant 0 : i32
      %dma_wait3A_210 = tpu.memref_slice %arg11[%dma_wait3A_208, %dma_wait3A_209] : memref<10240x128xf32, #tpu.memory_space<vmem_shared>> -> memref<10240x128xf32, #tpu.memory_space<vmem_shared>>
      tpu.wait_indirect_dma semaphore(%run_scoped3A_198 : memref<!tpu.dma_semaphore, #tpu.memory_space<semaphore_mem>>) src(%arg9 : memref<100x128xf32, #tpu.memory_space<vmem>>) dst(%dma_wait3A_210 : memref<10240x128xf32, #tpu.memory_space<vmem_shared>>)
      tpu.yield
    }) : () -> ()
    tpu.wait_dma2 semaphore(%arg13 : memref<!tpu.dma_semaphore, #tpu.memory_space<semaphore_mem>>) src(%arg5 : memref<100x128xf32, #tpu.memory_space<hbm>>) dst(%arg10 : memref<100x128xf32, #tpu.memory_space<vmem>>)
    %run_scoped3A_192 = arith.constant 49 : i32
    "tpu.region"() ({
      %run_scoped3A_198 = tpu.sem_alloc : memref<!tpu.dma_semaphore, #tpu.memory_space<semaphore_mem>>
      %dma_start3A_199 = arith.constant 0 : i32
      %dma_start3A_200 = tpu.memref_slice %arg8[%run_scoped3A_192, %dma_start3A_199] : memref<50x100xi32, #tpu.memory_space<vmem>> -> memref<1x100xi32, #tpu.memory_space<vmem>>
      %dma_start3A_201 = tpu.memref_squeeze %dma_start3A_200 : memref<1x100xi32, #tpu.memory_space<vmem>> -> memref<100xi32, #tpu.memory_space<vmem>>
      %dma_start3A_202 = arith.constant 0 : i32
      %dma_start3A_203 = arith.constant 0 : i32
      %dma_start3A_204 = tpu.memref_slice %arg11[%dma_start3A_202, %dma_start3A_203] : memref<10240x128xf32, #tpu.memory_space<vmem_shared>> -> memref<10240x128xf32, #tpu.memory_space<vmem_shared>>
      tpu.enqueue_indirect_dma source(%arg10 : memref<100x128xf32, #tpu.memory_space<vmem>>) target(%dma_start3A_204 : memref<10240x128xf32, #tpu.memory_space<vmem_shared>>) offsets(%dma_start3A_201 : memref<100xi32, #tpu.memory_space<vmem>>) semaphore(%run_scoped3A_198 : memref<!tpu.dma_semaphore, #tpu.memory_space<semaphore_mem>>) {add = true}
      %dma_wait3A_205 = arith.constant 0 : i32
      %dma_wait3A_206 = tpu.memref_slice %arg8[%run_scoped3A_192, %dma_wait3A_205] : memref<50x100xi32, #tpu.memory_space<vmem>> -> memref<1x100xi32, #tpu.memory_space<vmem>>
      %dma_wait3A_207 = tpu.memref_squeeze %dma_wait3A_206 : memref<1x100xi32, #tpu.memory_space<vmem>> -> memref<100xi32, #tpu.memory_space<vmem>>
      %dma_wait3A_208 = arith.constant 0 : i32
      %dma_wait3A_209 = arith.constant 0 : i32
      %dma_wait3A_210 = tpu.memref_slice %arg11[%dma_wait3A_208, %dma_wait3A_209] : memref<10240x128xf32, #tpu.memory_space<vmem_shared>> -> memref<10240x128xf32, #tpu.memory_space<vmem_shared>>
      tpu.wait_indirect_dma semaphore(%run_scoped3A_198 : memref<!tpu.dma_semaphore, #tpu.memory_space<semaphore_mem>>) src(%arg10 : memref<100x128xf32, #tpu.memory_space<vmem>>) dst(%dma_wait3A_210 : memref<10240x128xf32, #tpu.memory_space<vmem_shared>>)
      tpu.yield
    }) : () -> ()
    %barrier3A_193 = arith.constant 0 : index
    tpu.barrier barrier_id(%barrier3A_193)
    %mul3A_194 = arith.constant 640 : i32
    %mul3A_195 = arith.muli %arg1, %mul3A_194 : i32
    %mul3A_196 = arith.constant 640 : i32
    %mul3A_197 = arith.muli %arg1, %mul3A_196 : i32
    "tpu.region"() ({
      %run_scoped3A_198 = tpu.sem_alloc : memref<!tpu.dma_semaphore, #tpu.memory_space<semaphore_mem>>
      %dma_start3A_199 = arith.constant 0 : i32
      %dma_start3A_200 = tpu.memref_slice %arg6[%arg0, %mul3A_197, %dma_start3A_199] : memref<2x10240x128xf32, #tpu.memory_space<hbm>> -> memref<1x640x128xf32, #tpu.memory_space<hbm>>
      %dma_start3A_201 = tpu.memref_squeeze %dma_start3A_200 : memref<1x640x128xf32, #tpu.memory_space<hbm>> -> memref<640x128xf32, #tpu.memory_space<hbm>>
      %dma_start3A_202 = arith.constant 0 : i32
      %dma_start3A_203 = tpu.memref_slice %arg11[%mul3A_195, %dma_start3A_202] : memref<10240x128xf32, #tpu.memory_space<vmem_shared>> -> memref<640x128xf32, #tpu.memory_space<vmem_shared>>
      tpu.enqueue_dma source(%dma_start3A_203 : memref<640x128xf32, #tpu.memory_space<vmem_shared>>) target(%dma_start3A_201 : memref<640x128xf32, #tpu.memory_space<hbm>>) target_semaphore(%run_scoped3A_198 : memref<!tpu.dma_semaphore, #tpu.memory_space<semaphore_mem>>)
      %dma_wait3A_204 = arith.constant 0 : i32
      %dma_wait3A_205 = tpu.memref_slice %arg6[%arg0, %mul3A_197, %dma_wait3A_204] : memref<2x10240x128xf32, #tpu.memory_space<hbm>> -> memref<1x640x128xf32, #tpu.memory_space<hbm>>
      %dma_wait3A_206 = tpu.memref_squeeze %dma_wait3A_205 : memref<1x640x128xf32, #tpu.memory_space<hbm>> -> memref<640x128xf32, #tpu.memory_space<hbm>>
      %dma_wait3A_207 = arith.constant 0 : i32
      %dma_wait3A_208 = tpu.memref_slice %arg11[%mul3A_195, %dma_wait3A_207] : memref<10240x128xf32, #tpu.memory_space<vmem_shared>> -> memref<640x128xf32, #tpu.memory_space<vmem_shared>>
      tpu.wait_dma2 semaphore(%run_scoped3A_198 : memref<!tpu.dma_semaphore, #tpu.memory_space<semaphore_mem>>) src(%dma_wait3A_208 : memref<640x128xf32, #tpu.memory_space<vmem_shared>>) dst(%dma_wait3A_206 : memref<640x128xf32, #tpu.memory_space<hbm>>)
      tpu.yield
    }) : () -> ()
    return
  }
}

module attributes {stable_mosaic.version = 14 : i64} {
  func.func @_mm1_body(%arg0: i32, %arg1: memref<1000x128xf32, #tpu.memory_space<vmem>>, %arg2: memref<128x128xf32, #tpu.memory_space<vmem>>, %arg3: memref<1000x128xf32, #tpu.memory_space<vmem>>) attributes {dimension_semantics = [#tpu.dimension_semantics<arbitrary>], iteration_bounds = array<i64: 10>, scalar_prefetch = 0 : i64, scratch_operands = 0 : i64, tpu.core_type = #tpu.core_type<tc>, window_params = [{transform_indices = @transform_0, window_bounds = array<i64: 1000, 128>}, {pipeline_mode = #tpu.pipeline_mode<synchronous>, transform_indices = @transform_1, window_bounds = array<i64: 128, 128>}, {transform_indices = @transform_2, window_bounds = array<i64: 1000, 128>}]} {
    %get3A = arith.constant 0 : index
    %get3A_0 = arith.constant 0 : index
    %get3A_1 = vector.load %arg1[%get3A, %get3A_0] : memref<1000x128xf32, #tpu.memory_space<vmem>>, vector<1000x128xf32>
    %get3A_2 = arith.constant 0 : index
    %get3A_3 = arith.constant 0 : index
    %get3A_4 = vector.load %arg2[%get3A_2, %get3A_3] : memref<128x128xf32, #tpu.memory_space<vmem>>, vector<128x128xf32>
    %dot_general3A = arith.constant dense<0.000000e+00> : vector<1000x128xf32>
    %dot_general3A_5 = tpu.matmul %get3A_1, %get3A_4, %dot_general3A {dimension_numbers = #tpu.dot_dimension_numbers<[1], [0], [0], [1], [0, 0, 1, 1], [], []>, transpose_lhs_hint = false} : vector<1000x128xf32>, vector<128x128xf32>, vector<1000x128xf32> -> vector<1000x128xf32>
    %swap3A = arith.constant 0 : index
    %swap3A_6 = arith.constant 0 : index
    %swap3A_7 = vector.load %arg3[%swap3A, %swap3A_6] : memref<1000x128xf32, #tpu.memory_space<vmem>>, vector<1000x128xf32>
    tpu.vector_store %arg3[%swap3A, %swap3A_6], %dot_general3A_5 {strides = array<i32>} : memref<1000x128xf32, #tpu.memory_space<vmem>>, vector<1000x128xf32>,
    return
  }
  func.func @transform_0(%arg0: i32) -> (i32, i32) {
    %c0_i32 = arith.constant 0 : i32
    %c0_i32_0 = arith.constant 0 : i32
    return %arg0, %c0_i32 : i32, i32
  }
  func.func @transform_1(%arg0: i32) -> (i32, i32) {
    %c0_i32 = arith.constant 0 : i32
    %c0_i32_0 = arith.constant 0 : i32
    %c0_i32_1 = arith.constant 0 : i32
    return %c0_i32, %c0_i32_0 : i32, i32
  }
  func.func @transform_2(%arg0: i32) -> (i32, i32) {
    %c0_i32 = arith.constant 0 : i32
    %c0_i32_0 = arith.constant 0 : i32
    return %arg0, %c0_i32 : i32, i32
  }
}

module attributes {stable_mosaic.version = 14 : i64} {
  func.func @_mid_body(%arg0: i32, %arg1: memref<2x1000x128xf32, #tpu.memory_space<vmem>>, %arg2: memref<1000x128xf32, #tpu.memory_space<vmem>>, %arg3: memref<1000x1xf32, #tpu.memory_space<vmem>>, %arg4: memref<1x128xf32, #tpu.memory_space<vmem>>, %arg5: memref<128x128xf32, #tpu.memory_space<vmem>>, %arg6: memref<1000x128xf32, #tpu.memory_space<vmem>>) attributes {dimension_semantics = [#tpu.dimension_semantics<arbitrary>], iteration_bounds = array<i64: 10>, scalar_prefetch = 0 : i64, scratch_operands = 0 : i64, tpu.core_type = #tpu.core_type<tc>, window_params = [{transform_indices = @transform_0, window_bounds = array<i64: 2, 1000, 128>}, {transform_indices = @transform_1, window_bounds = array<i64: 1000, 128>}, {transform_indices = @transform_2, window_bounds = array<i64: 1000, 1>}, {pipeline_mode = #tpu.pipeline_mode<synchronous>, transform_indices = @transform_3, window_bounds = array<i64: 1, 128>}, {pipeline_mode = #tpu.pipeline_mode<synchronous>, transform_indices = @transform_4, window_bounds = array<i64: 128, 128>}, {transform_indices = @transform_5, window_bounds = array<i64: 1000, 128>}]} {
    %get3A = arith.constant 0 : index
    %get3A_0 = arith.constant 0 : index
    %get3A_1 = arith.constant 0 : index
    %get3A_2 = vector.load %arg1[%get3A, %get3A_0, %get3A_1] : memref<2x1000x128xf32, #tpu.memory_space<vmem>>, vector<1x1000x128xf32>
    %get3A_3 = vector.shape_cast %get3A_2 : vector<1x1000x128xf32> to vector<1000x128xf32>
    %get3A_4 = arith.constant 1 : index
    %get3A_5 = arith.constant 0 : index
    %get3A_6 = arith.constant 0 : index
    %get3A_7 = vector.load %arg1[%get3A_4, %get3A_5, %get3A_6] : memref<2x1000x128xf32, #tpu.memory_space<vmem>>, vector<1x1000x128xf32>
    %get3A_8 = vector.shape_cast %get3A_7 : vector<1x1000x128xf32> to vector<1000x128xf32>
    %add3A = arith.addf %get3A_3, %get3A_8 : vector<1000x128xf32>
    %get3A_9 = arith.constant 0 : index
    %get3A_10 = arith.constant 0 : index
    %get3A_11 = vector.load %arg3[%get3A_9, %get3A_10] : memref<1000x1xf32, #tpu.memory_space<vmem>>, vector<1000x1xf32>
    %rsqrt3A = math.rsqrt %get3A_11 : vector<1000x1xf32>
    %get3A_12 = arith.constant 0 : index
    %get3A_13 = arith.constant 0 : index
    %get3A_14 = vector.load %arg2[%get3A_12, %get3A_13] : memref<1000x128xf32, #tpu.memory_space<vmem>>, vector<1000x128xf32>
    %add3A_15 = arith.addf %add3A, %get3A_14 : vector<1000x128xf32>
    %mul3A = vector.broadcast %rsqrt3A : vector<1000x1xf32> to vector<1000x128xf32>
    %mul3A_16 = arith.mulf %mul3A, %add3A_15 : vector<1000x128xf32>
    %get3A_17 = arith.constant 0 : index
    %get3A_18 = arith.constant 0 : index
    %get3A_19 = vector.load %arg4[%get3A_17, %get3A_18] : memref<1x128xf32, #tpu.memory_space<vmem>>, vector<1x128xf32>
    %add3A_20 = vector.broadcast %get3A_19 : vector<1x128xf32> to vector<1000x128xf32>
    %add3A_21 = arith.addf %mul3A_16, %add3A_20 : vector<1000x128xf32>
    %max3A = arith.constant 0.000000e+00 : f32
    %max3A_22 = vector.broadcast %max3A : f32 to vector<1000x128xf32>
    %max3A_23 = arith.maximumf %add3A_21, %max3A_22 : vector<1000x128xf32>
    %get3A_24 = arith.constant 0 : index
    %get3A_25 = arith.constant 0 : index
    %get3A_26 = vector.load %arg5[%get3A_24, %get3A_25] : memref<128x128xf32, #tpu.memory_space<vmem>>, vector<128x128xf32>
    %dot_general3A = arith.constant dense<0.000000e+00> : vector<1000x128xf32>
    %dot_general3A_27 = tpu.matmul %max3A_23, %get3A_26, %dot_general3A {dimension_numbers = #tpu.dot_dimension_numbers<[1], [0], [0], [1], [0, 0, 1, 1], [], []>, transpose_lhs_hint = false} : vector<1000x128xf32>, vector<128x128xf32>, vector<1000x128xf32> -> vector<1000x128xf32>
    %mul3A_28 = vector.broadcast %rsqrt3A : vector<1000x1xf32> to vector<1000x128xf32>
    %mul3A_29 = arith.mulf %mul3A_28, %dot_general3A_27 : vector<1000x128xf32>
    %swap3A = arith.constant 0 : index
    %swap3A_30 = arith.constant 0 : index
    %swap3A_31 = vector.load %arg6[%swap3A, %swap3A_30] : memref<1000x128xf32, #tpu.memory_space<vmem>>, vector<1000x128xf32>
    tpu.vector_store %arg6[%swap3A, %swap3A_30], %mul3A_29 {strides = array<i32>} : memref<1000x128xf32, #tpu.memory_space<vmem>>, vector<1000x128xf32>,
    return
  }
  func.func @transform_0(%arg0: i32) -> (i32, i32, i32) {
    %c0_i32 = arith.constant 0 : i32
    %c0_i32_0 = arith.constant 0 : i32
    %c0_i32_1 = arith.constant 0 : i32
    return %c0_i32, %arg0, %c0_i32_0 : i32, i32, i32
  }
  func.func @transform_1(%arg0: i32) -> (i32, i32) {
    %c0_i32 = arith.constant 0 : i32
    %c0_i32_0 = arith.constant 0 : i32
    return %arg0, %c0_i32 : i32, i32
  }
  func.func @transform_2(%arg0: i32) -> (i32, i32) {
    %c0_i32 = arith.constant 0 : i32
    %c0_i32_0 = arith.constant 0 : i32
    return %arg0, %c0_i32 : i32, i32
  }
  func.func @transform_3(%arg0: i32) -> (i32, i32) {
    %c0_i32 = arith.constant 0 : i32
    %c0_i32_0 = arith.constant 0 : i32
    %c0_i32_1 = arith.constant 0 : i32
    return %c0_i32, %c0_i32_0 : i32, i32
  }
  func.func @transform_4(%arg0: i32) -> (i32, i32) {
    %c0_i32 = arith.constant 0 : i32
    %c0_i32_0 = arith.constant 0 : i32
    %c0_i32_1 = arith.constant 0 : i32
    return %c0_i32, %c0_i32_0 : i32, i32
  }
  func.func @transform_5(%arg0: i32) -> (i32, i32) {
    %c0_i32 = arith.constant 0 : i32
    %c0_i32_0 = arith.constant 0 : i32
    return %arg0, %c0_i32 : i32, i32
  }
}

module attributes {stable_mosaic.version = 14 : i64} {
  func.func @_out_body(%arg0: i32, %arg1: memref<2x1000x128xf32, #tpu.memory_space<vmem>>, %arg2: memref<1000x128xf32, #tpu.memory_space<vmem>>, %arg3: memref<1000x1xf32, #tpu.memory_space<vmem>>, %arg4: memref<1x128xf32, #tpu.memory_space<vmem>>, %arg5: memref<1000x128xf32, #tpu.memory_space<vmem>>, %arg6: memref<128x128xf32, #tpu.memory_space<vmem>>, %arg7: memref<1x128xf32, #tpu.memory_space<vmem>>, %arg8: memref<1000x128xf32, #tpu.memory_space<vmem>>) attributes {dimension_semantics = [#tpu.dimension_semantics<arbitrary>], iteration_bounds = array<i64: 10>, scalar_prefetch = 0 : i64, scratch_operands = 0 : i64, tpu.core_type = #tpu.core_type<tc>, window_params = [{transform_indices = @transform_0, window_bounds = array<i64: 2, 1000, 128>}, {transform_indices = @transform_1, window_bounds = array<i64: 1000, 128>}, {transform_indices = @transform_2, window_bounds = array<i64: 1000, 1>}, {pipeline_mode = #tpu.pipeline_mode<synchronous>, transform_indices = @transform_3, window_bounds = array<i64: 1, 128>}, {transform_indices = @transform_4, window_bounds = array<i64: 1000, 128>}, {pipeline_mode = #tpu.pipeline_mode<synchronous>, transform_indices = @transform_5, window_bounds = array<i64: 128, 128>}, {pipeline_mode = #tpu.pipeline_mode<synchronous>, transform_indices = @transform_6, window_bounds = array<i64: 1, 128>}, {transform_indices = @transform_7, window_bounds = array<i64: 1000, 128>}]} {
    %get3A = arith.constant 0 : index
    %get3A_0 = arith.constant 0 : index
    %get3A_1 = arith.constant 0 : index
    %get3A_2 = vector.load %arg1[%get3A, %get3A_0, %get3A_1] : memref<2x1000x128xf32, #tpu.memory_space<vmem>>, vector<1x1000x128xf32>
    %get3A_3 = vector.shape_cast %get3A_2 : vector<1x1000x128xf32> to vector<1000x128xf32>
    %get3A_4 = arith.constant 1 : index
    %get3A_5 = arith.constant 0 : index
    %get3A_6 = arith.constant 0 : index
    %get3A_7 = vector.load %arg1[%get3A_4, %get3A_5, %get3A_6] : memref<2x1000x128xf32, #tpu.memory_space<vmem>>, vector<1x1000x128xf32>
    %get3A_8 = vector.shape_cast %get3A_7 : vector<1x1000x128xf32> to vector<1000x128xf32>
    %add3A = arith.addf %get3A_3, %get3A_8 : vector<1000x128xf32>
    %get3A_9 = arith.constant 0 : index
    %get3A_10 = arith.constant 0 : index
    %get3A_11 = vector.load %arg5[%get3A_9, %get3A_10] : memref<1000x128xf32, #tpu.memory_space<vmem>>, vector<1000x128xf32>
    %get3A_12 = arith.constant 0 : index
    %get3A_13 = arith.constant 0 : index
    %get3A_14 = vector.load %arg6[%get3A_12, %get3A_13] : memref<128x128xf32, #tpu.memory_space<vmem>>, vector<128x128xf32>
    %dot_general3A = arith.constant dense<0.000000e+00> : vector<1000x128xf32>
    %dot_general3A_15 = tpu.matmul %get3A_11, %get3A_14, %dot_general3A {dimension_numbers = #tpu.dot_dimension_numbers<[1], [0], [0], [1], [0, 0, 1, 1], [], []>, transpose_lhs_hint = false} : vector<1000x128xf32>, vector<128x128xf32>, vector<1000x128xf32> -> vector<1000x128xf32>
    %get3A_16 = arith.constant 0 : index
    %get3A_17 = arith.constant 0 : index
    %get3A_18 = vector.load %arg7[%get3A_16, %get3A_17] : memref<1x128xf32, #tpu.memory_space<vmem>>, vector<1x128xf32>
    %add3A_19 = vector.broadcast %get3A_18 : vector<1x128xf32> to vector<1000x128xf32>
    %add3A_20 = arith.addf %dot_general3A_15, %add3A_19 : vector<1000x128xf32>
    %get3A_21 = arith.constant 0 : index
    %get3A_22 = arith.constant 0 : index
    %get3A_23 = vector.load %arg3[%get3A_21, %get3A_22] : memref<1000x1xf32, #tpu.memory_space<vmem>>, vector<1000x1xf32>
    %rsqrt3A = math.rsqrt %get3A_23 : vector<1000x1xf32>
    %get3A_24 = arith.constant 0 : index
    %get3A_25 = arith.constant 0 : index
    %get3A_26 = vector.load %arg2[%get3A_24, %get3A_25] : memref<1000x128xf32, #tpu.memory_space<vmem>>, vector<1000x128xf32>
    %add3A_27 = arith.addf %add3A, %get3A_26 : vector<1000x128xf32>
    %mul3A = vector.broadcast %rsqrt3A : vector<1000x1xf32> to vector<1000x128xf32>
    %mul3A_28 = arith.mulf %mul3A, %add3A_27 : vector<1000x128xf32>
    %get3A_29 = arith.constant 0 : index
    %get3A_30 = arith.constant 0 : index
    %get3A_31 = vector.load %arg4[%get3A_29, %get3A_30] : memref<1x128xf32, #tpu.memory_space<vmem>>, vector<1x128xf32>
    %add3A_32 = vector.broadcast %get3A_31 : vector<1x128xf32> to vector<1000x128xf32>
    %add3A_33 = arith.addf %mul3A_28, %add3A_32 : vector<1000x128xf32>
    %max3A = arith.constant 0.000000e+00 : f32
    %max3A_34 = vector.broadcast %max3A : f32 to vector<1000x128xf32>
    %max3A_35 = arith.maximumf %add3A_33, %max3A_34 : vector<1000x128xf32>
    %add3A_36 = arith.addf %max3A_35, %add3A_20 : vector<1000x128xf32>
    %swap3A = arith.constant 0 : index
    %swap3A_37 = arith.constant 0 : index
    %swap3A_38 = vector.load %arg8[%swap3A, %swap3A_37] : memref<1000x128xf32, #tpu.memory_space<vmem>>, vector<1000x128xf32>
    tpu.vector_store %arg8[%swap3A, %swap3A_37], %add3A_36 {strides = array<i32>} : memref<1000x128xf32, #tpu.memory_space<vmem>>, vector<1000x128xf32>,
    return
  }
  func.func @transform_0(%arg0: i32) -> (i32, i32, i32) {
    %c0_i32 = arith.constant 0 : i32
    %c0_i32_0 = arith.constant 0 : i32
    %c0_i32_1 = arith.constant 0 : i32
    return %c0_i32, %arg0, %c0_i32_0 : i32, i32, i32
  }
  func.func @transform_1(%arg0: i32) -> (i32, i32) {
    %c0_i32 = arith.constant 0 : i32
    %c0_i32_0 = arith.constant 0 : i32
    return %arg0, %c0_i32 : i32, i32
  }
  func.func @transform_2(%arg0: i32) -> (i32, i32) {
    %c0_i32 = arith.constant 0 : i32
    %c0_i32_0 = arith.constant 0 : i32
    return %arg0, %c0_i32 : i32, i32
  }
  func.func @transform_3(%arg0: i32) -> (i32, i32) {
    %c0_i32 = arith.constant 0 : i32
    %c0_i32_0 = arith.constant 0 : i32
    %c0_i32_1 = arith.constant 0 : i32
    return %c0_i32, %c0_i32_0 : i32, i32
  }
  func.func @transform_4(%arg0: i32) -> (i32, i32) {
    %c0_i32 = arith.constant 0 : i32
    %c0_i32_0 = arith.constant 0 : i32
    return %arg0, %c0_i32 : i32, i32
  }
  func.func @transform_5(%arg0: i32) -> (i32, i32) {
    %c0_i32 = arith.constant 0 : i32
    %c0_i32_0 = arith.constant 0 : i32
    %c0_i32_1 = arith.constant 0 : i32
    return %c0_i32, %c0_i32_0 : i32, i32
  }
  func.func @transform_6(%arg0: i32) -> (i32, i32) {
    %c0_i32 = arith.constant 0 : i32
    %c0_i32_0 = arith.constant 0 : i32
    %c0_i32_1 = arith.constant 0 : i32
    return %c0_i32, %c0_i32_0 : i32, i32
  }
  func.func @transform_7(%arg0: i32) -> (i32, i32) {
    %c0_i32 = arith.constant 0 : i32
    %c0_i32_0 = arith.constant 0 : i32
    return %arg0, %c0_i32 : i32, i32
  }
}

</mosaic_0001>

<sc_bundles>
// kernel: _run.11.cloned.1.call-start
scs
__scs_entry_jumppad:
0x0: {  	(pc) =	sbr.rel $0x88, $3  }
0x1: {  	(tag) =	ssettag $0x0;
	lr =	simm.s32 $0x1  }
0x2: {  	[smem:$0x3F99] =	sst lr;
	_ =	strace $0xD0000000  }
0x3: {  	_ = 	snop  }
0x4: {  	_ = 	snop  }
0x5: {  	_ = 	snop  }
0x6: {  	_ = 	snop  }
0x7: {  	_ = 	snop  }
__scs_overlays_trampoline_lowered:
0x8: {  	[smem:$0x3FA8] =	sst s0  }
0x9: {  	[smem:$0x3FA9] =	sst s1  }
0xa: {  	[smem:$0x3FAA] =	sst s2  }
0xb: {  	[smem:$0x3FAB] =	sst s3  }
0xc: {  	[smem:$0x3FAC] =	sst s4  }
0xd: {  	[smem:$0x3FAD] =	sst s5  }
0xe: {  	[smem:$0x3FAE] =	sst s6  }
0xf: {  	[smem:$0x3FAF] =	sst s7  }
0x10: {  	[smem:$0x3FB0] =	sst s8  }
0x11: {  	[smem:$0x3FB1] =	sst s9;
	s0 =	simm.s32 @!p0 $0x0  }
0x12: {  	s1 =	sld [smem:$0x3F97];
	s0 =	simm.s32 @p0 $0x1  }
0x13: {  	[smem:$0x3FB2] =	sst s0;
	s0 =	simm.s32 @!p1 $0x0  }
0x14: {  	s2 =	sld [smem:$0x3F96];
	s0 =	simm.s32 @p1 $0x1  }
0x15: {  	[smem:$0x3FB3] =	sst s0;
	s0 =	simm.s32 @!p2 $0x0  }
0x16: {  	s3 =	sld [smem:$0x3FDB];
	s0 =	simm.s32 @p2 $0x1  }
0x17: {  	s4 =	simm.s32 $0x1BF5;
	[smem:$0x3FB5] =	sst s0  }
0x18: {  	s0 =	sld [smem:$0x3F98];
	_ =	swait.ge [sflag:s4], $0x0  }
0x19: {  	s7 =	sld [smem:$0x3F99]  }
0x1a: {  	s8 =	sadd.s32 $0xFFFFE003, lr  }
0x1b: {  	s9 =	sadd.s32 $0xFFFFFEF7, lr;
	s5 =	simm.s32 $0xFFFFFFFF;
	p2 =	slt.u32 s8, $0xFFFFF086  }
0x1c: {  	p1 =	slt.u32 s9, $0xF7A;
	s5 =	simm.s32 @!p2 $0x0  }
0x1d: {  	s5 =	simm.s32 @p1 $0x1;
	p0 =	seq.s32 s7, s2  }
0x1e: {  	s7 =	smul.u32 @!p0 $0xF7A, s2;
	p2 =	seq.s32 @!p0 s5, $0x0  }
0x1f: {  	s9 =	smul.u32 $0xF7A, s1;
	s8 =	simm.s32 @!p0 $0x1BF5;
	p2 =	por !p2, p0  }
0x20: {  	[sflag:s8] =	ssyncset.s32 @!p0 $0xFFFFF086;
	s6 =	sadd.s32 @!p0 s3, s7;
	s7 =	simm.s32 @!p0 $0x108  }
0x21: {  	s3 =	sadd.s32 s3, s9;
	s6 =	sadd.s32 @!p0 $0x88, s6;
	s7 =	simm.s32 @p2 $0x1082  }
0x22: {  	[simem:s7], [sflag:s8] =	dma.local @!p0 [hbm:s6], $0xF7A  }
0x23: {  	s9 =	sor.u32 $0xD0000000, s2;
	s6 =	simm.s32 $0x108;
	_ =	swait.ge @!p0 [sflag:s8], $0x0  }
0x24: {  	s3 =	sadd.s32 $0x88, s3;
	s6 =	simm.s32 @!p1 $0x1082;
	[sflag:s4] =	ssyncset.s32 $0xFFFFF086  }
0x25: {  	[simem:s6], [sflag:s4] =	dma.local [hbm:s3], $0xF7A  }
0x26: {  	[smem:$0x3F99] =	sst s1;
	(tag) =	ssettag s2;
	_ =	strace s9  }
0x27: {  	s1 =	sld [smem:$0x3FA9]  }
0x28: {  	s2 =	sld [smem:$0x3FAA]  }
0x29: {  	s4 =	sld [smem:$0x3FAC]  }
0x2a: {  	p0 =	seq.s32 s5, $0x0;
	s5 =	sld [smem:$0x3FAD]  }
0x2b: {  	s6 =	sld [smem:$0x3FAE]  }
0x2c: {  	s7 =	sld [smem:$0x3FAF]  }
0x2d: {  	s3 =	simm.s32 $0x108;
	s8 =	sld [smem:$0x3FB0]  }
0x2e: {  	s3 =	simm.s32 @!p0 $0x1082;
	s9 =	sld [smem:$0x3FB1]  }
0x2f: {  	lr =	sadd.s32 s0, s3;
	s0 =	sld [smem:$0x3FA8]  }
0x30: {  	s3 =	sld [smem:$0x3FAB]  }
0x31: {  	[smem:$0x3FB4] =	sst s10  }
0x32: {  	s10 =	sld [smem:$0x3FB2];
	_ =	sdelay $0x3  }
0x33: {  	p0 =	seq.s32 s10, $0x1;
	s10 =	sld [smem:$0x3FB4];
	_ =	sdelay $0x3  }
0x34: {  	[smem:$0x3FB4] =	sst s10  }
0x35: {  	s10 =	sld [smem:$0x3FB3];
	_ =	sdelay $0x3  }
0x36: {  	p1 =	seq.s32 s10, $0x1;
	s10 =	sld [smem:$0x3FB4];
	_ =	sdelay $0x3  }
0x37: {  	[smem:$0x3FB4] =	sst s10  }
0x38: {  	s10 =	sld [smem:$0x3FB5]  }
0x39: {  	_ = 	snop;
	(pc) =	sbr.ind lr, $3  }
0x3a: {  	_ = 	snop  }
0x3b: {  	_ = 	snop  }
0x3c: {  	p2 =	seq.s32 s10, $0x1;
	s10 =	sld [smem:$0x3FB4]  }
0x3d: {  	_ =	shalt  }
0x3e: {  	_ =	shalt  }
0x3f: {  	_ =	shalt  }
0x40: {  	_ =	shalt  }
0x41: {  	_ =	shalt  }
0x42: {  	_ =	shalt  }
0x43: {  	_ =	shalt  }
0x44: {  	_ =	shalt  }
0x45: {  	_ =	shalt  }
0x46: {  	_ =	shalt  }
0x47: {  	_ =	shalt  }
0x48: {  	_ =	shalt  }
0x49: {  	_ =	shalt  }
0x4a: {  	_ =	shalt  }
0x4b: {  	_ =	shalt  }
0x4c: {  	_ =	shalt  }
0x4d: {  	_ =	shalt  }
0x4e: {  	_ =	shalt  }
0x4f: {  	_ =	shalt  }
0x50: {  	_ =	shalt  }
0x51: {  	_ =	shalt  }
0x52: {  	_ =	shalt  }
0x53: {  	_ =	shalt  }
0x54: {  	_ =	shalt  }
0x55: {  	_ =	shalt  }
0x56: {  	_ =	shalt  }
0x57: {  	_ =	shalt  }
0x58: {  	_ =	shalt  }
0x59: {  	_ =	shalt  }
0x5a: {  	_ =	shalt  }
0x5b: {  	_ =	shalt  }
0x5c: {  	_ =	shalt  }
0x5d: {  	_ =	shalt  }
0x5e: {  	_ =	shalt  }
0x5f: {  	_ =	shalt  }
0x60: {  	_ =	shalt  }
0x61: {  	_ =	shalt  }
0x62: {  	_ =	shalt  }
0x63: {  	_ =	shalt  }
0x64: {  	_ =	shalt  }
0x65: {  	_ =	shalt  }
0x66: {  	_ =	shalt  }
0x67: {  	_ =	shalt  }
0x68: {  	_ =	shalt  }
0x69: {  	_ =	shalt  }
0x6a: {  	_ =	shalt  }
0x6b: {  	_ =	shalt  }
0x6c: {  	_ =	shalt  }
0x6d: {  	_ =	shalt  }
0x6e: {  	_ =	shalt  }
0x6f: {  	_ =	shalt  }
0x70: {  	_ =	shalt  }
0x71: {  	_ =	shalt  }
0x72: {  	_ =	shalt  }
0x73: {  	_ =	shalt  }
0x74: {  	_ =	shalt  }
0x75: {  	_ =	shalt  }
0x76: {  	_ =	shalt  }
0x77: {  	_ =	shalt  }
0x78: {  	_ =	shalt  }
0x79: {  	_ =	shalt  }
0x7a: {  	_ =	shalt  }
0x7b: {  	_ =	shalt  }
0x7c: {  	_ =	shalt  }
0x7d: {  	_ =	shalt  }
0x7e: {  	_ =	shalt  }
0x7f: {  	_ =	shalt  }
0x80: {  	_ =	shalt  }
0x81: {  	_ =	shalt  }
0x82: {  	_ =	shalt  }
0x83: {  	_ =	shalt  }
0x84: {  	_ =	shalt  }
0x85: {  	_ =	shalt  }
0x86: {  	_ =	shalt  }
0x87: {  	_ =	shalt  }
.Lfunc_end0:
.L_simem_size_0:
called_computation.1_lowered:
.L_overlay_start_0:
0x88: {  	s2 =	sld [smem:$0x3FD9]  }
0x89: {  	s3 =	sld [smem:$0x3FFE];
	_ =	sdelay $0x1  }
0x8a: {  	s1 =	srdreg.scid  }
0x8b: {  	s0 =	sand.u32 $0x1, s1  }
0x8c: {  	s17 =	sshll.u32 s0, $0xA;
	s2 =	sadd.s32 s3, s2  }
0x8d: {  	s2 =	sadd.s32 s2, s17  }
0x8e: {  	[smem:$0x3FC0] =	sst s2  }
0x8f: {  	_ = 	snop  }
0x90: {  	s2 =	sld [smem:$0x3FD0];
	(tm) =	ssettm $0x1  }
0x91: {  	s18 =	sld [smem:$0x3FFB];
	_ =	sdelay $0x3  }
0x92: {  	_ =	strace s18  }
0x93: {  	s3 =	sld [smem:$0x3FFC];
	_ =	sdelay $0x3  }
0x94: {  	_ =	strace s3  }
0x95: {  	s3 =	sld [smem:$0x3FFD];
	_ =	sdelay $0x3  }
0x96: {  	_ =	strace s3  }
0x97: {  	_ =	strace $0x8FFFFFFF  }
0x98: {  	s19 =	sld [smem:$0x3FDB];
	_ =	sdelay $0x1  }
0x99: {  	s4 =	simm.s32 $_scs_section_size  }
0x9a: {  	s5 =	simm.s32 $_size__tile_overlayer_lowered;
	s6 =	simm.s32 $_tile_overlayer_lowered  }
0x9b: {  	s22 =	simm.s32 $0x1BFF;
	s21 =	sshll.u32 s6, $0x1;
	s3 =	sadd.s32 s4, s19  }
0x9c: {  	s7 =	simm.s32 $0x0;
	s20 =	sshll.u32 s5, $0x1;
	s5 =	sadd.s32 s21, s3  }
0x9d: {  	[timem:s7], [sflag:s22] =	dma.local [hbm:s5], s20  }
0x9e: {  	_ =	swait.ge [sflag:s22], s20  }
0x9f: {  	s4 =	ssub.s32 $0x0, s20;
	[sflag:s22] =	ssyncset.done $0x0  }
0xa0: {  	[sflag:s22] =	ssyncadd.s32 s4;
	_ =	sdelay $0x1  }
0xa1: {  	s23 =	simm.s32 $0x1B8B  }
0xa2: {  	_ =	swait.ge [sflag:s23], $0x1  }
0xa3: {  	[sflag:s23] =	ssyncset.done $0x0  }
0xa4: {  	s25 =	simm.s32 $0x1B8E;
	s24 =	sld [smem:$0x3FFE];
	[sflag:s23] =	ssyncadd.s32 $0xFFFFFFFF  }
0xa5: {  	s26 =	simm.s32 $execute0_lowered;
	[smem:$0x3FD2] =	sst s25  }
0xa6: {  	s5 =	sshll.u32 s26, $0x1;
	_ =	strace $0x80000049;
	[dreg:$0x1] =	wrdreg $0xFFFFFFFF  }
0xa7: {  	s28 =	simm.s32 $_size_execute0_lowered;
	s3 =	sadd.s32 s3, s5;
	[dreg:$0x0] =	wrdreg $0x0  }
0xa8: {  	s5 =	sshll.u32 s28, $0x1;
	[dreg:$0x2] =	wrdreg s3  }
0xa9: {  	[dreg:$0x3] =	wrdreg s5  }
0xaa: {  	[dreg:$0x4] =	wrdreg $0xC0  }
0xab: {  	_ =	task [dreg:s7], $0x5FFFF  }
0xac: {  	[dreg:$0x1] =	wrdreg $0xFFFFFFFF  }
0xad: {  	[dreg:$0x0] =	wrdreg $0x60  }
0xae: {  	[dreg:$0x2] =	wrdreg s2  }
0xaf: {  	[dreg:$0x3] =	wrdreg s24  }
0xb0: {  	[dreg:$0x4] =	wrdreg $0xB8000  }
0xb1: {  	[dreg:$0x5] =	wrdreg $0x9  }
0xb2: {  	_ =	task.clear_ibuf [dreg:s7], $0x6FFFF;
	_ =	strace $0x90000049  }
0xb3: {  	s29 =	simm.s32 $0x9;
	_ =	strace $0x8000004B  }
0xb4: {  	_ =	swait.ge [sflag:s29], $0x1  }
0xb5: {  	[sflag:s29] =	ssyncadd.s32 $0xFFFFFFFF  }
0xb6: {  	_ =	strace $0x9000004B  }
0xb7: {  	_ =	sfence  }
0xb8: {  	s30 =	sld [smem:$0x0];
	_ =	sdelay $0x2  }
0xb9: {  	s31 =	sshll.u32 s1, $0xD;
	s1 =	sshrl.u32 s1, $0x2  }
0xba: {  	s3 =	sand.u32 $0x4000, s31;
	s1 =	sadd.s32 s1, s30  }
0xbb: {  	s0 =	sor.u32 s3, s0;
	s1 =	sshll.u32 s1, $0x11  }
0xbc: {  	s0 =	sor.u32 s1, s0  }
0xbd: {  	s0 =	sadd.s32 $0x8F2B, s0  }
0xbe: {  	[sflag:s0] =	ssyncadd.remote.s32 $0x1  }
0xbf: {  	_ =	sfence.sel $0xFFFF  }
0xc0: {  	[dreg:$0x0] =	wrdreg $0xFFFFFFFF;
	(pc) =	sbr.abs _section_cstart, $3  }
0xc1: {  	[dreg:$0x1] =	wrdreg $0xFFFFFFFF  }
0xc2: {  	_ =	task.clear_ibuf [dreg:s7], $0x2FFFF;
	_ =	strace $0x9FFFFFFF  }
0xc3: {  	(tm) =	ssettm $0x7FFFFFFF  }
tec
execute0_lowered:
.L_overlay_start_1:
0x0: {  	(tag) =	ssettag $0x1  }
0x1: {  	s0 =	srdreg.scid;
	s2 =	rddreg [dreg:$0x0]  }
0x2: {  	s25 =	stileid.u32;
	s6 =	rddreg [dreg:$0x1]  }
0x3: {  	s3 =	rddreg [dreg:$0x2];
	s4 =	simm.s32 $0x0;
	s17 =	simm.s32 $0x3400  }
0x4: {  	s18 =	simm.s32 $0x5000;
	s19 =	simm.s32 $0x2;
	s20 =	simm.s32 $0x1  }
0x5: {  	s21 =	simm.s32 $0x64;
	s22 =	simm.s32 $0x8400;
	s23 =	simm.s32 $0x3  }
0x6: {  	s24 =	simm.s32 $0x3180;
	s28 =	simm.s32 $0x0;
	s10 =	smul.u32 $0x14000, s25  }
0x7: {  	s5 =	sand.u32 $0x1, s0;
	[smem:$0x7FF] =	sst s4;
	s26 =	smul.u32 $0x50000, s25  }
0x8: {  	s1 =	sshll.u32 s5, $0x4;
	s9 =	smul.u32 $0x140000, s5;
	s5 =	ssub.s32 $0x2, s5  }
0x9: {  	_ =	strace $0x8000004A;
	s1 =	sor.u32 s25, s1;
	s30 =	sshrl.u32 s5, $0x1  }
0xa: {  	s31 =	sshrl.u32 s26, $0x2;
	s25 =	simm.s32 $0x4C00;
	s7 =	smul.u32 $0x680, s1  }
0xb: {  	s8 =	smul.u32 $0x3800, s1;
	s9 =	sadd.s32 s10, s9;
	s16 =	ssub.s32 s5, s30  }
0xc: {  	s26 =	simm.s32 $0x4C80;
	s29 =	sshrl.u32 s9, $0x3;
	s16 =	smax.u32 s16, $0x1  }
0xd: {  	s7 =	sadd.s32 s7, s6;
	s8 =	sshrl.u32 s8, $0x3;
	s15 =	sadd.s32 s29, s6  }
0xe: {  	s14 =	sadd.s32 s8, s6;
	s5 =	sadd.s32 $0x10A00, s7;
	s6 =	sadd.s32 s31, s3  }
0xf: {  	s15 =	sadd.s32 $0x1DA00, s15;
	s7 =	sadd.s32 $0x2A00, s14;
	s8 =	sadd.s32 $0x3200, s6  }
0x10: {  	s9 =	sadd.s32 $0x6400, s6;
	s10 =	sadd.s32 $0x9600, s6;
	s11 =	sadd.s32 $0xC800, s6  }
0x11: {  	v0 =	vimm.f32 $0.0e+00;
	s12 =	sadd.s32 $0xFA00, s6;
	s13 =	sadd.s32 $0x12C00, s6;
	s14 =	sadd.s32 $0x2D80, s14  }
.LBB2_1:
0x12: {  	[tilespmem:s4], [sflag:$0x2] =	stream.linear.gather [hbm4b:s5+s4], $0x3200, $0x38;
	[tilespmem:$0x1F800] =	vst v63  }
0x13: {  	s29 =	simm.s32 $0x0;
	s30 =	simm.s32 $0x200  }
0x14: {  	[tilespmem:s17], [sflag:$0x2] =	stream.linear.gather [hbm4b:s7+s4], $0x1900, $0x38;
	[tilespmem:$0x1F800] =	vst v63  }
.LBB2_2:
0x15: {  	p0 =	sne.s32 s30, $0xC600;
	[tilespmem:s29+$0x5070] =	vst v0  }
0x16: {  	[tilespmem:s29+$0x5000] =	vst v0  }
0x17: {  	[tilespmem:s29+$0x5010] =	vst v0  }
.Ltmp0:
0x18: {  	[tilespmem:s29+$0x5020] =	vst v0;
	(pc) =	sbr.rel @p0 .LBB2_2-.Ltmp0, $4  }
0x19: {  	[tilespmem:s29+$0x5030] =	vst v0  }
0x1a: {  	[tilespmem:s29+$0x5040] =	vst v0  }
0x1b: {  	[tilespmem:s29+$0x5050] =	vst v0  }
0x1c: {  	[tilespmem:s29+$0x5060] =	vst v0;
	s29 =	sshra.s32 s30, $0x2;
	s30 =	sadd.s32 $0x200, s30  }
0x1d: {  	[tilespmem:s29+$0x5070] =	vst v0  }
0x1e: {  	[tilespmem:s29+$0x5000] =	vst v0  }
0x1f: {  	[tilespmem:s29+$0x5010] =	vst v0  }
0x20: {  	[tilespmem:s29+$0x5020] =	vst v0  }
0x21: {  	[tilespmem:s29+$0x5030] =	vst v0  }
0x22: {  	[tilespmem:s29+$0x5040] =	vst v0  }
0x23: {  	[tilespmem:s29+$0x5050] =	vst v0  }
0x24: {  	[tilespmem:s29+$0x5060] =	vst v0  }
0x25: {  	[spmem:s6] =	stream.linear.scatter [tilespmem:s18], [sflag:$0x1], $0x3200, $0x38;
	[tilespmem:$0x1F800] =	vst v63  }
0x26: {  	_ = 	snop  }
0x27: {  	[spmem:s8] =	stream.linear.scatter [tilespmem:s18], [sflag:$0x1], $0x3200, $0x38;
	[tilespmem:$0x1F800] =	vst v63  }
0x28: {  	_ = 	snop  }
0x29: {  	[spmem:s9] =	stream.linear.scatter [tilespmem:s18], [sflag:$0x1], $0x3200, $0x38;
	[tilespmem:$0x1F800] =	vst v63  }
0x2a: {  	_ = 	snop  }
0x2b: {  	[spmem:s10] =	stream.linear.scatter [tilespmem:s18], [sflag:$0x1], $0x3200, $0x38;
	[tilespmem:$0x1F800] =	vst v63  }
0x2c: {  	_ = 	snop  }
0x2d: {  	[spmem:s11] =	stream.linear.scatter [tilespmem:s18], [sflag:$0x1], $0x3200, $0x38;
	[tilespmem:$0x1F800] =	vst v63  }
0x2e: {  	_ = 	snop  }
0x2f: {  	[spmem:s12] =	stream.linear.scatter [tilespmem:s18], [sflag:$0x1], $0x3200, $0x38;
	[tilespmem:$0x1F800] =	vst v63  }
0x30: {  	_ = 	snop  }
0x31: {  	[spmem:s13] =	stream.linear.scatter [tilespmem:s18], [sflag:$0x1], $0x1400, $0x38;
	[tilespmem:$0x1F800] =	vst v63  }
0x32: {  	_ =	swait.ge [sflag:s19], $0x3200  }
0x33: {  	[sflag:s19] =	ssyncset.done $0x0  }
0x34: {  	[sflag:s19] =	ssyncadd.s32 $0xFFFFCE00  }
0x35: {  	_ =	swait.ge [sflag:s19], $0x1900  }
0x36: {  	[sflag:s19] =	ssyncset.done $0x0  }
0x37: {  	[sflag:s19] =	ssyncadd.s32 $0xFFFFE700  }
0x38: {  	_ =	swait.ge [sflag:s20], $0x3200  }
0x39: {  	[sflag:s20] =	ssyncset.done $0x0  }
0x3a: {  	[sflag:s20] =	ssyncadd.s32 $0xFFFFCE00  }
0x3b: {  	_ =	swait.ge [sflag:s20], $0x3200  }
0x3c: {  	[sflag:s20] =	ssyncset.done $0x0  }
0x3d: {  	[sflag:s20] =	ssyncadd.s32 $0xFFFFCE00  }
0x3e: {  	_ =	swait.ge [sflag:s20], $0x3200  }
0x3f: {  	[sflag:s20] =	ssyncset.done $0x0  }
0x40: {  	[sflag:s20] =	ssyncadd.s32 $0xFFFFCE00  }
0x41: {  	_ =	swait.ge [sflag:s20], $0x3200  }
0x42: {  	[sflag:s20] =	ssyncset.done $0x0  }
0x43: {  	[sflag:s20] =	ssyncadd.s32 $0xFFFFCE00  }
0x44: {  	_ =	swait.ge [sflag:s20], $0x3200  }
0x45: {  	[sflag:s20] =	ssyncset.done $0x0  }
0x46: {  	[sflag:s20] =	ssyncadd.s32 $0xFFFFCE00  }
0x47: {  	_ =	swait.ge [sflag:s20], $0x3200  }
0x48: {  	[sflag:s20] =	ssyncset.done $0x0  }
0x49: {  	[sflag:s20] =	ssyncadd.s32 $0xFFFFCE00  }
0x4a: {  	_ =	swait.ge [sflag:s20], $0x1400  }
0x4b: {  	[sflag:s20] =	ssyncset.done $0x0  }
0x4c: {  	[sflag:s20] =	ssyncadd.s32 $0xFFFFEC00  }
0x4d: {  	s29 =	simm.s32 $0x0;
	[bflag:$0x0] =	sbarrier.arrive $0xFFFF  }
0x4e: {  	[tilespmem:s18], [sflag:$0x1] =	stream.indirect.gather [hbm4b:s2+s21], $0x80, s29, s21, $0xb8;
	[tilespmem:$0x1F800] =	vst v63  }
0x4f: {  	s29 =	simm.s32 $0x80  }
0x50: {  	[tilespmem:s22], [sflag:$0x2] =	stream.indirect.gather [hbm4b:s2+s21], $0x80, s29, s21, $0xb8;
	[tilespmem:$0x1F800] =	vst v63  }
0x51: {  	_ =	swait.ge [sflag:s20], $0x3200  }
0x52: {  	[sflag:s20] =	ssyncset.done $0x0  }
0x53: {  	s29 =	simm.s32 $0x3400;
	[sflag:s20] =	ssyncadd.s32 $0xFFFFCE00  }
0x54: {  	[spmem:s3] =	stream.indirect.scatter.add.f32 [tilespmem:s18], [sflag:$0x3], $0x80, s29, s21, $0xb8;
	[tilespmem:$0x1F800] =	vst v63  }
0x55: {  	_ =	swait.ge [sflag:s23], $0x3200  }
0x56: {  	[sflag:s23] =	ssyncset.done $0x0  }
0x57: {  	s29 =	simm.s32 $0x100;
	[sflag:s23] =	ssyncadd.s32 $0xFFFFCE00  }
0x58: {  	[tilespmem:s18], [sflag:$0x1] =	stream.indirect.gather [hbm4b:s2+s21], $0x80, s29, s21, $0xb8;
	[tilespmem:$0x1F800] =	vst v63  }
0x59: {  	_ =	swait.ge [sflag:s19], $0x3200  }
0x5a: {  	[sflag:s19] =	ssyncset.done $0x0  }
0x5b: {  	s29 =	simm.s32 $0x3480;
	[sflag:s19] =	ssyncadd.s32 $0xFFFFCE00  }
0x5c: {  	[spmem:s3] =	stream.indirect.scatter.add.f32 [tilespmem:s22], [sflag:$0x3], $0x80, s29, s21, $0xb8;
	[tilespmem:$0x1F800] =	vst v63  }
0x5d: {  	_ =	swait.ge [sflag:s23], $0x3200  }
0x5e: {  	s30 =	simm.s32 $0x800;
	s29 =	simm.s32 $0x100;
	[sflag:s23] =	ssyncset.done $0x0  }
.LBB2_4:
0x5f: {  	s31 =	sadd.s32 $0x80, s29  }
0x60: {  	[sflag:s23] =	ssyncadd.s32 $0xFFFFCE00;
	s1 =	smov.u32 s30;
	s0 =	sadd.s32 $0x400, s30  }
0x61: {  	[tilespmem:s22], [sflag:$0x2] =	stream.indirect.gather [hbm4b:s2+s21], $0x80, s31, s21, $0xb8;
	[tilespmem:$0x1F800] =	vst v63  }
0x62: {  	p0 =	sne.s32 s30, $0x6000;
	_ =	swait.ge [sflag:s20], $0x3200  }
0x63: {  	[sflag:s20] =	ssyncset.done $0x0  }
0x64: {  	s30 =	sadd.s32 $0x3400, s29;
	[sflag:s20] =	ssyncadd.s32 $0xFFFFCE00  }
0x65: {  	[spmem:s3] =	stream.indirect.scatter.add.f32 [tilespmem:s18], [sflag:$0x3], $0x80, s30, s21, $0xb8;
	[tilespmem:$0x1F800] =	vst v63  }
0x66: {  	_ =	swait.ge [sflag:s23], $0x3200  }
0x67: {  	[sflag:s23] =	ssyncset.done $0x0  }
0x68: {  	s30 =	sadd.s32 $0x100, s29;
	[sflag:s23] =	ssyncadd.s32 $0xFFFFCE00  }
0x69: {  	[tilespmem:s18], [sflag:$0x1] =	stream.indirect.gather [hbm4b:s2+s21], $0x80, s30, s21, $0xb8;
	[tilespmem:$0x1F800] =	vst v63  }
0x6a: {  	_ =	swait.ge [sflag:s19], $0x3200  }
.Ltmp1:
0x6b: {  	[sflag:s19] =	ssyncset.done $0x0;
	(pc) =	sbr.rel @p0 .LBB2_4-.Ltmp1, $4  }
0x6c: {  	s29 =	sadd.s32 $0x3480, s29;
	[sflag:s19] =	ssyncadd.s32 $0xFFFFCE00  }
0x6d: {  	[spmem:s3] =	stream.indirect.scatter.add.f32 [tilespmem:s22], [sflag:$0x3], $0x80, s29, s21, $0xb8;
	[tilespmem:$0x1F800] =	vst v63  }
0x6e: {  	_ =	swait.ge [sflag:s23], $0x3200  }
0x6f: {  	s30 =	smov.u32 s0;
	s29 =	sshra.s32 s1, $0x2;
	[sflag:s23] =	ssyncset.done $0x0  }
0x70: {  	s0 =	sadd.s32 $0x80, s29;
	[sflag:s23] =	ssyncadd.s32 $0xFFFFCE00  }
0x71: {  	[tilespmem:s22], [sflag:$0x2] =	stream.indirect.gather [hbm4b:s2+s21], $0x80, s0, s21, $0xb8;
	[tilespmem:$0x1F800] =	vst v63  }
0x72: {  	_ =	swait.ge [sflag:s20], $0x3200  }
0x73: {  	[sflag:s20] =	ssyncset.done $0x0  }
0x74: {  	s1 =	sadd.s32 $0x3400, s29;
	[sflag:s20] =	ssyncadd.s32 $0xFFFFCE00  }
0x75: {  	[spmem:s3] =	stream.indirect.scatter.add.f32 [tilespmem:s18], [sflag:$0x3], $0x80, s1, s21, $0xb8;
	[tilespmem:$0x1F800] =	vst v63  }
0x76: {  	_ =	swait.ge [sflag:s23], $0x3200  }
0x77: {  	[sflag:s23] =	ssyncset.done $0x0  }
0x78: {  	s31 =	sadd.s32 $0x100, s29;
	[sflag:s23] =	ssyncadd.s32 $0xFFFFCE00  }
0x79: {  	[tilespmem:s18], [sflag:$0x1] =	stream.indirect.gather [hbm4b:s2+s21], $0x80, s31, s21, $0xb8;
	[tilespmem:$0x1F800] =	vst v63  }
0x7a: {  	_ =	swait.ge [sflag:s19], $0x3200  }
0x7b: {  	[sflag:s19] =	ssyncset.done $0x0  }
0x7c: {  	s1 =	sadd.s32 $0x3480, s29;
	[sflag:s19] =	ssyncadd.s32 $0xFFFFCE00  }
0x7d: {  	[spmem:s3] =	stream.indirect.scatter.add.f32 [tilespmem:s22], [sflag:$0x3], $0x80, s1, s21, $0xb8;
	[tilespmem:$0x1F800] =	vst v63  }
0x7e: {  	_ =	swait.ge [sflag:s23], $0x3200  }
0x7f: {  	[sflag:s23] =	ssyncset.done $0x0  }
0x80: {  	s31 =	simm.s32 $0x0;
	[sflag:s23] =	ssyncadd.s32 $0xFFFFCE00  }
0x81: {  	[tilespmem:s17], [sflag:$0x3] =	stream.linear.gather [hbm4b:s14+s31], $0x1900, $0x38;
	[tilespmem:$0x1F800] =	vst v63  }
0x82: {  	_ =	swait.ge [sflag:s23], $0x1900  }
0x83: {  	[sflag:s23] =	ssyncset.done $0x0  }
0x84: {  	s1 =	simm.s32 $0x1980;
	[sflag:s23] =	ssyncadd.s32 $0xFFFFE700  }
0x85: {  	[tilespmem:s22], [sflag:$0x2] =	stream.indirect.gather [hbm4b:s2+s21], $0x80, s1, s21, $0xb8;
	[tilespmem:$0x1F800] =	vst v63  }
0x86: {  	_ =	swait.ge [sflag:s20], $0x3200  }
0x87: {  	[sflag:s20] =	ssyncset.done $0x0  }
0x88: {  	s31 =	simm.s32 $0x3400;
	[sflag:s20] =	ssyncadd.s32 $0xFFFFCE00  }
0x89: {  	[spmem:s3] =	stream.indirect.scatter.add.f32 [tilespmem:s18], [sflag:$0x3], $0x80, s31, s21, $0xb8;
	[tilespmem:$0x1F800] =	vst v63  }
0x8a: {  	_ =	swait.ge [sflag:s23], $0x3200  }
0x8b: {  	[sflag:s23] =	ssyncset.done $0x0  }
0x8c: {  	s1 =	simm.s32 $0x1A00;
	[sflag:s23] =	ssyncadd.s32 $0xFFFFCE00  }
0x8d: {  	[tilespmem:s18], [sflag:$0x1] =	stream.indirect.gather [hbm4b:s2+s21], $0x80, s1, s21, $0xb8;
	[tilespmem:$0x1F800] =	vst v63  }
0x8e: {  	_ =	swait.ge [sflag:s19], $0x3200  }
0x8f: {  	[sflag:s19] =	ssyncset.done $0x0  }
0x90: {  	s31 =	simm.s32 $0x3480;
	[sflag:s19] =	ssyncadd.s32 $0xFFFFCE00  }
0x91: {  	[spmem:s3] =	stream.indirect.scatter.add.f32 [tilespmem:s22], [sflag:$0x3], $0x80, s31, s21, $0xb8;
	[tilespmem:$0x1F800] =	vst v63  }
0x92: {  	_ =	swait.ge [sflag:s23], $0x3200  }
0x93: {  	s30 =	simm.s32 $0x800;
	s29 =	simm.s32 $0x100;
	[sflag:s23] =	ssyncset.done $0x0  }
.LBB2_6:
0x94: {  	s0 =	sadd.s32 $0x1980, s29  }
0x95: {  	[sflag:s23] =	ssyncadd.s32 $0xFFFFCE00;
	s1 =	smov.u32 s30;
	s31 =	sadd.s32 $0x400, s30  }
0x96: {  	[tilespmem:s22], [sflag:$0x2] =	stream.indirect.gather [hbm4b:s2+s21], $0x80, s0, s21, $0xb8;
	[tilespmem:$0x1F800] =	vst v63  }
0x97: {  	p0 =	sne.s32 s30, $0x5C00;
	_ =	swait.ge [sflag:s20], $0x3200  }
0x98: {  	[sflag:s20] =	ssyncset.done $0x0  }
0x99: {  	s0 =	sadd.s32 $0x3400, s29;
	[sflag:s20] =	ssyncadd.s32 $0xFFFFCE00  }
0x9a: {  	[spmem:s3] =	stream.indirect.scatter.add.f32 [tilespmem:s18], [sflag:$0x3], $0x80, s0, s21, $0xb8;
	[tilespmem:$0x1F800] =	vst v63  }
0x9b: {  	_ =	swait.ge [sflag:s23], $0x3200  }
0x9c: {  	[sflag:s23] =	ssyncset.done $0x0  }
0x9d: {  	s0 =	sadd.s32 $0x1A00, s29;
	[sflag:s23] =	ssyncadd.s32 $0xFFFFCE00  }
0x9e: {  	[tilespmem:s18], [sflag:$0x1] =	stream.indirect.gather [hbm4b:s2+s21], $0x80, s0, s21, $0xb8;
	[tilespmem:$0x1F800] =	vst v63  }
0x9f: {  	_ =	swait.ge [sflag:s19], $0x3200  }
.Ltmp2:
0xa0: {  	[sflag:s19] =	ssyncset.done $0x0;
	(pc) =	sbr.rel @p0 .LBB2_6-.Ltmp2, $4  }
0xa1: {  	s0 =	sadd.s32 $0x3480, s29;
	[sflag:s19] =	ssyncadd.s32 $0xFFFFCE00  }
0xa2: {  	[spmem:s3] =	stream.indirect.scatter.add.f32 [tilespmem:s22], [sflag:$0x3], $0x80, s0, s21, $0xb8;
	[tilespmem:$0x1F800] =	vst v63  }
0xa3: {  	_ =	swait.ge [sflag:s23], $0x3200  }
0xa4: {  	s30 =	smov.u32 s31;
	s29 =	sshra.s32 s1, $0x2;
	[sflag:s23] =	ssyncset.done $0x0  }
0xa5: {  	s0 =	sadd.s32 $0x1980, s29;
	[sflag:s23] =	ssyncadd.s32 $0xFFFFCE00  }
0xa6: {  	[tilespmem:s22], [sflag:$0x2] =	stream.indirect.gather [hbm4b:s2+s21], $0x80, s0, s21, $0xb8;
	[tilespmem:$0x1F800] =	vst v63  }
0xa7: {  	_ =	swait.ge [sflag:s20], $0x3200  }
0xa8: {  	[sflag:s20] =	ssyncset.done $0x0  }
0xa9: {  	s31 =	sadd.s32 $0x3400, s29;
	[sflag:s20] =	ssyncadd.s32 $0xFFFFCE00  }
0xaa: {  	[spmem:s3] =	stream.indirect.scatter.add.f32 [tilespmem:s18], [sflag:$0x3], $0x80, s31, s21, $0xb8;
	[tilespmem:$0x1F800] =	vst v63  }
0xab: {  	_ =	swait.ge [sflag:s23], $0x3200  }
0xac: {  	[sflag:s23] =	ssyncset.done $0x0  }
0xad: {  	s1 =	sadd.s32 $0x1A00, s29;
	[sflag:s23] =	ssyncadd.s32 $0xFFFFCE00  }
0xae: {  	[tilespmem:s18], [sflag:$0x1] =	stream.indirect.gather [hbm4b:s2+s21], $0x80, s1, s21, $0xb8;
	[tilespmem:$0x1F800] =	vst v63  }
0xaf: {  	_ =	swait.ge [sflag:s19], $0x3200  }
0xb0: {  	[sflag:s19] =	ssyncset.done $0x0  }
0xb1: {  	s30 =	sadd.s32 $0x3480, s29;
	[sflag:s19] =	ssyncadd.s32 $0xFFFFCE00  }
0xb2: {  	[spmem:s3] =	stream.indirect.scatter.add.f32 [tilespmem:s22], [sflag:$0x3], $0x80, s30, s21, $0xb8;
	[tilespmem:$0x1F800] =	vst v63  }
0xb3: {  	_ =	swait.ge [sflag:s23], $0x3200  }
0xb4: {  	[sflag:s23] =	ssyncset.done $0x0  }
0xb5: {  	[sflag:s23] =	ssyncadd.s32 $0xFFFFCE00  }
0xb6: {  	[tilespmem:s22], [sflag:$0x2] =	stream.indirect.gather [hbm4b:s2+s21], $0x80, s24, s21, $0xb8;
	[tilespmem:$0x1F800] =	vst v63  }
0xb7: {  	_ =	swait.ge [sflag:s20], $0x3200  }
0xb8: {  	[sflag:s20] =	ssyncset.done $0x0  }
0xb9: {  	[sflag:s20] =	ssyncadd.s32 $0xFFFFCE00  }
0xba: {  	[spmem:s3] =	stream.indirect.scatter.add.f32 [tilespmem:s18], [sflag:$0x3], $0x80, s25, s21, $0xb8;
	[tilespmem:$0x1F800] =	vst v63  }
0xbb: {  	_ =	swait.ge [sflag:s23], $0x3200  }
0xbc: {  	[sflag:s23] =	ssyncset.done $0x0  }
0xbd: {  	[sflag:s23] =	ssyncadd.s32 $0xFFFFCE00  }
0xbe: {  	_ =	swait.ge [sflag:s19], $0x3200  }
0xbf: {  	[sflag:s19] =	ssyncset.done $0x0  }
0xc0: {  	[sflag:s19] =	ssyncadd.s32 $0xFFFFCE00  }
0xc1: {  	[spmem:s3] =	stream.indirect.scatter.add.f32 [tilespmem:s22], [sflag:$0x3], $0x80, s26, s21, $0xb8;
	[tilespmem:$0x1F800] =	vst v63  }
0xc2: {  	s31 =	stileid.u32;
	_ =	swait.ge [sflag:s23], $0x3200  }
0xc3: {  	s28 =	sadd.s32 $0x1, s28;
	s0 =	sshll.u32 s31, $0x6;
	[sflag:s23] =	ssyncset.done $0x0  }
0xc4: {  	p0 =	sne.s32 s28, s16;
	s0 =	sor.u32 $0x1C03, s0;
	[sflag:s23] =	ssyncadd.s32 $0xFFFFCE00  }
.Ltmp3:
0xc5: {  	s1 =	sshrl.u32 s6, $0x3;
	[bflag:$0x0] =	sbarrier.arrive $0xFFFF;
	(pc) =	sbr.rel @p0 .LBB2_1-.Ltmp3, $4  }
0xc6: {  	[hbm:s15], [sflag:s0] =	dma.local [spmem:s1], $0x2800  }
0xc7: {  	_ =	swait.ge [sflag:s23], $0x2800  }
0xc8: {  	[sflag:s23] =	ssyncset.done $0x0  }
0xc9: {  	[sflag:s23] =	ssyncadd.s32 $0xFFFFD800  }
0xca: {  	_ =	sfence.sel $0x180000  }
0xcb: {  	[bflag:$0x0] =	sbarrier.arrive $0xFFFF  }
0xcc: {  	_ =	strace $0x9000004A  }
0xcd: {  	s0 =	stileid.u32;
	[bflag:$0x2] =	sbarrier.arrive $0xFFFF  }
0xce: {  	p0 =	sne.s32 s0, $0x0;
	s0 =	rddreg [dreg:$0x3]  }
0xcf: {  	s0 =	sadd.s32 @!p0 $0x100000, s0  }
0xd0: {  	[sflag:s0] =	ssyncadd.tile.s32 @!p0 $0x1;
	_ =	shalt  }
.Lfunc_end2:
_tile_overlayer_lowered:
.L_overlay_start_2:
0xd1: {  	(tag) =	ssettag $0x2  }
0xd2: {  	s0 =	rddreg [dreg:$0x0];
	s2 =	stileid.u32  }
0xd3: {  	s1 =	rddreg [dreg:$0x1];
	p0 =	sne.s32 s2, $0x0  }
0xd4: {  	s3 =	rddreg [dreg:$0x2];
	[bflag:$0x3] =	sbarrier.arrive $0xFFFF;
	s2 =	simm.s32 @!p0 $0x1C03  }
0xd5: {  	[timem:s3], [sflag:s2] =	dma.local @!p0 [hbm:s0], s1  }
0xd6: {  	s0 =	simm.s32 @!p0 $0x3  }
0xd7: {  	_ =	swait.ge @!p0 [sflag:s0], s1  }
0xd8: {  	s1 =	ssub.s32 @!p0 $0x0, s1;
	[sflag:s0] =	ssyncset.done @!p0 $0x0  }
0xd9: {  	[sflag:s0] =	ssyncadd.s32 @!p0 s1  }
0xda: {  	[bflag:$0x3] =	sbarrier.arrive $0xFFFF  }
0xdb: {  	_ =	shalt  }

// kernel: _run.14.cloned.1.call-start
scs
__scs_entry_jumppad:
0x0: {  	(pc) =	sbr.rel $0x88, $3  }
0x1: {  	(tag) =	ssettag $0x0;
	lr =	simm.s32 $0x1  }
0x2: {  	[smem:$0x3F99] =	sst lr;
	_ =	strace $0xD0000000  }
0x3: {  	_ = 	snop  }
0x4: {  	_ = 	snop  }
0x5: {  	_ = 	snop  }
0x6: {  	_ = 	snop  }
0x7: {  	_ = 	snop  }
__scs_overlays_trampoline_lowered:
0x8: {  	[smem:$0x3FA8] =	sst s0  }
0x9: {  	[smem:$0x3FA9] =	sst s1  }
0xa: {  	[smem:$0x3FAA] =	sst s2  }
0xb: {  	[smem:$0x3FAB] =	sst s3  }
0xc: {  	[smem:$0x3FAC] =	sst s4  }
0xd: {  	[smem:$0x3FAD] =	sst s5  }
0xe: {  	[smem:$0x3FAE] =	sst s6  }
0xf: {  	[smem:$0x3FAF] =	sst s7  }
0x10: {  	[smem:$0x3FB0] =	sst s8  }
0x11: {  	[smem:$0x3FB1] =	sst s9;
	s0 =	simm.s32 @!p0 $0x0  }
0x12: {  	s1 =	sld [smem:$0x3F97];
	s0 =	simm.s32 @p0 $0x1  }
0x13: {  	[smem:$0x3FB2] =	sst s0;
	s0 =	simm.s32 @!p1 $0x0  }
0x14: {  	s2 =	sld [smem:$0x3F96];
	s0 =	simm.s32 @p1 $0x1  }
0x15: {  	[smem:$0x3FB3] =	sst s0;
	s0 =	simm.s32 @!p2 $0x0  }
0x16: {  	s3 =	sld [smem:$0x3FDB];
	s0 =	simm.s32 @p2 $0x1  }
0x17: {  	s4 =	simm.s32 $0x1BF5;
	[smem:$0x3FB5] =	sst s0  }
0x18: {  	s0 =	sld [smem:$0x3F98];
	_ =	swait.ge [sflag:s4], $0x0  }
0x19: {  	s7 =	sld [smem:$0x3F99]  }
0x1a: {  	s8 =	sadd.s32 $0xFFFFE003, lr  }
0x1b: {  	s9 =	sadd.s32 $0xFFFFFEF7, lr;
	s5 =	simm.s32 $0xFFFFFFFF;
	p2 =	slt.u32 s8, $0xFFFFF086  }
0x1c: {  	p1 =	slt.u32 s9, $0xF7A;
	s5 =	simm.s32 @!p2 $0x0  }
0x1d: {  	s5 =	simm.s32 @p1 $0x1;
	p0 =	seq.s32 s7, s2  }
0x1e: {  	s7 =	smul.u32 @!p0 $0xF7A, s2;
	p2 =	seq.s32 @!p0 s5, $0x0  }
0x1f: {  	s9 =	smul.u32 $0xF7A, s1;
	s8 =	simm.s32 @!p0 $0x1BF5;
	p2 =	por !p2, p0  }
0x20: {  	[sflag:s8] =	ssyncset.s32 @!p0 $0xFFFFF086;
	s6 =	sadd.s32 @!p0 s3, s7;
	s7 =	simm.s32 @!p0 $0x108  }
0x21: {  	s3 =	sadd.s32 s3, s9;
	s6 =	sadd.s32 @!p0 $0x88, s6;
	s7 =	simm.s32 @p2 $0x1082  }
0x22: {  	[simem:s7], [sflag:s8] =	dma.local @!p0 [hbm:s6], $0xF7A  }
0x23: {  	s9 =	sor.u32 $0xD0000000, s2;
	s6 =	simm.s32 $0x108;
	_ =	swait.ge @!p0 [sflag:s8], $0x0  }
0x24: {  	s3 =	sadd.s32 $0x88, s3;
	s6 =	simm.s32 @!p1 $0x1082;
	[sflag:s4] =	ssyncset.s32 $0xFFFFF086  }
0x25: {  	[simem:s6], [sflag:s4] =	dma.local [hbm:s3], $0xF7A  }
0x26: {  	[smem:$0x3F99] =	sst s1;
	(tag) =	ssettag s2;
	_ =	strace s9  }
0x27: {  	s1 =	sld [smem:$0x3FA9]  }
0x28: {  	s2 =	sld [smem:$0x3FAA]  }
0x29: {  	s4 =	sld [smem:$0x3FAC]  }
0x2a: {  	p0 =	seq.s32 s5, $0x0;
	s5 =	sld [smem:$0x3FAD]  }
0x2b: {  	s6 =	sld [smem:$0x3FAE]  }
0x2c: {  	s7 =	sld [smem:$0x3FAF]  }
0x2d: {  	s3 =	simm.s32 $0x108;
	s8 =	sld [smem:$0x3FB0]  }
0x2e: {  	s3 =	simm.s32 @!p0 $0x1082;
	s9 =	sld [smem:$0x3FB1]  }
0x2f: {  	lr =	sadd.s32 s0, s3;
	s0 =	sld [smem:$0x3FA8]  }
0x30: {  	s3 =	sld [smem:$0x3FAB]  }
0x31: {  	[smem:$0x3FB4] =	sst s10  }
0x32: {  	s10 =	sld [smem:$0x3FB2];
	_ =	sdelay $0x3  }
0x33: {  	p0 =	seq.s32 s10, $0x1;
	s10 =	sld [smem:$0x3FB4];
	_ =	sdelay $0x3  }
0x34: {  	[smem:$0x3FB4] =	sst s10  }
0x35: {  	s10 =	sld [smem:$0x3FB3];
	_ =	sdelay $0x3  }
0x36: {  	p1 =	seq.s32 s10, $0x1;
	s10 =	sld [smem:$0x3FB4];
	_ =	sdelay $0x3  }
0x37: {  	[smem:$0x3FB4] =	sst s10  }
0x38: {  	s10 =	sld [smem:$0x3FB5]  }
0x39: {  	_ = 	snop;
	(pc) =	sbr.ind lr, $3  }
0x3a: {  	_ = 	snop  }
0x3b: {  	_ = 	snop  }
0x3c: {  	p2 =	seq.s32 s10, $0x1;
	s10 =	sld [smem:$0x3FB4]  }
0x3d: {  	_ =	shalt  }
0x3e: {  	_ =	shalt  }
0x3f: {  	_ =	shalt  }
0x40: {  	_ =	shalt  }
0x41: {  	_ =	shalt  }
0x42: {  	_ =	shalt  }
0x43: {  	_ =	shalt  }
0x44: {  	_ =	shalt  }
0x45: {  	_ =	shalt  }
0x46: {  	_ =	shalt  }
0x47: {  	_ =	shalt  }
0x48: {  	_ =	shalt  }
0x49: {  	_ =	shalt  }
0x4a: {  	_ =	shalt  }
0x4b: {  	_ =	shalt  }
0x4c: {  	_ =	shalt  }
0x4d: {  	_ =	shalt  }
0x4e: {  	_ =	shalt  }
0x4f: {  	_ =	shalt  }
0x50: {  	_ =	shalt  }
0x51: {  	_ =	shalt  }
0x52: {  	_ =	shalt  }
0x53: {  	_ =	shalt  }
0x54: {  	_ =	shalt  }
0x55: {  	_ =	shalt  }
0x56: {  	_ =	shalt  }
0x57: {  	_ =	shalt  }
0x58: {  	_ =	shalt  }
0x59: {  	_ =	shalt  }
0x5a: {  	_ =	shalt  }
0x5b: {  	_ =	shalt  }
0x5c: {  	_ =	shalt  }
0x5d: {  	_ =	shalt  }
0x5e: {  	_ =	shalt  }
0x5f: {  	_ =	shalt  }
0x60: {  	_ =	shalt  }
0x61: {  	_ =	shalt  }
0x62: {  	_ =	shalt  }
0x63: {  	_ =	shalt  }
0x64: {  	_ =	shalt  }
0x65: {  	_ =	shalt  }
0x66: {  	_ =	shalt  }
0x67: {  	_ =	shalt  }
0x68: {  	_ =	shalt  }
0x69: {  	_ =	shalt  }
0x6a: {  	_ =	shalt  }
0x6b: {  	_ =	shalt  }
0x6c: {  	_ =	shalt  }
0x6d: {  	_ =	shalt  }
0x6e: {  	_ =	shalt  }
0x6f: {  	_ =	shalt  }
0x70: {  	_ =	shalt  }
0x71: {  	_ =	shalt  }
0x72: {  	_ =	shalt  }
0x73: {  	_ =	shalt  }
0x74: {  	_ =	shalt  }
0x75: {  	_ =	shalt  }
0x76: {  	_ =	shalt  }
0x77: {  	_ =	shalt  }
0x78: {  	_ =	shalt  }
0x79: {  	_ =	shalt  }
0x7a: {  	_ =	shalt  }
0x7b: {  	_ =	shalt  }
0x7c: {  	_ =	shalt  }
0x7d: {  	_ =	shalt  }
0x7e: {  	_ =	shalt  }
0x7f: {  	_ =	shalt  }
0x80: {  	_ =	shalt  }
0x81: {  	_ =	shalt  }
0x82: {  	_ =	shalt  }
0x83: {  	_ =	shalt  }
0x84: {  	_ =	shalt  }
0x85: {  	_ =	shalt  }
0x86: {  	_ =	shalt  }
0x87: {  	_ =	shalt  }
.Lfunc_end0:
.L_simem_size_0:
called_computation.2_lowered:
.L_overlay_start_0:
0x88: {  	s2 =	sld [smem:$0x3FD9]  }
0x89: {  	s3 =	sld [smem:$0x3FFE];
	_ =	sdelay $0x1  }
0x8a: {  	s1 =	srdreg.scid  }
0x8b: {  	s0 =	sand.u32 $0x1, s1  }
0x8c: {  	s17 =	sshll.u32 s0, $0xA;
	s2 =	sadd.s32 s3, s2  }
0x8d: {  	s2 =	sadd.s32 s2, s17  }
0x8e: {  	[smem:$0x3FC0] =	sst s2  }
0x8f: {  	_ = 	snop  }
0x90: {  	s2 =	sld [smem:$0x3FD0];
	(tm) =	ssettm $0x1  }
0x91: {  	s18 =	sld [smem:$0x3FFB];
	_ =	sdelay $0x3  }
0x92: {  	_ =	strace s18  }
0x93: {  	s3 =	sld [smem:$0x3FFC];
	_ =	sdelay $0x3  }
0x94: {  	_ =	strace s3  }
0x95: {  	s3 =	sld [smem:$0x3FFD];
	_ =	sdelay $0x3  }
0x96: {  	_ =	strace s3  }
0x97: {  	_ =	strace $0x8FFFFFFF  }
0x98: {  	s19 =	sld [smem:$0x3FDB];
	_ =	sdelay $0x1  }
0x99: {  	s4 =	simm.s32 $_scs_section_size  }
0x9a: {  	s5 =	simm.s32 $_size__tile_overlayer_lowered;
	s6 =	simm.s32 $_tile_overlayer_lowered  }
0x9b: {  	s22 =	simm.s32 $0x1BFF;
	s21 =	sshll.u32 s6, $0x1;
	s3 =	sadd.s32 s4, s19  }
0x9c: {  	s7 =	simm.s32 $0x0;
	s20 =	sshll.u32 s5, $0x1;
	s5 =	sadd.s32 s21, s3  }
0x9d: {  	[timem:s7], [sflag:s22] =	dma.local [hbm:s5], s20  }
0x9e: {  	_ =	swait.ge [sflag:s22], s20  }
0x9f: {  	s4 =	ssub.s32 $0x0, s20;
	[sflag:s22] =	ssyncset.done $0x0  }
0xa0: {  	[sflag:s22] =	ssyncadd.s32 s4;
	_ =	sdelay $0x1  }
0xa1: {  	s23 =	simm.s32 $0x1B8B  }
0xa2: {  	_ =	swait.ge [sflag:s23], $0x1  }
0xa3: {  	[sflag:s23] =	ssyncset.done $0x0  }
0xa4: {  	s25 =	simm.s32 $0x1B8E;
	s24 =	sld [smem:$0x3FFE];
	[sflag:s23] =	ssyncadd.s32 $0xFFFFFFFF  }
0xa5: {  	s26 =	simm.s32 $execute0_lowered;
	[smem:$0x3FD2] =	sst s25  }
0xa6: {  	s5 =	sshll.u32 s26, $0x1;
	_ =	strace $0x8000004C;
	[dreg:$0x1] =	wrdreg $0xFFFFFFFF  }
0xa7: {  	s28 =	simm.s32 $_size_execute0_lowered;
	s3 =	sadd.s32 s3, s5;
	[dreg:$0x0] =	wrdreg $0x0  }
0xa8: {  	s5 =	sshll.u32 s28, $0x1;
	[dreg:$0x2] =	wrdreg s3  }
0xa9: {  	[dreg:$0x3] =	wrdreg s5  }
0xaa: {  	[dreg:$0x4] =	wrdreg $0xC0  }
0xab: {  	_ =	task [dreg:s7], $0x5FFFF  }
0xac: {  	[dreg:$0x1] =	wrdreg $0xFFFFFFFF  }
0xad: {  	[dreg:$0x0] =	wrdreg $0x60  }
0xae: {  	[dreg:$0x2] =	wrdreg s2  }
0xaf: {  	[dreg:$0x3] =	wrdreg s24  }
0xb0: {  	[dreg:$0x4] =	wrdreg $0xB8000  }
0xb1: {  	[dreg:$0x5] =	wrdreg $0x9  }
0xb2: {  	_ =	task.clear_ibuf [dreg:s7], $0x6FFFF;
	_ =	strace $0x9000004C  }
0xb3: {  	s29 =	simm.s32 $0x9;
	_ =	strace $0x8000004E  }
0xb4: {  	_ =	swait.ge [sflag:s29], $0x1  }
0xb5: {  	[sflag:s29] =	ssyncadd.s32 $0xFFFFFFFF  }
0xb6: {  	_ =	strace $0x9000004E  }
0xb7: {  	_ =	sfence  }
0xb8: {  	s30 =	sld [smem:$0x0];
	_ =	sdelay $0x2  }
0xb9: {  	s31 =	sshll.u32 s1, $0xD;
	s1 =	sshrl.u32 s1, $0x2  }
0xba: {  	s3 =	sand.u32 $0x4000, s31;
	s1 =	sadd.s32 s1, s30  }
0xbb: {  	s0 =	sor.u32 s3, s0;
	s1 =	sshll.u32 s1, $0x11  }
0xbc: {  	s0 =	sor.u32 s1, s0  }
0xbd: {  	s0 =	sadd.s32 $0x8F2B, s0  }
0xbe: {  	[sflag:s0] =	ssyncadd.remote.s32 $0x1  }
0xbf: {  	_ =	sfence.sel $0xFFFF  }
0xc0: {  	[dreg:$0x0] =	wrdreg $0xFFFFFFFF;
	(pc) =	sbr.abs _section_cstart, $3  }
0xc1: {  	[dreg:$0x1] =	wrdreg $0xFFFFFFFF  }
0xc2: {  	_ =	task.clear_ibuf [dreg:s7], $0x2FFFF;
	_ =	strace $0x9FFFFFFF  }
0xc3: {  	(tm) =	ssettm $0x7FFFFFFF  }
tec
execute0_lowered:
.L_overlay_start_1:
0x0: {  	(tag) =	ssettag $0x1  }
0x1: {  	s0 =	srdreg.scid;
	s2 =	rddreg [dreg:$0x0]  }
0x2: {  	s25 =	stileid.u32;
	s6 =	rddreg [dreg:$0x1]  }
0x3: {  	s3 =	rddreg [dreg:$0x2];
	s4 =	simm.s32 $0x0;
	s17 =	simm.s32 $0x3400  }
0x4: {  	s18 =	simm.s32 $0x5000;
	s19 =	simm.s32 $0x2;
	s20 =	simm.s32 $0x1  }
0x5: {  	s21 =	simm.s32 $0x64;
	s22 =	simm.s32 $0x8400;
	s23 =	simm.s32 $0x3  }
0x6: {  	s24 =	simm.s32 $0x3180;
	s28 =	simm.s32 $0x0;
	s10 =	smul.u32 $0x14000, s25  }
0x7: {  	s5 =	sand.u32 $0x1, s0;
	[smem:$0x7FF] =	sst s4;
	s26 =	smul.u32 $0x50000, s25  }
0x8: {  	s1 =	sshll.u32 s5, $0x4;
	s9 =	smul.u32 $0x140000, s5;
	s5 =	ssub.s32 $0x2, s5  }
0x9: {  	_ =	strace $0x8000004D;
	s1 =	sor.u32 s25, s1;
	s30 =	sshrl.u32 s5, $0x1  }
0xa: {  	s31 =	sshrl.u32 s26, $0x2;
	s25 =	simm.s32 $0x4C00;
	s7 =	smul.u32 $0x680, s1  }
0xb: {  	s8 =	smul.u32 $0x3800, s1;
	s9 =	sadd.s32 s10, s9;
	s16 =	ssub.s32 s5, s30  }
0xc: {  	s26 =	simm.s32 $0x4C80;
	s29 =	sshrl.u32 s9, $0x3;
	s16 =	smax.u32 s16, $0x1  }
0xd: {  	s7 =	sadd.s32 s7, s6;
	s8 =	sshrl.u32 s8, $0x3;
	s15 =	sadd.s32 s29, s6  }
0xe: {  	s14 =	sadd.s32 s8, s6;
	s5 =	sadd.s32 $0x10A00, s7;
	s6 =	sadd.s32 s31, s3  }
0xf: {  	s15 =	sadd.s32 $0x1DA00, s15;
	s7 =	sadd.s32 $0x2A00, s14;
	s8 =	sadd.s32 $0x3200, s6  }
0x10: {  	s9 =	sadd.s32 $0x6400, s6;
	s10 =	sadd.s32 $0x9600, s6;
	s11 =	sadd.s32 $0xC800, s6  }
0x11: {  	v0 =	vimm.f32 $0.0e+00;
	s12 =	sadd.s32 $0xFA00, s6;
	s13 =	sadd.s32 $0x12C00, s6;
	s14 =	sadd.s32 $0x2D80, s14  }
.LBB2_1:
0x12: {  	[tilespmem:s4], [sflag:$0x2] =	stream.linear.gather [hbm4b:s5+s4], $0x3200, $0x38;
	[tilespmem:$0x1F800] =	vst v63  }
0x13: {  	s29 =	simm.s32 $0x0;
	s30 =	simm.s32 $0x200  }
0x14: {  	[tilespmem:s17], [sflag:$0x2] =	stream.linear.gather [hbm4b:s7+s4], $0x1900, $0x38;
	[tilespmem:$0x1F800] =	vst v63  }
.LBB2_2:
0x15: {  	p0 =	sne.s32 s30, $0xC600;
	[tilespmem:s29+$0x5070] =	vst v0  }
0x16: {  	[tilespmem:s29+$0x5000] =	vst v0  }
0x17: {  	[tilespmem:s29+$0x5010] =	vst v0  }
.Ltmp0:
0x18: {  	[tilespmem:s29+$0x5020] =	vst v0;
	(pc) =	sbr.rel @p0 .LBB2_2-.Ltmp0, $4  }
0x19: {  	[tilespmem:s29+$0x5030] =	vst v0  }
0x1a: {  	[tilespmem:s29+$0x5040] =	vst v0  }
0x1b: {  	[tilespmem:s29+$0x5050] =	vst v0  }
0x1c: {  	[tilespmem:s29+$0x5060] =	vst v0;
	s29 =	sshra.s32 s30, $0x2;
	s30 =	sadd.s32 $0x200, s30  }
0x1d: {  	[tilespmem:s29+$0x5070] =	vst v0  }
0x1e: {  	[tilespmem:s29+$0x5000] =	vst v0  }
0x1f: {  	[tilespmem:s29+$0x5010] =	vst v0  }
0x20: {  	[tilespmem:s29+$0x5020] =	vst v0  }
0x21: {  	[tilespmem:s29+$0x5030] =	vst v0  }
0x22: {  	[tilespmem:s29+$0x5040] =	vst v0  }
0x23: {  	[tilespmem:s29+$0x5050] =	vst v0  }
0x24: {  	[tilespmem:s29+$0x5060] =	vst v0  }
0x25: {  	[spmem:s6] =	stream.linear.scatter [tilespmem:s18], [sflag:$0x1], $0x3200, $0x38;
	[tilespmem:$0x1F800] =	vst v63  }
0x26: {  	_ = 	snop  }
0x27: {  	[spmem:s8] =	stream.linear.scatter [tilespmem:s18], [sflag:$0x1], $0x3200, $0x38;
	[tilespmem:$0x1F800] =	vst v63  }
0x28: {  	_ = 	snop  }
0x29: {  	[spmem:s9] =	stream.linear.scatter [tilespmem:s18], [sflag:$0x1], $0x3200, $0x38;
	[tilespmem:$0x1F800] =	vst v63  }
0x2a: {  	_ = 	snop  }
0x2b: {  	[spmem:s10] =	stream.linear.scatter [tilespmem:s18], [sflag:$0x1], $0x3200, $0x38;
	[tilespmem:$0x1F800] =	vst v63  }
0x2c: {  	_ = 	snop  }
0x2d: {  	[spmem:s11] =	stream.linear.scatter [tilespmem:s18], [sflag:$0x1], $0x3200, $0x38;
	[tilespmem:$0x1F800] =	vst v63  }
0x2e: {  	_ = 	snop  }
0x2f: {  	[spmem:s12] =	stream.linear.scatter [tilespmem:s18], [sflag:$0x1], $0x3200, $0x38;
	[tilespmem:$0x1F800] =	vst v63  }
0x30: {  	_ = 	snop  }
0x31: {  	[spmem:s13] =	stream.linear.scatter [tilespmem:s18], [sflag:$0x1], $0x1400, $0x38;
	[tilespmem:$0x1F800] =	vst v63  }
0x32: {  	_ =	swait.ge [sflag:s19], $0x3200  }
0x33: {  	[sflag:s19] =	ssyncset.done $0x0  }
0x34: {  	[sflag:s19] =	ssyncadd.s32 $0xFFFFCE00  }
0x35: {  	_ =	swait.ge [sflag:s19], $0x1900  }
0x36: {  	[sflag:s19] =	ssyncset.done $0x0  }
0x37: {  	[sflag:s19] =	ssyncadd.s32 $0xFFFFE700  }
0x38: {  	_ =	swait.ge [sflag:s20], $0x3200  }
0x39: {  	[sflag:s20] =	ssyncset.done $0x0  }
0x3a: {  	[sflag:s20] =	ssyncadd.s32 $0xFFFFCE00  }
0x3b: {  	_ =	swait.ge [sflag:s20], $0x3200  }
0x3c: {  	[sflag:s20] =	ssyncset.done $0x0  }
0x3d: {  	[sflag:s20] =	ssyncadd.s32 $0xFFFFCE00  }
0x3e: {  	_ =	swait.ge [sflag:s20], $0x3200  }
0x3f: {  	[sflag:s20] =	ssyncset.done $0x0  }
0x40: {  	[sflag:s20] =	ssyncadd.s32 $0xFFFFCE00  }
0x41: {  	_ =	swait.ge [sflag:s20], $0x3200  }
0x42: {  	[sflag:s20] =	ssyncset.done $0x0  }
0x43: {  	[sflag:s20] =	ssyncadd.s32 $0xFFFFCE00  }
0x44: {  	_ =	swait.ge [sflag:s20], $0x3200  }
0x45: {  	[sflag:s20] =	ssyncset.done $0x0  }
0x46: {  	[sflag:s20] =	ssyncadd.s32 $0xFFFFCE00  }
0x47: {  	_ =	swait.ge [sflag:s20], $0x3200  }
0x48: {  	[sflag:s20] =	ssyncset.done $0x0  }
0x49: {  	[sflag:s20] =	ssyncadd.s32 $0xFFFFCE00  }
0x4a: {  	_ =	swait.ge [sflag:s20], $0x1400  }
0x4b: {  	[sflag:s20] =	ssyncset.done $0x0  }
0x4c: {  	[sflag:s20] =	ssyncadd.s32 $0xFFFFEC00  }
0x4d: {  	s29 =	simm.s32 $0x0;
	[bflag:$0x0] =	sbarrier.arrive $0xFFFF  }
0x4e: {  	[tilespmem:s18], [sflag:$0x1] =	stream.indirect.gather [hbm4b:s2+s21], $0x80, s29, s21, $0xb8;
	[tilespmem:$0x1F800] =	vst v63  }
0x4f: {  	s29 =	simm.s32 $0x80  }
0x50: {  	[tilespmem:s22], [sflag:$0x2] =	stream.indirect.gather [hbm4b:s2+s21], $0x80, s29, s21, $0xb8;
	[tilespmem:$0x1F800] =	vst v63  }
0x51: {  	_ =	swait.ge [sflag:s20], $0x3200  }
0x52: {  	[sflag:s20] =	ssyncset.done $0x0  }
0x53: {  	s29 =	simm.s32 $0x3400;
	[sflag:s20] =	ssyncadd.s32 $0xFFFFCE00  }
0x54: {  	[spmem:s3] =	stream.indirect.scatter.add.f32 [tilespmem:s18], [sflag:$0x3], $0x80, s29, s21, $0xb8;
	[tilespmem:$0x1F800] =	vst v63  }
0x55: {  	_ =	swait.ge [sflag:s23], $0x3200  }
0x56: {  	[sflag:s23] =	ssyncset.done $0x0  }
0x57: {  	s29 =	simm.s32 $0x100;
	[sflag:s23] =	ssyncadd.s32 $0xFFFFCE00  }
0x58: {  	[tilespmem:s18], [sflag:$0x1] =	stream.indirect.gather [hbm4b:s2+s21], $0x80, s29, s21, $0xb8;
	[tilespmem:$0x1F800] =	vst v63  }
0x59: {  	_ =	swait.ge [sflag:s19], $0x3200  }
0x5a: {  	[sflag:s19] =	ssyncset.done $0x0  }
0x5b: {  	s29 =	simm.s32 $0x3480;
	[sflag:s19] =	ssyncadd.s32 $0xFFFFCE00  }
0x5c: {  	[spmem:s3] =	stream.indirect.scatter.add.f32 [tilespmem:s22], [sflag:$0x3], $0x80, s29, s21, $0xb8;
	[tilespmem:$0x1F800] =	vst v63  }
0x5d: {  	_ =	swait.ge [sflag:s23], $0x3200  }
0x5e: {  	s30 =	simm.s32 $0x800;
	s29 =	simm.s32 $0x100;
	[sflag:s23] =	ssyncset.done $0x0  }
.LBB2_4:
0x5f: {  	s31 =	sadd.s32 $0x80, s29  }
0x60: {  	[sflag:s23] =	ssyncadd.s32 $0xFFFFCE00;
	s1 =	smov.u32 s30;
	s0 =	sadd.s32 $0x400, s30  }
0x61: {  	[tilespmem:s22], [sflag:$0x2] =	stream.indirect.gather [hbm4b:s2+s21], $0x80, s31, s21, $0xb8;
	[tilespmem:$0x1F800] =	vst v63  }
0x62: {  	p0 =	sne.s32 s30, $0x6000;
	_ =	swait.ge [sflag:s20], $0x3200  }
0x63: {  	[sflag:s20] =	ssyncset.done $0x0  }
0x64: {  	s30 =	sadd.s32 $0x3400, s29;
	[sflag:s20] =	ssyncadd.s32 $0xFFFFCE00  }
0x65: {  	[spmem:s3] =	stream.indirect.scatter.add.f32 [tilespmem:s18], [sflag:$0x3], $0x80, s30, s21, $0xb8;
	[tilespmem:$0x1F800] =	vst v63  }
0x66: {  	_ =	swait.ge [sflag:s23], $0x3200  }
0x67: {  	[sflag:s23] =	ssyncset.done $0x0  }
0x68: {  	s30 =	sadd.s32 $0x100, s29;
	[sflag:s23] =	ssyncadd.s32 $0xFFFFCE00  }
0x69: {  	[tilespmem:s18], [sflag:$0x1] =	stream.indirect.gather [hbm4b:s2+s21], $0x80, s30, s21, $0xb8;
	[tilespmem:$0x1F800] =	vst v63  }
0x6a: {  	_ =	swait.ge [sflag:s19], $0x3200  }
.Ltmp1:
0x6b: {  	[sflag:s19] =	ssyncset.done $0x0;
	(pc) =	sbr.rel @p0 .LBB2_4-.Ltmp1, $4  }
0x6c: {  	s29 =	sadd.s32 $0x3480, s29;
	[sflag:s19] =	ssyncadd.s32 $0xFFFFCE00  }
0x6d: {  	[spmem:s3] =	stream.indirect.scatter.add.f32 [tilespmem:s22], [sflag:$0x3], $0x80, s29, s21, $0xb8;
	[tilespmem:$0x1F800] =	vst v63  }
0x6e: {  	_ =	swait.ge [sflag:s23], $0x3200  }
0x6f: {  	s30 =	smov.u32 s0;
	s29 =	sshra.s32 s1, $0x2;
	[sflag:s23] =	ssyncset.done $0x0  }
0x70: {  	s0 =	sadd.s32 $0x80, s29;
	[sflag:s23] =	ssyncadd.s32 $0xFFFFCE00  }
0x71: {  	[tilespmem:s22], [sflag:$0x2] =	stream.indirect.gather [hbm4b:s2+s21], $0x80, s0, s21, $0xb8;
	[tilespmem:$0x1F800] =	vst v63  }
0x72: {  	_ =	swait.ge [sflag:s20], $0x3200  }
0x73: {  	[sflag:s20] =	ssyncset.done $0x0  }
0x74: {  	s1 =	sadd.s32 $0x3400, s29;
	[sflag:s20] =	ssyncadd.s32 $0xFFFFCE00  }
0x75: {  	[spmem:s3] =	stream.indirect.scatter.add.f32 [tilespmem:s18], [sflag:$0x3], $0x80, s1, s21, $0xb8;
	[tilespmem:$0x1F800] =	vst v63  }
0x76: {  	_ =	swait.ge [sflag:s23], $0x3200  }
0x77: {  	[sflag:s23] =	ssyncset.done $0x0  }
0x78: {  	s31 =	sadd.s32 $0x100, s29;
	[sflag:s23] =	ssyncadd.s32 $0xFFFFCE00  }
0x79: {  	[tilespmem:s18], [sflag:$0x1] =	stream.indirect.gather [hbm4b:s2+s21], $0x80, s31, s21, $0xb8;
	[tilespmem:$0x1F800] =	vst v63  }
0x7a: {  	_ =	swait.ge [sflag:s19], $0x3200  }
0x7b: {  	[sflag:s19] =	ssyncset.done $0x0  }
0x7c: {  	s1 =	sadd.s32 $0x3480, s29;
	[sflag:s19] =	ssyncadd.s32 $0xFFFFCE00  }
0x7d: {  	[spmem:s3] =	stream.indirect.scatter.add.f32 [tilespmem:s22], [sflag:$0x3], $0x80, s1, s21, $0xb8;
	[tilespmem:$0x1F800] =	vst v63  }
0x7e: {  	_ =	swait.ge [sflag:s23], $0x3200  }
0x7f: {  	[sflag:s23] =	ssyncset.done $0x0  }
0x80: {  	s31 =	simm.s32 $0x0;
	[sflag:s23] =	ssyncadd.s32 $0xFFFFCE00  }
0x81: {  	[tilespmem:s17], [sflag:$0x3] =	stream.linear.gather [hbm4b:s14+s31], $0x1900, $0x38;
	[tilespmem:$0x1F800] =	vst v63  }
0x82: {  	_ =	swait.ge [sflag:s23], $0x1900  }
0x83: {  	[sflag:s23] =	ssyncset.done $0x0  }
0x84: {  	s1 =	simm.s32 $0x1980;
	[sflag:s23] =	ssyncadd.s32 $0xFFFFE700  }
0x85: {  	[tilespmem:s22], [sflag:$0x2] =	stream.indirect.gather [hbm4b:s2+s21], $0x80, s1, s21, $0xb8;
	[tilespmem:$0x1F800] =	vst v63  }
0x86: {  	_ =	swait.ge [sflag:s20], $0x3200  }
0x87: {  	[sflag:s20] =	ssyncset.done $0x0  }
0x88: {  	s31 =	simm.s32 $0x3400;
	[sflag:s20] =	ssyncadd.s32 $0xFFFFCE00  }
0x89: {  	[spmem:s3] =	stream.indirect.scatter.add.f32 [tilespmem:s18], [sflag:$0x3], $0x80, s31, s21, $0xb8;
	[tilespmem:$0x1F800] =	vst v63  }
0x8a: {  	_ =	swait.ge [sflag:s23], $0x3200  }
0x8b: {  	[sflag:s23] =	ssyncset.done $0x0  }
0x8c: {  	s1 =	simm.s32 $0x1A00;
	[sflag:s23] =	ssyncadd.s32 $0xFFFFCE00  }
0x8d: {  	[tilespmem:s18], [sflag:$0x1] =	stream.indirect.gather [hbm4b:s2+s21], $0x80, s1, s21, $0xb8;
	[tilespmem:$0x1F800] =	vst v63  }
0x8e: {  	_ =	swait.ge [sflag:s19], $0x3200  }
0x8f: {  	[sflag:s19] =	ssyncset.done $0x0  }
0x90: {  	s31 =	simm.s32 $0x3480;
	[sflag:s19] =	ssyncadd.s32 $0xFFFFCE00  }
0x91: {  	[spmem:s3] =	stream.indirect.scatter.add.f32 [tilespmem:s22], [sflag:$0x3], $0x80, s31, s21, $0xb8;
	[tilespmem:$0x1F800] =	vst v63  }
0x92: {  	_ =	swait.ge [sflag:s23], $0x3200  }
0x93: {  	s30 =	simm.s32 $0x800;
	s29 =	simm.s32 $0x100;
	[sflag:s23] =	ssyncset.done $0x0  }
.LBB2_6:
0x94: {  	s0 =	sadd.s32 $0x1980, s29  }
0x95: {  	[sflag:s23] =	ssyncadd.s32 $0xFFFFCE00;
	s1 =	smov.u32 s30;
	s31 =	sadd.s32 $0x400, s30  }
0x96: {  	[tilespmem:s22], [sflag:$0x2] =	stream.indirect.gather [hbm4b:s2+s21], $0x80, s0, s21, $0xb8;
	[tilespmem:$0x1F800] =	vst v63  }
0x97: {  	p0 =	sne.s32 s30, $0x5C00;
	_ =	swait.ge [sflag:s20], $0x3200  }
0x98: {  	[sflag:s20] =	ssyncset.done $0x0  }
0x99: {  	s0 =	sadd.s32 $0x3400, s29;
	[sflag:s20] =	ssyncadd.s32 $0xFFFFCE00  }
0x9a: {  	[spmem:s3] =	stream.indirect.scatter.add.f32 [tilespmem:s18], [sflag:$0x3], $0x80, s0, s21, $0xb8;
	[tilespmem:$0x1F800] =	vst v63  }
0x9b: {  	_ =	swait.ge [sflag:s23], $0x3200  }
0x9c: {  	[sflag:s23] =	ssyncset.done $0x0  }
0x9d: {  	s0 =	sadd.s32 $0x1A00, s29;
	[sflag:s23] =	ssyncadd.s32 $0xFFFFCE00  }
0x9e: {  	[tilespmem:s18], [sflag:$0x1] =	stream.indirect.gather [hbm4b:s2+s21], $0x80, s0, s21, $0xb8;
	[tilespmem:$0x1F800] =	vst v63  }
0x9f: {  	_ =	swait.ge [sflag:s19], $0x3200  }
.Ltmp2:
0xa0: {  	[sflag:s19] =	ssyncset.done $0x0;
	(pc) =	sbr.rel @p0 .LBB2_6-.Ltmp2, $4  }
0xa1: {  	s0 =	sadd.s32 $0x3480, s29;
	[sflag:s19] =	ssyncadd.s32 $0xFFFFCE00  }
0xa2: {  	[spmem:s3] =	stream.indirect.scatter.add.f32 [tilespmem:s22], [sflag:$0x3], $0x80, s0, s21, $0xb8;
	[tilespmem:$0x1F800] =	vst v63  }
0xa3: {  	_ =	swait.ge [sflag:s23], $0x3200  }
0xa4: {  	s30 =	smov.u32 s31;
	s29 =	sshra.s32 s1, $0x2;
	[sflag:s23] =	ssyncset.done $0x0  }
0xa5: {  	s0 =	sadd.s32 $0x1980, s29;
	[sflag:s23] =	ssyncadd.s32 $0xFFFFCE00  }
0xa6: {  	[tilespmem:s22], [sflag:$0x2] =	stream.indirect.gather [hbm4b:s2+s21], $0x80, s0, s21, $0xb8;
	[tilespmem:$0x1F800] =	vst v63  }
0xa7: {  	_ =	swait.ge [sflag:s20], $0x3200  }
0xa8: {  	[sflag:s20] =	ssyncset.done $0x0  }
0xa9: {  	s31 =	sadd.s32 $0x3400, s29;
	[sflag:s20] =	ssyncadd.s32 $0xFFFFCE00  }
0xaa: {  	[spmem:s3] =	stream.indirect.scatter.add.f32 [tilespmem:s18], [sflag:$0x3], $0x80, s31, s21, $0xb8;
	[tilespmem:$0x1F800] =	vst v63  }
0xab: {  	_ =	swait.ge [sflag:s23], $0x3200  }
0xac: {  	[sflag:s23] =	ssyncset.done $0x0  }
0xad: {  	s1 =	sadd.s32 $0x1A00, s29;
	[sflag:s23] =	ssyncadd.s32 $0xFFFFCE00  }
0xae: {  	[tilespmem:s18], [sflag:$0x1] =	stream.indirect.gather [hbm4b:s2+s21], $0x80, s1, s21, $0xb8;
	[tilespmem:$0x1F800] =	vst v63  }
0xaf: {  	_ =	swait.ge [sflag:s19], $0x3200  }
0xb0: {  	[sflag:s19] =	ssyncset.done $0x0  }
0xb1: {  	s30 =	sadd.s32 $0x3480, s29;
	[sflag:s19] =	ssyncadd.s32 $0xFFFFCE00  }
0xb2: {  	[spmem:s3] =	stream.indirect.scatter.add.f32 [tilespmem:s22], [sflag:$0x3], $0x80, s30, s21, $0xb8;
	[tilespmem:$0x1F800] =	vst v63  }
0xb3: {  	_ =	swait.ge [sflag:s23], $0x3200  }
0xb4: {  	[sflag:s23] =	ssyncset.done $0x0  }
0xb5: {  	[sflag:s23] =	ssyncadd.s32 $0xFFFFCE00  }
0xb6: {  	[tilespmem:s22], [sflag:$0x2] =	stream.indirect.gather [hbm4b:s2+s21], $0x80, s24, s21, $0xb8;
	[tilespmem:$0x1F800] =	vst v63  }
0xb7: {  	_ =	swait.ge [sflag:s20], $0x3200  }
0xb8: {  	[sflag:s20] =	ssyncset.done $0x0  }
0xb9: {  	[sflag:s20] =	ssyncadd.s32 $0xFFFFCE00  }
0xba: {  	[spmem:s3] =	stream.indirect.scatter.add.f32 [tilespmem:s18], [sflag:$0x3], $0x80, s25, s21, $0xb8;
	[tilespmem:$0x1F800] =	vst v63  }
0xbb: {  	_ =	swait.ge [sflag:s23], $0x3200  }
0xbc: {  	[sflag:s23] =	ssyncset.done $0x0  }
0xbd: {  	[sflag:s23] =	ssyncadd.s32 $0xFFFFCE00  }
0xbe: {  	_ =	swait.ge [sflag:s19], $0x3200  }
0xbf: {  	[sflag:s19] =	ssyncset.done $0x0  }
0xc0: {  	[sflag:s19] =	ssyncadd.s32 $0xFFFFCE00  }
0xc1: {  	[spmem:s3] =	stream.indirect.scatter.add.f32 [tilespmem:s22], [sflag:$0x3], $0x80, s26, s21, $0xb8;
	[tilespmem:$0x1F800] =	vst v63  }
0xc2: {  	s31 =	stileid.u32;
	_ =	swait.ge [sflag:s23], $0x3200  }
0xc3: {  	s28 =	sadd.s32 $0x1, s28;
	s0 =	sshll.u32 s31, $0x6;
	[sflag:s23] =	ssyncset.done $0x0  }
0xc4: {  	p0 =	sne.s32 s28, s16;
	s0 =	sor.u32 $0x1C03, s0;
	[sflag:s23] =	ssyncadd.s32 $0xFFFFCE00  }
.Ltmp3:
0xc5: {  	s1 =	sshrl.u32 s6, $0x3;
	[bflag:$0x0] =	sbarrier.arrive $0xFFFF;
	(pc) =	sbr.rel @p0 .LBB2_1-.Ltmp3, $4  }
0xc6: {  	[hbm:s15], [sflag:s0] =	dma.local [spmem:s1], $0x2800  }
0xc7: {  	_ =	swait.ge [sflag:s23], $0x2800  }
0xc8: {  	[sflag:s23] =	ssyncset.done $0x0  }
0xc9: {  	[sflag:s23] =	ssyncadd.s32 $0xFFFFD800  }
0xca: {  	_ =	sfence.sel $0x180000  }
0xcb: {  	[bflag:$0x0] =	sbarrier.arrive $0xFFFF  }
0xcc: {  	_ =	strace $0x9000004D  }
0xcd: {  	s0 =	stileid.u32;
	[bflag:$0x2] =	sbarrier.arrive $0xFFFF  }
0xce: {  	p0 =	sne.s32 s0, $0x0;
	s0 =	rddreg [dreg:$0x3]  }
0xcf: {  	s0 =	sadd.s32 @!p0 $0x100000, s0  }
0xd0: {  	[sflag:s0] =	ssyncadd.tile.s32 @!p0 $0x1;
	_ =	shalt  }
.Lfunc_end2:
_tile_overlayer_lowered:
.L_overlay_start_2:
0xd1: {  	(tag) =	ssettag $0x2  }
0xd2: {  	s0 =	rddreg [dreg:$0x0];
	s2 =	stileid.u32  }
0xd3: {  	s1 =	rddreg [dreg:$0x1];
	p0 =	sne.s32 s2, $0x0  }
0xd4: {  	s3 =	rddreg [dreg:$0x2];
	[bflag:$0x3] =	sbarrier.arrive $0xFFFF;
	s2 =	simm.s32 @!p0 $0x1C03  }
0xd5: {  	[timem:s3], [sflag:s2] =	dma.local @!p0 [hbm:s0], s1  }
0xd6: {  	s0 =	simm.s32 @!p0 $0x3  }
0xd7: {  	_ =	swait.ge @!p0 [sflag:s0], s1  }
0xd8: {  	s1 =	ssub.s32 @!p0 $0x0, s1;
	[sflag:s0] =	ssyncset.done @!p0 $0x0  }
0xd9: {  	[sflag:s0] =	ssyncadd.s32 @!p0 s1  }
0xda: {  	[bflag:$0x3] =	sbarrier.arrive $0xFFFF  }
0xdb: {  	_ =	shalt  }

// kernel: _run.8.cloned.1.call-start
scs
__scs_entry_jumppad:
0x0: {  	(pc) =	sbr.rel $0x88, $3  }
0x1: {  	(tag) =	ssettag $0x0;
	lr =	simm.s32 $0x1  }
0x2: {  	[smem:$0x3F99] =	sst lr;
	_ =	strace $0xD0000000  }
0x3: {  	_ = 	snop  }
0x4: {  	_ = 	snop  }
0x5: {  	_ = 	snop  }
0x6: {  	_ = 	snop  }
0x7: {  	_ = 	snop  }
__scs_overlays_trampoline_lowered:
0x8: {  	[smem:$0x3FA8] =	sst s0  }
0x9: {  	[smem:$0x3FA9] =	sst s1  }
0xa: {  	[smem:$0x3FAA] =	sst s2  }
0xb: {  	[smem:$0x3FAB] =	sst s3  }
0xc: {  	[smem:$0x3FAC] =	sst s4  }
0xd: {  	[smem:$0x3FAD] =	sst s5  }
0xe: {  	[smem:$0x3FAE] =	sst s6  }
0xf: {  	[smem:$0x3FAF] =	sst s7  }
0x10: {  	[smem:$0x3FB0] =	sst s8  }
0x11: {  	[smem:$0x3FB1] =	sst s9;
	s0 =	simm.s32 @!p0 $0x0  }
0x12: {  	s1 =	sld [smem:$0x3F97];
	s0 =	simm.s32 @p0 $0x1  }
0x13: {  	[smem:$0x3FB2] =	sst s0;
	s0 =	simm.s32 @!p1 $0x0  }
0x14: {  	s2 =	sld [smem:$0x3F96];
	s0 =	simm.s32 @p1 $0x1  }
0x15: {  	[smem:$0x3FB3] =	sst s0;
	s0 =	simm.s32 @!p2 $0x0  }
0x16: {  	s3 =	sld [smem:$0x3FDB];
	s0 =	simm.s32 @p2 $0x1  }
0x17: {  	s4 =	simm.s32 $0x1BF5;
	[smem:$0x3FB5] =	sst s0  }
0x18: {  	s0 =	sld [smem:$0x3F98];
	_ =	swait.ge [sflag:s4], $0x0  }
0x19: {  	s7 =	sld [smem:$0x3F99]  }
0x1a: {  	s8 =	sadd.s32 $0xFFFFE003, lr  }
0x1b: {  	s9 =	sadd.s32 $0xFFFFFEF7, lr;
	s5 =	simm.s32 $0xFFFFFFFF;
	p2 =	slt.u32 s8, $0xFFFFF086  }
0x1c: {  	p1 =	slt.u32 s9, $0xF7A;
	s5 =	simm.s32 @!p2 $0x0  }
0x1d: {  	s5 =	simm.s32 @p1 $0x1;
	p0 =	seq.s32 s7, s2  }
0x1e: {  	s7 =	smul.u32 @!p0 $0xF7A, s2;
	p2 =	seq.s32 @!p0 s5, $0x0  }
0x1f: {  	s9 =	smul.u32 $0xF7A, s1;
	s8 =	simm.s32 @!p0 $0x1BF5;
	p2 =	por !p2, p0  }
0x20: {  	[sflag:s8] =	ssyncset.s32 @!p0 $0xFFFFF086;
	s6 =	sadd.s32 @!p0 s3, s7;
	s7 =	simm.s32 @!p0 $0x108  }
0x21: {  	s3 =	sadd.s32 s3, s9;
	s6 =	sadd.s32 @!p0 $0x88, s6;
	s7 =	simm.s32 @p2 $0x1082  }
0x22: {  	[simem:s7], [sflag:s8] =	dma.local @!p0 [hbm:s6], $0xF7A  }
0x23: {  	s9 =	sor.u32 $0xD0000000, s2;
	s6 =	simm.s32 $0x108;
	_ =	swait.ge @!p0 [sflag:s8], $0x0  }
0x24: {  	s3 =	sadd.s32 $0x88, s3;
	s6 =	simm.s32 @!p1 $0x1082;
	[sflag:s4] =	ssyncset.s32 $0xFFFFF086  }
0x25: {  	[simem:s6], [sflag:s4] =	dma.local [hbm:s3], $0xF7A  }
0x26: {  	[smem:$0x3F99] =	sst s1;
	(tag) =	ssettag s2;
	_ =	strace s9  }
0x27: {  	s1 =	sld [smem:$0x3FA9]  }
0x28: {  	s2 =	sld [smem:$0x3FAA]  }
0x29: {  	s4 =	sld [smem:$0x3FAC]  }
0x2a: {  	p0 =	seq.s32 s5, $0x0;
	s5 =	sld [smem:$0x3FAD]  }
0x2b: {  	s6 =	sld [smem:$0x3FAE]  }
0x2c: {  	s7 =	sld [smem:$0x3FAF]  }
0x2d: {  	s3 =	simm.s32 $0x108;
	s8 =	sld [smem:$0x3FB0]  }
0x2e: {  	s3 =	simm.s32 @!p0 $0x1082;
	s9 =	sld [smem:$0x3FB1]  }
0x2f: {  	lr =	sadd.s32 s0, s3;
	s0 =	sld [smem:$0x3FA8]  }
0x30: {  	s3 =	sld [smem:$0x3FAB]  }
0x31: {  	[smem:$0x3FB4] =	sst s10  }
0x32: {  	s10 =	sld [smem:$0x3FB2];
	_ =	sdelay $0x3  }
0x33: {  	p0 =	seq.s32 s10, $0x1;
	s10 =	sld [smem:$0x3FB4];
	_ =	sdelay $0x3  }
0x34: {  	[smem:$0x3FB4] =	sst s10  }
0x35: {  	s10 =	sld [smem:$0x3FB3];
	_ =	sdelay $0x3  }
0x36: {  	p1 =	seq.s32 s10, $0x1;
	s10 =	sld [smem:$0x3FB4];
	_ =	sdelay $0x3  }
0x37: {  	[smem:$0x3FB4] =	sst s10  }
0x38: {  	s10 =	sld [smem:$0x3FB5]  }
0x39: {  	_ = 	snop;
	(pc) =	sbr.ind lr, $3  }
0x3a: {  	_ = 	snop  }
0x3b: {  	_ = 	snop  }
0x3c: {  	p2 =	seq.s32 s10, $0x1;
	s10 =	sld [smem:$0x3FB4]  }
0x3d: {  	_ =	shalt  }
0x3e: {  	_ =	shalt  }
0x3f: {  	_ =	shalt  }
0x40: {  	_ =	shalt  }
0x41: {  	_ =	shalt  }
0x42: {  	_ =	shalt  }
0x43: {  	_ =	shalt  }
0x44: {  	_ =	shalt  }
0x45: {  	_ =	shalt  }
0x46: {  	_ =	shalt  }
0x47: {  	_ =	shalt  }
0x48: {  	_ =	shalt  }
0x49: {  	_ =	shalt  }
0x4a: {  	_ =	shalt  }
0x4b: {  	_ =	shalt  }
0x4c: {  	_ =	shalt  }
0x4d: {  	_ =	shalt  }
0x4e: {  	_ =	shalt  }
0x4f: {  	_ =	shalt  }
0x50: {  	_ =	shalt  }
0x51: {  	_ =	shalt  }
0x52: {  	_ =	shalt  }
0x53: {  	_ =	shalt  }
0x54: {  	_ =	shalt  }
0x55: {  	_ =	shalt  }
0x56: {  	_ =	shalt  }
0x57: {  	_ =	shalt  }
0x58: {  	_ =	shalt  }
0x59: {  	_ =	shalt  }
0x5a: {  	_ =	shalt  }
0x5b: {  	_ =	shalt  }
0x5c: {  	_ =	shalt  }
0x5d: {  	_ =	shalt  }
0x5e: {  	_ =	shalt  }
0x5f: {  	_ =	shalt  }
0x60: {  	_ =	shalt  }
0x61: {  	_ =	shalt  }
0x62: {  	_ =	shalt  }
0x63: {  	_ =	shalt  }
0x64: {  	_ =	shalt  }
0x65: {  	_ =	shalt  }
0x66: {  	_ =	shalt  }
0x67: {  	_ =	shalt  }
0x68: {  	_ =	shalt  }
0x69: {  	_ =	shalt  }
0x6a: {  	_ =	shalt  }
0x6b: {  	_ =	shalt  }
0x6c: {  	_ =	shalt  }
0x6d: {  	_ =	shalt  }
0x6e: {  	_ =	shalt  }
0x6f: {  	_ =	shalt  }
0x70: {  	_ =	shalt  }
0x71: {  	_ =	shalt  }
0x72: {  	_ =	shalt  }
0x73: {  	_ =	shalt  }
0x74: {  	_ =	shalt  }
0x75: {  	_ =	shalt  }
0x76: {  	_ =	shalt  }
0x77: {  	_ =	shalt  }
0x78: {  	_ =	shalt  }
0x79: {  	_ =	shalt  }
0x7a: {  	_ =	shalt  }
0x7b: {  	_ =	shalt  }
0x7c: {  	_ =	shalt  }
0x7d: {  	_ =	shalt  }
0x7e: {  	_ =	shalt  }
0x7f: {  	_ =	shalt  }
0x80: {  	_ =	shalt  }
0x81: {  	_ =	shalt  }
0x82: {  	_ =	shalt  }
0x83: {  	_ =	shalt  }
0x84: {  	_ =	shalt  }
0x85: {  	_ =	shalt  }
0x86: {  	_ =	shalt  }
0x87: {  	_ =	shalt  }
.Lfunc_end0:
.L_simem_size_0:
called_computation_lowered:
.L_overlay_start_0:
0x88: {  	s2 =	sld [smem:$0x3FD9]  }
0x89: {  	s3 =	sld [smem:$0x3FFE];
	_ =	sdelay $0x1  }
0x8a: {  	s1 =	srdreg.scid  }
0x8b: {  	s0 =	sand.u32 $0x1, s1  }
0x8c: {  	s17 =	sshll.u32 s0, $0xA;
	s2 =	sadd.s32 s3, s2  }
0x8d: {  	s2 =	sadd.s32 s2, s17  }
0x8e: {  	[smem:$0x3FC0] =	sst s2  }
0x8f: {  	_ = 	snop  }
0x90: {  	s2 =	sld [smem:$0x3FD0];
	(tm) =	ssettm $0x1  }
0x91: {  	s18 =	sld [smem:$0x3FFB];
	_ =	sdelay $0x3  }
0x92: {  	_ =	strace s18  }
0x93: {  	s3 =	sld [smem:$0x3FFC];
	_ =	sdelay $0x3  }
0x94: {  	_ =	strace s3  }
0x95: {  	s3 =	sld [smem:$0x3FFD];
	_ =	sdelay $0x3  }
0x96: {  	_ =	strace s3  }
0x97: {  	_ =	strace $0x8FFFFFFF  }
0x98: {  	s19 =	sld [smem:$0x3FDB];
	_ =	sdelay $0x1  }
0x99: {  	s4 =	simm.s32 $_scs_section_size  }
0x9a: {  	s5 =	simm.s32 $_size__tile_overlayer_lowered;
	s6 =	simm.s32 $_tile_overlayer_lowered  }
0x9b: {  	s22 =	simm.s32 $0x1BFF;
	s21 =	sshll.u32 s6, $0x1;
	s3 =	sadd.s32 s4, s19  }
0x9c: {  	s7 =	simm.s32 $0x0;
	s20 =	sshll.u32 s5, $0x1;
	s5 =	sadd.s32 s21, s3  }
0x9d: {  	[timem:s7], [sflag:s22] =	dma.local [hbm:s5], s20  }
0x9e: {  	_ =	swait.ge [sflag:s22], s20  }
0x9f: {  	s4 =	ssub.s32 $0x0, s20;
	[sflag:s22] =	ssyncset.done $0x0  }
0xa0: {  	[sflag:s22] =	ssyncadd.s32 s4;
	_ =	sdelay $0x1  }
0xa1: {  	s23 =	simm.s32 $0x1B8B  }
0xa2: {  	_ =	swait.ge [sflag:s23], $0x1  }
0xa3: {  	[sflag:s23] =	ssyncset.done $0x0  }
0xa4: {  	s25 =	simm.s32 $0x1B8E;
	s24 =	sld [smem:$0x3FFE];
	[sflag:s23] =	ssyncadd.s32 $0xFFFFFFFF  }
0xa5: {  	s26 =	simm.s32 $execute0_lowered;
	[smem:$0x3FD2] =	sst s25  }
0xa6: {  	s5 =	sshll.u32 s26, $0x1;
	_ =	strace $0x80000046;
	[dreg:$0x1] =	wrdreg $0xFFFFFFFF  }
0xa7: {  	s28 =	simm.s32 $_size_execute0_lowered;
	s3 =	sadd.s32 s3, s5;
	[dreg:$0x0] =	wrdreg $0x0  }
0xa8: {  	s5 =	sshll.u32 s28, $0x1;
	[dreg:$0x2] =	wrdreg s3  }
0xa9: {  	[dreg:$0x3] =	wrdreg s5  }
0xaa: {  	[dreg:$0x4] =	wrdreg $0xC0  }
0xab: {  	_ =	task [dreg:s7], $0x5FFFF  }
0xac: {  	[dreg:$0x1] =	wrdreg $0xFFFFFFFF  }
0xad: {  	[dreg:$0x0] =	wrdreg $0x60  }
0xae: {  	[dreg:$0x2] =	wrdreg s2  }
0xaf: {  	[dreg:$0x3] =	wrdreg s24  }
0xb0: {  	[dreg:$0x4] =	wrdreg $0x2B000  }
0xb1: {  	[dreg:$0x5] =	wrdreg $0x9  }
0xb2: {  	_ =	task.clear_ibuf [dreg:s7], $0x6FFFF;
	_ =	strace $0x90000046  }
0xb3: {  	s29 =	simm.s32 $0x9;
	_ =	strace $0x80000048  }
0xb4: {  	_ =	swait.ge [sflag:s29], $0x1  }
0xb5: {  	[sflag:s29] =	ssyncadd.s32 $0xFFFFFFFF  }
0xb6: {  	_ =	strace $0x90000048  }
0xb7: {  	_ =	sfence  }
0xb8: {  	s30 =	sld [smem:$0x0];
	_ =	sdelay $0x2  }
0xb9: {  	s31 =	sshll.u32 s1, $0xD;
	s1 =	sshrl.u32 s1, $0x2  }
0xba: {  	s3 =	sand.u32 $0x4000, s31;
	s1 =	sadd.s32 s1, s30  }
0xbb: {  	s0 =	sor.u32 s3, s0;
	s1 =	sshll.u32 s1, $0x11  }
0xbc: {  	s0 =	sor.u32 s1, s0  }
0xbd: {  	s0 =	sadd.s32 $0x8F2B, s0  }
0xbe: {  	[sflag:s0] =	ssyncadd.remote.s32 $0x1  }
0xbf: {  	_ =	sfence.sel $0xFFFF  }
0xc0: {  	[dreg:$0x0] =	wrdreg $0xFFFFFFFF;
	(pc) =	sbr.abs _section_cstart, $3  }
0xc1: {  	[dreg:$0x1] =	wrdreg $0xFFFFFFFF  }
0xc2: {  	_ =	task.clear_ibuf [dreg:s7], $0x2FFFF;
	_ =	strace $0x9FFFFFFF  }
0xc3: {  	(tm) =	ssettm $0x7FFFFFFF  }
tec
execute0_lowered:
.L_overlay_start_1:
0x0: {  	(tag) =	ssettag $0x1  }
0x1: {  	s4 =	rddreg [dreg:$0x0]  }
0x2: {  	s5 =	rddreg [dreg:$0x1]  }
0x3: {  	s2 =	rddreg [dreg:$0x2]  }
0x4: {  	s0 =	rddreg [dreg:$0x3];
	s6 =	srdreg.scid  }
0x5: {  	s1 =	stileid.u32;
	s3 =	simm.s32 $0x0;
	s11 =	simm.s32 $0x7D  }
0x6: {  	s12 =	simm.s32 $0x2800;
	s15 =	simm.s32 $0x20;
	s16 =	simm.s32 $0x10  }
0x7: {  	s17 =	simm.s32 $0x0;
	s6 =	sand.u32 $0x1, s6;
	s7 =	smul.u32 $0x500, s1  }
0x8: {  	[smem:$0x7FF] =	sst s3;
	s9 =	smul.u32 $0xA00, s1;
	s13 =	sshll.u32 s1, $0x6  }
0x9: {  	s8 =	sshll.u32 s6, $0x7;
	_ =	strace $0x80000047;
	s30 =	sshll.u32 s6, $0x4  }
0xa: {  	s6 =	ssub.s32 $0x2, s6;
	s13 =	sor.u32 $0x1C02, s13;
	s7 =	sor.u32 s8, s7  }
0xb: {  	s8 =	sor.u32 s1, s30;
	s10 =	sshrl.u32 s6, $0x1;
	s31 =	sshrl.u32 s9, $0x2  }
0xc: {  	s9 =	simm.s32 $0x2;
	s7 =	sshrl.u32 s7, $0x3;
	s8 =	smul.u32 $0x500, s8  }
0xd: {  	s10 =	ssub.s32 s6, s10;
	s7 =	sadd.s32 s7, s5;
	s5 =	sadd.s32 s31, s2  }
0xe: {  	s4 =	sadd.s32 s4, s8;
	s6 =	sadd.s32 $0x2000, s7;
	s7 =	smax.u32 s10, $0x1  }
0xf: {  	v0 =	vimm.f32 $0.0e+00;
	v1 =	vimm.f32 $1.000000000e+00;
	s8 =	simm.s32 $0x2880;
	s10 =	simm.s32 $0x1;
	s14 =	sshrl.u32 s5, $0x3  }
.LBB2_1:
0x10: {  	[tilespmem:s3], [sflag:$0x1] =	stream.linear.gather [hbm4b:s4+s3], $0x2800, $0x38;
	[tilespmem:$0x2D80] =	vst v63  }
0x11: {  	[tilespmem:$0x2880] =	vst v0  }
0x12: {  	[tilespmem:$0x2890] =	vst v0  }
0x13: {  	[tilespmem:$0x28A0] =	vst v0  }
0x14: {  	[tilespmem:$0x28B0] =	vst v0  }
0x15: {  	[tilespmem:$0x28C0] =	vst v0  }
0x16: {  	[tilespmem:$0x28D0] =	vst v0  }
0x17: {  	[tilespmem:$0x28E0] =	vst v0  }
0x18: {  	[tilespmem:$0x28F0] =	vst v0  }
0x19: {  	[tilespmem:$0x2900] =	vst v0  }
0x1a: {  	[tilespmem:$0x2910] =	vst v0  }
0x1b: {  	[tilespmem:$0x2920] =	vst v0  }
0x1c: {  	[tilespmem:$0x2930] =	vst v0  }
0x1d: {  	[tilespmem:$0x2940] =	vst v0  }
0x1e: {  	[tilespmem:$0x2950] =	vst v0  }
0x1f: {  	[tilespmem:$0x2960] =	vst v0  }
0x20: {  	[tilespmem:$0x2970] =	vst v0  }
0x21: {  	[tilespmem:$0x2980] =	vst v0  }
0x22: {  	[tilespmem:$0x2990] =	vst v0  }
0x23: {  	[tilespmem:$0x29A0] =	vst v0  }
0x24: {  	[tilespmem:$0x29B0] =	vst v0  }
0x25: {  	[tilespmem:$0x29C0] =	vst v0  }
0x26: {  	[tilespmem:$0x29D0] =	vst v0  }
0x27: {  	[tilespmem:$0x29E0] =	vst v0  }
0x28: {  	[tilespmem:$0x29F0] =	vst v0  }
0x29: {  	[tilespmem:$0x2A00] =	vst v0  }
0x2a: {  	[tilespmem:$0x2A10] =	vst v0  }
0x2b: {  	[tilespmem:$0x2A20] =	vst v0  }
0x2c: {  	[tilespmem:$0x2A30] =	vst v0  }
0x2d: {  	[tilespmem:$0x2A40] =	vst v0  }
0x2e: {  	[tilespmem:$0x2A50] =	vst v0  }
0x2f: {  	[tilespmem:$0x2A60] =	vst v0  }
0x30: {  	[tilespmem:$0x2A70] =	vst v0  }
0x31: {  	[tilespmem:$0x2A80] =	vst v0  }
0x32: {  	[tilespmem:$0x2A90] =	vst v0  }
0x33: {  	[tilespmem:$0x2AA0] =	vst v0  }
0x34: {  	[tilespmem:$0x2AB0] =	vst v0  }
0x35: {  	[tilespmem:$0x2AC0] =	vst v0  }
0x36: {  	[tilespmem:$0x2AD0] =	vst v0  }
0x37: {  	[tilespmem:$0x2AE0] =	vst v0  }
0x38: {  	[tilespmem:$0x2AF0] =	vst v0  }
0x39: {  	[spmem:s5] =	stream.linear.scatter [tilespmem:s8], [sflag:$0x2], $0x280, $0x38;
	[tilespmem:$0x2D80] =	vst v63  }
0x3a: {  	_ =	swait.ge [sflag:s9], $0x280  }
0x3b: {  	[sflag:s9] =	ssyncset.done $0x0  }
0x3c: {  	[sflag:s9] =	ssyncadd.s32 $0xFFFFFD80  }
0x3d: {  	[tilespmem:$0x2800] =	vst v1  }
0x3e: {  	[tilespmem:$0x2810] =	vst v1  }
0x3f: {  	[tilespmem:$0x2820] =	vst v1  }
0x40: {  	[tilespmem:$0x2830] =	vst v1  }
0x41: {  	[tilespmem:$0x2840] =	vst v1  }
0x42: {  	[tilespmem:$0x2850] =	vst v1  }
0x43: {  	[tilespmem:$0x2860] =	vst v1  }
0x44: {  	[tilespmem:$0x2870] =	vst v1  }
0x45: {  	_ =	swait.ge [sflag:s10], $0x2800  }
0x46: {  	[sflag:s10] =	ssyncset.done $0x0  }
0x47: {  	[sflag:s10] =	ssyncadd.s32 $0xFFFFD800  }
0x48: {  	s18 =	simm.s32 $0x0;
	[bflag:$0x0] =	sbarrier.arrive $0xFFFF  }
.LBB2_2:
0x49: {  	p0 =	sne.s32 s18, $0x9E00  }
.Ltmp0:
0x4a: {  	_ = 	snop;
	(pc) =	sbr.rel @p0 .LBB2_2-.Ltmp0, $3  }
0x4b: {  	_ =	sdelay $0x1  }
0x4c: {  	s19 =	sshra.s32 s18, $0x2;
	s18 =	sadd.s32 $0x200, s18  }
0x4d: {  	[spmem:s2] =	stream.indirect.scatter.add.f32 [tilespmem:s12], [sflag:$0x1], $0x1, s19, s11, $0xb8;
	[tilespmem:$0x2D80] =	vst v63  }
0x4e: {  	_ =	swait.ge [sflag:s10], $0x7D  }
0x4f: {  	s18 =	simm.s32 $0x4F;
	[sflag:s10] =	ssyncset.done $0x0  }
.LBB2_4:
0x50: {  	p0 =	sne.s32 s18, $0x1;
	s18 =	sadd.s32 $0xFFFFFFFF, s18;
	[sflag:s10] =	ssyncadd.s32 $0xFFFFFF83  }
.Ltmp1:
0x51: {  	(pc) =	sbr.rel @p0 .LBB2_4-.Ltmp1, $3  }
0x52: {  	_ =	sdelay $0x1  }
0x53: {  	_ =	swait.ge [sflag:s10], $0x7D  }
0x54: {  	[sflag:s10] =	ssyncset.done $0x0  }
0x55: {  	s17 =	sadd.s32 $0x1, s17  }
0x56: {  	[sflag:s10] =	ssyncadd.s32 $0xFFFFFF83;
	p0 =	sne.s32 s17, s7  }
.Ltmp2:
0x57: {  	[bflag:$0x0] =	sbarrier.arrive $0xFFFF;
	(pc) =	sbr.rel @p0 .LBB2_1-.Ltmp2, $4  }
0x58: {  	[hbm:s6@s15], [sflag:s13] =	dma.strided [spmem:s14@s16], $0x50, s10, $0x10   }
0x59: {  	_ =	swait.ge [sflag:s9], $0x50  }
0x5a: {  	[sflag:s9] =	ssyncset.done $0x0  }
0x5b: {  	[sflag:s9] =	ssyncadd.s32 $0xFFFFFFB0  }
0x5c: {  	_ =	sfence.sel $0x180000  }
0x5d: {  	[bflag:$0x0] =	sbarrier.arrive $0xFFFF  }
0x5e: {  	p0 =	sne.s32 s1, $0x0;
	_ =	strace $0x90000047  }
0x5f: {  	s0 =	sadd.s32 @!p0 $0x100000, s0;
	[bflag:$0x2] =	sbarrier.arrive $0xFFFF  }
0x60: {  	[sflag:s0] =	ssyncadd.tile.s32 @!p0 $0x1;
	_ =	shalt  }
.Lfunc_end2:
_tile_overlayer_lowered:
.L_overlay_start_2:
0x61: {  	(tag) =	ssettag $0x2  }
0x62: {  	s0 =	rddreg [dreg:$0x0];
	s2 =	stileid.u32  }
0x63: {  	s1 =	rddreg [dreg:$0x1];
	p0 =	sne.s32 s2, $0x0  }
0x64: {  	s3 =	rddreg [dreg:$0x2];
	[bflag:$0x3] =	sbarrier.arrive $0xFFFF;
	s2 =	simm.s32 @!p0 $0x1C02  }
0x65: {  	[timem:s3], [sflag:s2] =	dma.local @!p0 [hbm:s0], s1  }
0x66: {  	s0 =	simm.s32 @!p0 $0x2  }
0x67: {  	_ =	swait.ge @!p0 [sflag:s0], s1  }
0x68: {  	s1 =	ssub.s32 @!p0 $0x0, s1;
	[sflag:s0] =	ssyncset.done @!p0 $0x0  }
0x69: {  	[sflag:s0] =	ssyncadd.s32 @!p0 s1  }
0x6a: {  	[bflag:$0x3] =	sbarrier.arrive $0xFFFF  }
0x6b: {  	_ =	shalt  }

</sc_bundles>
